<compile_context>
chip_gen: v7x
topology: tpu7x:2x2x1
jax: 0.10.2.dev20260603
libtpu: 0.0.44.dev20260713+nightly
codegen_flags: <defaults>
</compile_context>

<pallas_src>
import functools

import jax
import jax.numpy as jnp
from jax import lax
from jax.experimental import pallas as pl
from jax.experimental.pallas import tpu as pltpu
from jax.experimental.pallas import tpu_sc as plsc

V = 1000000
F = 26
D = 32
B = 4096
BF = B * F

_NC = 2
_NS = 16
_NW = _NC * _NS

_TW = 512
_VFULL = (V // 128) * 128
_NST = _VFULL // _TW
_NPAIR = (_NST // _NW + 1 + 1) // 2
_TAIL = V - _VFULL
_OUTW = _TW * D


def _shuffle(in_buf, out_buf, iota, iota_d):
    def body_d0(d0, _):
        dvec = lax.rem(d0 + iota, D)
        for k in range(_TW // 16):
            v = plsc.load_gather(in_buf, [dvec, iota + k * 16])
            plsc.store_scatter(out_buf, [iota_d + (k * 16 * D) + dvec], v)
        return 0
    lax.fori_loop(0, D, body_d0, 0)


def _k1_body(emb_t, tail, out, in_a, in_b, out_a, out_b, tail_v,
             sem_a, sem_b, sem_oa, sem_ob):
    wid = lax.axis_index("s") * _NC + lax.axis_index("c")
    nst = jnp.where(wid < _NST - (_NST // _NW) * _NW, _NST // _NW + 1,
                    _NST // _NW)
    iota = lax.iota(jnp.int32, 16)
    iota_d = iota * D
    pltpu.async_copy(emb_t.at[:, pl.ds(wid * _TW, _TW)], in_a, sem_a)

    def pair(j, _):
        ia = 2 * j
        ib = 2 * j + 1
        sa = wid + _NW * ia
        sb = wid + _NW * ib

        @pl.when(ib < nst)
        def _():
            pltpu.async_copy(emb_t.at[:, pl.ds(sb * _TW, _TW)], in_b, sem_b)

        pltpu.make_async_copy(emb_t.at[:, pl.ds(0, _TW)], in_a, sem_a).wait()

        @pl.when(j > 0)
        def _():
            pltpu.make_async_copy(
                out_a, out.at[pl.ds(0, _OUTW)], sem_oa).wait()

        _shuffle(in_a, out_a, iota, iota_d)
        pltpu.async_copy(out_a, out.at[pl.ds(sa * _OUTW, _OUTW)], sem_oa)

        @pl.when(ia + 2 < nst)
        def _():
            pltpu.async_copy(
                emb_t.at[:, pl.ds((wid + _NW * (ia + 2)) * _TW, _TW)],
                in_a, sem_a)

        @pl.when(ib < nst)
        def _():
            pltpu.make_async_copy(
                emb_t.at[:, pl.ds(0, _TW)], in_b, sem_b).wait()

            @pl.when(j > 0)
            def _():
                pltpu.make_async_copy(
                    out_b, out.at[pl.ds(0, _OUTW)], sem_ob).wait()

            _shuffle(in_b, out_b, iota, iota_d)
            pltpu.async_copy(out_b, out.at[pl.ds(sb * _OUTW, _OUTW)], sem_ob)

        return 0

    lax.fori_loop(0, _NPAIR, pair, 0)
    pltpu.make_async_copy(out_a, out.at[pl.ds(0, _OUTW)], sem_oa).wait()
    pltpu.make_async_copy(out_b, out.at[pl.ds(0, _OUTW)], sem_ob).wait()

    @pl.when(wid == 0)
    def _():
        pltpu.sync_copy(tail, tail_v)
        pltpu.sync_copy(tail_v, out.at[pl.ds(_VFULL * D, _TAIL * D)])


_k1 = functools.partial(
    pl.kernel,
    out_type=jax.ShapeDtypeStruct((V * D,), jnp.float32),
    mesh=plsc.VectorSubcoreMesh(core_axis_name="c", subcore_axis_name="s"),
    scratch_types=[
        pltpu.VMEM((D, _TW), jnp.float32),
        pltpu.VMEM((D, _TW), jnp.float32),
        pltpu.VMEM((_OUTW,), jnp.float32),
        pltpu.VMEM((_OUTW,), jnp.float32),
        pltpu.VMEM((_TAIL * D,), jnp.float32),
        pltpu.SemaphoreType.DMA,
        pltpu.SemaphoreType.DMA,
        pltpu.SemaphoreType.DMA,
        pltpu.SemaphoreType.DMA,
    ],
    compiler_params=pltpu.CompilerParams(use_tc_tiling_on_sc=True,
                                         needs_layout_passes=False),
)(_k1_body)

_BPW = BF // _NW
_CH = 416
_NCHUNK = _BPW // _CH


def _sc_gather_body(idx_hbm, emb_tab, lin_tab, emb_out, lin_out,
                    idx_v, rows0, rows1, lin_v, sem_e0, sem_e1, sem_l):
    wid = lax.axis_index("s") * _NC + lax.axis_index("c")
    base = wid * _BPW
    pltpu.sync_copy(idx_hbm.at[pl.ds(base, _BPW)], idx_v)
    cp_l = pltpu.async_copy(lin_tab.at[idx_v], lin_v, sem_l)
    bufs = (rows0, rows1)
    sems = (sem_e0, sem_e1)
    cps = [None, None]
    cps[0] = pltpu.async_copy(
        emb_tab.at[idx_v.at[pl.ds(0, _CH)]], rows0, sem_e0)
    for j in range(_NCHUNK):
        cur = j % 2
        if j + 1 < _NCHUNK:
            nxt = (j + 1) % 2
            cps[nxt] = pltpu.async_copy(
                emb_tab.at[idx_v.at[pl.ds((j + 1) * _CH, _CH)]],
                bufs[nxt], sems[nxt])
        cps[cur].wait()
        pltpu.sync_copy(bufs[cur], emb_out.at[pl.ds(base + j * _CH, _CH)])
    cp_l.wait()
    pltpu.sync_copy(lin_v, lin_out.at[pl.ds(base, _BPW)])


_sc_gather = functools.partial(
    pl.kernel,
    out_type=[
        jax.ShapeDtypeStruct((BF, D), jnp.float32),
        jax.ShapeDtypeStruct((BF,), jnp.float32),
    ],
    mesh=plsc.VectorSubcoreMesh(core_axis_name="c", subcore_axis_name="s"),
    scratch_types=[
        pltpu.VMEM((_BPW,), jnp.int32),
        pltpu.VMEM((_CH, D), jnp.float32),
        pltpu.VMEM((_CH, D), jnp.float32),
        pltpu.VMEM((_BPW,), jnp.float32),
        pltpu.SemaphoreType.DMA,
        pltpu.SemaphoreType.DMA,
        pltpu.SemaphoreType.DMA,
    ],
    compiler_params=pltpu.CompilerParams(use_tc_tiling_on_sc=False),
)(_sc_gather_body)


def _mlp_body(emb_ref, lin_ref, bias_ref, w1_ref, b1_ref, g1_ref, be1_ref,
              w2_ref, b2_ref, g2_ref, be2_ref, w3_ref, b3_ref, out_ref):
    eps = 1e-5
    h = emb_ref[...]
    h = jnp.dot(h, w1_ref[...], preferred_element_type=jnp.float32) + b1_ref[...]
    mu = jnp.mean(h, axis=0, keepdims=True)
    var = jnp.mean((h - mu) ** 2, axis=0, keepdims=True)
    h = g1_ref[...] * (h - mu) * lax.rsqrt(var + eps) + be1_ref[...]
    h = jnp.maximum(h, 0.0)
    h = jnp.dot(h, w2_ref[...], preferred_element_type=jnp.float32) + b2_ref[...]
    mu = jnp.mean(h, axis=0, keepdims=True)
    var = jnp.mean((h - mu) ** 2, axis=0, keepdims=True)
    h = g2_ref[...] * (h - mu) * lax.rsqrt(var + eps) + be2_ref[...]
    h = jnp.maximum(h, 0.0)
    deep = jnp.dot(h, w3_ref[...], preferred_element_type=jnp.float32) + b3_ref[...]
    wide = jnp.sum(lin_ref[...], axis=1, keepdims=True)
    out_ref[...] = jax.nn.sigmoid(bias_ref[...] + wide + deep)


_mlp = pl.pallas_call(
    _mlp_body,
    out_shape=jax.ShapeDtypeStruct((B, 1), jnp.float32),
)


def kernel(input, linear_table, bias, emb_table, W1, b1, g1, be1,
           W2, b2, g2, be2, W3, b3):
    idx = input.reshape(BF)
    tail = emb_table[_VFULL:, :].reshape(_TAIL * D)
    flat = _k1(emb_table.T, tail)
    emb_flat, lin_flat = _sc_gather(idx, flat.reshape(V, D),
                                    linear_table.reshape(V))
    h = emb_flat.reshape(B, F * D)
    lin2 = lin_flat.reshape(B, F)
    return _mlp(h, lin2, bias.reshape(1, 1),
                W1, b1.reshape(1, D), g1.reshape(1, D), be1.reshape(1, D),
                W2, b2.reshape(1, D), g2.reshape(1, D), be2.reshape(1, D),
                W3, b3.reshape(1, 1))

# --- scband reference (transcript-rebuilt; emitter-appended) ---
"""Pipeline reference for scband-wide-and-deep-15453292331639 (READ-ONLY COPY).

The authoritative reference and input builder live on the scoring server;
editing this copy changes nothing except your own understanding.
"""

import jax, jax.numpy as jnp
import numpy as np

V = 1000000
F = 26
D = 32
B = 4096


def _lin_init(k, fan_in, shape):
    bound = (1.0 / fan_in) ** 0.5
    return jax.random.uniform(k, shape, jnp.float32, -bound, bound)


def setup_inputs(seed: int = 0):
    key = jax.random.key(seed)
    ks = jax.random.split(key, 16)
    inp = jax.random.randint(ks[0], (B, F), 0, V, dtype=jnp.int32)
    xav = (2.0 / (V + 1)) ** 0.5
    linear_table = jax.random.normal(ks[1], (V, 1), jnp.float32) * xav
    bias = jnp.zeros((1,), jnp.float32)
    emb_table = jax.random.normal(ks[2], (V, D), jnp.float32)
    W1 = _lin_init(ks[3], F * D, (F * D, D))
    b1 = _lin_init(ks[4], F * D, (D,))
    g1 = jnp.ones((D,), jnp.float32)
    be1 = jnp.zeros((D,), jnp.float32)
    W2 = _lin_init(ks[5], D, (D, D))
    b2 = _lin_init(ks[6], D, (D,))
    g2 = jnp.ones((D,), jnp.float32)
    be2 = jnp.zeros((D,), jnp.float32)
    W3 = _lin_init(ks[7], D, (D, 1))
    b3 = _lin_init(ks[8], D, (1,))
    return {"input": inp, "linear_table": linear_table, "bias": bias, "emb_table": emb_table,
            "W1": W1, "b1": b1, "g1": g1, "be1": be1,
            "W2": W2, "b2": b2, "g2": g2, "be2": be2,
            "W3": W3, "b3": b3}


def _bn(h, g, be):
    mu = jnp.mean(h, axis=0, keepdims=True)
    var = jnp.var(h, axis=0, keepdims=True)
    return g * (h - mu) / jnp.sqrt(var + 1e-5) + be


def reference(input, linear_table, bias, emb_table, W1, b1, g1, be1, W2, b2, g2, be2, W3, b3):
    # wide part: per-field scalar embedding lookup, summed over fields
    emb = jnp.take(emb_table, input, axis=0)              # [B, F, D]
    lin = jnp.sum(jnp.take(linear_table, input, axis=0), axis=1)  # [B, 1]
    # deep part: MLP over concatenated field embeddings
    h = emb.reshape(emb.shape[0], F * D)
    h = jax.nn.relu(_bn(h @ W1 + b1, g1, be1))
    h = jax.nn.relu(_bn(h @ W2 + b2, g2, be2))
    deep = h @ W3 + b3                                    # [B, 1]
    return jax.nn.sigmoid(bias + lin + deep)

if __name__ == "__main__":
    import jax
    _d = setup_inputs()
    print(jax.jit(kernel)(*tuple(_d.values())))

</pallas_src>

<mosaic_0001>
#map = affine_map<(d0, d1) -> (0, 0)>
#map1 = affine_map<(d0, d1) -> (0)>
module attributes {stable_mosaic.version = 14 : i64} {
  func.func @_k1_body(%arg0: i32, %arg1: i32, %arg2: memref<32x1000000xf32, #tpu.memory_space<hbm>>, %arg3: memref<2048xf32, #tpu.memory_space<hbm>>, %arg4: memref<32000000xf32, #tpu.memory_space<hbm>>, %arg5: memref<32x512xf32, #tpu.memory_space<vmem>>, %arg6: memref<32x512xf32, #tpu.memory_space<vmem>>, %arg7: memref<16384xf32, #tpu.memory_space<vmem>>, %arg8: memref<16384xf32, #tpu.memory_space<vmem>>, %arg9: memref<2048xf32, #tpu.memory_space<vmem>>, %arg10: memref<!tpu.dma_semaphore, #tpu.memory_space<semaphore_mem>>, %arg11: memref<!tpu.dma_semaphore, #tpu.memory_space<semaphore_mem>>, %arg12: memref<!tpu.dma_semaphore, #tpu.memory_space<semaphore_mem>>, %arg13: memref<!tpu.dma_semaphore, #tpu.memory_space<semaphore_mem>>) attributes {dimension_semantics = [#tpu.dimension_semantics<core_parallel>, #tpu.dimension_semantics<subcore_parallel>], iteration_bounds = array<i64: 2, 16>, scalar_prefetch = 0 : i64, scratch_operands = 9 : i64, tpu.core_type = #tpu.core_type<sc_vector_subcore>, window_params = [{transform_indices = #map}, {transform_indices = #map1}, {transform_indices = #map1}]} {
    %mul3A = arith.constant 2 : i32
    %mul3A_0 = arith.muli %arg1, %mul3A : i32
    %add3A = arith.addi %mul3A_0, %arg0 : i32
    %lt3A = arith.constant 1 : i32
    %lt3A_1 = arith.cmpi slt, %add3A, %lt3A : i32
    %jit3A = arith.constant 62 : i32
    %jit3A_2 = arith.constant 61 : i32
    %select_n3A = arith.select %lt3A_1, %jit3A, %jit3A_2 : i32
    %iota3A = tpu.iota {dimensions = array<i32: 0>} : vector<16xi32>
    %mul3A_3 = arith.constant 32 : i32
    %mul3A_4 = vector.broadcast %mul3A_3 : i32 to vector<16xi32>
    %mul3A_5 = arith.muli %iota3A, %mul3A_4 : vector<16xi32>
    %mul3A_6 = arith.constant 512 : i32
    %mul3A_7 = arith.muli %add3A, %mul3A_6 : i32
    %dma_start3A = arith.constant 0 : i32
    %dma_start3A_8 = tpu.memref_slice %arg2[%dma_start3A, %mul3A_7] : memref<32x1000000xf32, #tpu.memory_space<hbm>> -> memref<32x512xf32, #tpu.memory_space<hbm>>
    %dma_start3A_9 = arith.constant 0 : i32
    %dma_start3A_10 = tpu.memref_slice %arg2[%dma_start3A_9, %mul3A_7] : memref<32x1000000xf32, #tpu.memory_space<hbm>> -> memref<32x512xf32, #tpu.memory_space<hbm>>
    tpu.enqueue_dma source(%dma_start3A_10 : memref<32x512xf32, #tpu.memory_space<hbm>>) target(%arg5 : memref<32x512xf32, #tpu.memory_space<vmem>>) target_semaphore(%arg10 : memref<!tpu.dma_semaphore, #tpu.memory_space<semaphore_mem>>)
    %scan3A = arith.constant 0 : i32
    %scan3A_11 = arith.constant 0 : i32
    %scan3A_12 = arith.constant 31 : i32
    %scan3A_13 = arith.addi %scan3A_11, %scan3A_12 : i32
    %scan3A_14 = arith.constant 1 : i32
    %scan3A_15 = scf.for %scan3A_26 = %scan3A_11 to %scan3A_13 step %scan3A_14 iter_args(%scan3A_27 = %scan3A) -> (i32)  : i32 {
      %mul3A_28 = arith.constant 2 : i32
      %mul3A_29 = arith.muli %mul3A_28, %scan3A_26 : i32
      %mul3A_30 = arith.constant 2 : i32
      %mul3A_31 = arith.muli %mul3A_30, %scan3A_26 : i32
      %add3A_32 = arith.constant 1 : i32
      %add3A_33 = arith.addi %mul3A_31, %add3A_32 : i32
      %mul3A_34 = arith.constant 32 : i32
      %mul3A_35 = arith.muli %mul3A_34, %mul3A_29 : i32
      %add3A_36 = arith.addi %add3A, %mul3A_35 : i32
      %mul3A_37 = arith.constant 32 : i32
      %mul3A_38 = arith.muli %mul3A_37, %add3A_33 : i32
      %add3A_39 = arith.addi %add3A, %mul3A_38 : i32
      %lt3A_40 = arith.cmpi slt, %add3A_33, %select_n3A : i32
      %convert_element_type3A_41 = arith.extui %lt3A_40 : i1 to i32
      %cond3A_42 = arith.constant 0 : i32
      %cond3A_43 = arith.cmpi ne, %convert_element_type3A_41, %cond3A_42 : i32
      scf.if %cond3A_43 {
        %mul3A_76 = arith.constant 512 : i32
        %mul3A_77 = arith.muli %add3A_39, %mul3A_76 : i32
        %dma_start3A_78 = arith.constant 0 : i32
        %dma_start3A_79 = tpu.memref_slice %arg2[%dma_start3A_78, %mul3A_77] : memref<32x1000000xf32, #tpu.memory_space<hbm>> -> memref<32x512xf32, #tpu.memory_space<hbm>>
        %dma_start3A_80 = arith.constant 0 : i32
        %dma_start3A_81 = tpu.memref_slice %arg2[%dma_start3A_80, %mul3A_77] : memref<32x1000000xf32, #tpu.memory_space<hbm>> -> memref<32x512xf32, #tpu.memory_space<hbm>>
        tpu.enqueue_dma source(%dma_start3A_81 : memref<32x512xf32, #tpu.memory_space<hbm>>) target(%arg6 : memref<32x512xf32, #tpu.memory_space<vmem>>) target_semaphore(%arg11 : memref<!tpu.dma_semaphore, #tpu.memory_space<semaphore_mem>>)
      } else {
      }
      %dma_wait3A_44 = arith.constant 0 : i32
      %dma_wait3A_45 = arith.constant 0 : i32
      %dma_wait3A_46 = tpu.memref_slice %arg2[%dma_wait3A_44, %dma_wait3A_45] : memref<32x1000000xf32, #tpu.memory_space<hbm>> -> memref<32x512xf32, #tpu.memory_space<hbm>>
      %dma_wait3A_47 = arith.constant 0 : i32
      %dma_wait3A_48 = arith.constant 0 : i32
      %dma_wait3A_49 = tpu.memref_slice %arg2[%dma_wait3A_47, %dma_wait3A_48] : memref<32x1000000xf32, #tpu.memory_space<hbm>> -> memref<32x512xf32, #tpu.memory_space<hbm>>
      tpu.wait_dma2 semaphore(%arg10 : memref<!tpu.dma_semaphore, #tpu.memory_space<semaphore_mem>>) src(%dma_wait3A_49 : memref<32x512xf32, #tpu.memory_space<hbm>>) dst(%arg5 : memref<32x512xf32, #tpu.memory_space<vmem>>)
      %gt3A = arith.constant 0 : i32
      %gt3A_50 = arith.cmpi sgt, %scan3A_26, %gt3A : i32
      %convert_element_type3A_51 = arith.extui %gt3A_50 : i1 to i32
      %cond3A_52 = arith.constant 0 : i32
      %cond3A_53 = arith.cmpi ne, %convert_element_type3A_51, %cond3A_52 : i32
      scf.if %cond3A_53 {
        %dma_wait3A_76 = arith.constant 0 : i32
        %dma_wait3A_77 = tpu.memref_slice %arg4[%dma_wait3A_76] : memref<32000000xf32, #tpu.memory_space<hbm>> -> memref<16384xf32, #tpu.memory_space<hbm>>
        %dma_wait3A_78 = arith.constant 0 : i32
        %dma_wait3A_79 = tpu.memref_slice %arg4[%dma_wait3A_78] : memref<32000000xf32, #tpu.memory_space<hbm>> -> memref<16384xf32, #tpu.memory_space<hbm>>
        tpu.wait_dma2 semaphore(%arg12 : memref<!tpu.dma_semaphore, #tpu.memory_space<semaphore_mem>>) src(%arg7 : memref<16384xf32, #tpu.memory_space<vmem>>) dst(%dma_wait3A_79 : memref<16384xf32, #tpu.memory_space<hbm>>)
      } else {
      }
      %scan3A_54 = arith.constant 0 : i32
      %scan3A_55 = arith.constant 0 : i32
      %scan3A_56 = arith.constant 32 : i32
      %scan3A_57 = arith.addi %scan3A_55, %scan3A_56 : i32
      %scan3A_58 = arith.constant 1 : i32
      %scan3A_59 = scf.for %scan3A_76 = %scan3A_55 to %scan3A_57 step %scan3A_58 iter_args(%scan3A_77 = %scan3A_54) -> (i32)  : i32 {
        %add3A_78 = vector.broadcast %scan3A_76 : i32 to vector<16xi32>
        %add3A_79 = arith.addi %add3A_78, %iota3A : vector<16xi32>
        %rem3A = arith.constant 32 : i32
        %rem3A_80 = vector.broadcast %rem3A : i32 to vector<16xi32>
        %rem3A_81 = arith.remsi %add3A_79, %rem3A_80 : vector<16xi32>
        %add3A_82 = arith.constant 0 : i32
        %add3A_83 = vector.broadcast %add3A_82 : i32 to vector<16xi32>
        %add3A_84 = arith.addi %iota3A, %add3A_83 : vector<16xi32>
        %gather3A = tpu.vector_load_idx %arg5[%rem3A_81, %add3A_84] : memref<32x512xf32, #tpu.memory_space<vmem>>[vector<16xi32>, vector<16xi32>], vector<16xf32>,
        %add3A_85 = arith.constant 0 : i32
        %add3A_86 = vector.broadcast %add3A_85 : i32 to vector<16xi32>
        %add3A_87 = arith.addi %mul3A_5, %add3A_86 : vector<16xi32>
        %add3A_88 = arith.addi %add3A_87, %rem3A_81 : vector<16xi32>
        tpu.vector_store_idx %arg7[%add3A_88], %gather3A : memref<16384xf32, #tpu.memory_space<vmem>>[vector<16xi32>], vector<16xf32>,
        %add3A_89 = arith.constant 16 : i32
        %add3A_90 = vector.broadcast %add3A_89 : i32 to vector<16xi32>
        %add3A_91 = arith.addi %iota3A, %add3A_90 : vector<16xi32>
        %gather3A_92 = tpu.vector_load_idx %arg5[%rem3A_81, %add3A_91] : memref<32x512xf32, #tpu.memory_space<vmem>>[vector<16xi32>, vector<16xi32>], vector<16xf32>,
        %add3A_93 = arith.constant 512 : i32
        %add3A_94 = vector.broadcast %add3A_93 : i32 to vector<16xi32>
        %add3A_95 = arith.addi %mul3A_5, %add3A_94 : vector<16xi32>
        %add3A_96 = arith.addi %add3A_95, %rem3A_81 : vector<16xi32>
        tpu.vector_store_idx %arg7[%add3A_96], %gather3A_92 : memref<16384xf32, #tpu.memory_space<vmem>>[vector<16xi32>], vector<16xf32>,
        %add3A_97 = arith.constant 32 : i32
        %add3A_98 = vector.broadcast %add3A_97 : i32 to vector<16xi32>
        %add3A_99 = arith.addi %iota3A, %add3A_98 : vector<16xi32>
        %gather3A_100 = tpu.vector_load_idx %arg5[%rem3A_81, %add3A_99] : memref<32x512xf32, #tpu.memory_space<vmem>>[vector<16xi32>, vector<16xi32>], vector<16xf32>,
        %add3A_101 = arith.constant 1024 : i32
        %add3A_102 = vector.broadcast %add3A_101 : i32 to vector<16xi32>
        %add3A_103 = arith.addi %mul3A_5, %add3A_102 : vector<16xi32>
        %add3A_104 = arith.addi %add3A_103, %rem3A_81 : vector<16xi32>
        tpu.vector_store_idx %arg7[%add3A_104], %gather3A_100 : memref<16384xf32, #tpu.memory_space<vmem>>[vector<16xi32>], vector<16xf32>,
        %add3A_105 = arith.constant 48 : i32
        %add3A_106 = vector.broadcast %add3A_105 : i32 to vector<16xi32>
        %add3A_107 = arith.addi %iota3A, %add3A_106 : vector<16xi32>
        %gather3A_108 = tpu.vector_load_idx %arg5[%rem3A_81, %add3A_107] : memref<32x512xf32, #tpu.memory_space<vmem>>[vector<16xi32>, vector<16xi32>], vector<16xf32>,
        %add3A_109 = arith.constant 1536 : i32
        %add3A_110 = vector.broadcast %add3A_109 : i32 to vector<16xi32>
        %add3A_111 = arith.addi %mul3A_5, %add3A_110 : vector<16xi32>
        %add3A_112 = arith.addi %add3A_111, %rem3A_81 : vector<16xi32>
        tpu.vector_store_idx %arg7[%add3A_112], %gather3A_108 : memref<16384xf32, #tpu.memory_space<vmem>>[vector<16xi32>], vector<16xf32>,
        %add3A_113 = arith.constant 64 : i32
        %add3A_114 = vector.broadcast %add3A_113 : i32 to vector<16xi32>
        %add3A_115 = arith.addi %iota3A, %add3A_114 : vector<16xi32>
        %gather3A_116 = tpu.vector_load_idx %arg5[%rem3A_81, %add3A_115] : memref<32x512xf32, #tpu.memory_space<vmem>>[vector<16xi32>, vector<16xi32>], vector<16xf32>,
        %add3A_117 = arith.constant 2048 : i32
        %add3A_118 = vector.broadcast %add3A_117 : i32 to vector<16xi32>
        %add3A_119 = arith.addi %mul3A_5, %add3A_118 : vector<16xi32>
        %add3A_120 = arith.addi %add3A_119, %rem3A_81 : vector<16xi32>
        tpu.vector_store_idx %arg7[%add3A_120], %gather3A_116 : memref<16384xf32, #tpu.memory_space<vmem>>[vector<16xi32>], vector<16xf32>,
        %add3A_121 = arith.constant 80 : i32
        %add3A_122 = vector.broadcast %add3A_121 : i32 to vector<16xi32>
        %add3A_123 = arith.addi %iota3A, %add3A_122 : vector<16xi32>
        %gather3A_124 = tpu.vector_load_idx %arg5[%rem3A_81, %add3A_123] : memref<32x512xf32, #tpu.memory_space<vmem>>[vector<16xi32>, vector<16xi32>], vector<16xf32>,
        %add3A_125 = arith.constant 2560 : i32
        %add3A_126 = vector.broadcast %add3A_125 : i32 to vector<16xi32>
        %add3A_127 = arith.addi %mul3A_5, %add3A_126 : vector<16xi32>
        %add3A_128 = arith.addi %add3A_127, %rem3A_81 : vector<16xi32>
        tpu.vector_store_idx %arg7[%add3A_128], %gather3A_124 : memref<16384xf32, #tpu.memory_space<vmem>>[vector<16xi32>], vector<16xf32>,
        %add3A_129 = arith.constant 96 : i32
        %add3A_130 = vector.broadcast %add3A_129 : i32 to vector<16xi32>
        %add3A_131 = arith.addi %iota3A, %add3A_130 : vector<16xi32>
        %gather3A_132 = tpu.vector_load_idx %arg5[%rem3A_81, %add3A_131] : memref<32x512xf32, #tpu.memory_space<vmem>>[vector<16xi32>, vector<16xi32>], vector<16xf32>,
        %add3A_133 = arith.constant 3072 : i32
        %add3A_134 = vector.broadcast %add3A_133 : i32 to vector<16xi32>
        %add3A_135 = arith.addi %mul3A_5, %add3A_134 : vector<16xi32>
        %add3A_136 = arith.addi %add3A_135, %rem3A_81 : vector<16xi32>
        tpu.vector_store_idx %arg7[%add3A_136], %gather3A_132 : memref<16384xf32, #tpu.memory_space<vmem>>[vector<16xi32>], vector<16xf32>,
        %add3A_137 = arith.constant 112 : i32
        %add3A_138 = vector.broadcast %add3A_137 : i32 to vector<16xi32>
        %add3A_139 = arith.addi %iota3A, %add3A_138 : vector<16xi32>
        %gather3A_140 = tpu.vector_load_idx %arg5[%rem3A_81, %add3A_139] : memref<32x512xf32, #tpu.memory_space<vmem>>[vector<16xi32>, vector<16xi32>], vector<16xf32>,
        %add3A_141 = arith.constant 3584 : i32
        %add3A_142 = vector.broadcast %add3A_141 : i32 to vector<16xi32>
        %add3A_143 = arith.addi %mul3A_5, %add3A_142 : vector<16xi32>
        %add3A_144 = arith.addi %add3A_143, %rem3A_81 : vector<16xi32>
        tpu.vector_store_idx %arg7[%add3A_144], %gather3A_140 : memref<16384xf32, #tpu.memory_space<vmem>>[vector<16xi32>], vector<16xf32>,
        %add3A_145 = arith.constant 128 : i32
        %add3A_146 = vector.broadcast %add3A_145 : i32 to vector<16xi32>
        %add3A_147 = arith.addi %iota3A, %add3A_146 : vector<16xi32>
        %gather3A_148 = tpu.vector_load_idx %arg5[%rem3A_81, %add3A_147] : memref<32x512xf32, #tpu.memory_space<vmem>>[vector<16xi32>, vector<16xi32>], vector<16xf32>,
        %add3A_149 = arith.constant 4096 : i32
        %add3A_150 = vector.broadcast %add3A_149 : i32 to vector<16xi32>
        %add3A_151 = arith.addi %mul3A_5, %add3A_150 : vector<16xi32>
        %add3A_152 = arith.addi %add3A_151, %rem3A_81 : vector<16xi32>
        tpu.vector_store_idx %arg7[%add3A_152], %gather3A_148 : memref<16384xf32, #tpu.memory_space<vmem>>[vector<16xi32>], vector<16xf32>,
        %add3A_153 = arith.constant 144 : i32
        %add3A_154 = vector.broadcast %add3A_153 : i32 to vector<16xi32>
        %add3A_155 = arith.addi %iota3A, %add3A_154 : vector<16xi32>
        %gather3A_156 = tpu.vector_load_idx %arg5[%rem3A_81, %add3A_155] : memref<32x512xf32, #tpu.memory_space<vmem>>[vector<16xi32>, vector<16xi32>], vector<16xf32>,
        %add3A_157 = arith.constant 4608 : i32
        %add3A_158 = vector.broadcast %add3A_157 : i32 to vector<16xi32>
        %add3A_159 = arith.addi %mul3A_5, %add3A_158 : vector<16xi32>
        %add3A_160 = arith.addi %add3A_159, %rem3A_81 : vector<16xi32>
        tpu.vector_store_idx %arg7[%add3A_160], %gather3A_156 : memref<16384xf32, #tpu.memory_space<vmem>>[vector<16xi32>], vector<16xf32>,
        %add3A_161 = arith.constant 160 : i32
        %add3A_162 = vector.broadcast %add3A_161 : i32 to vector<16xi32>
        %add3A_163 = arith.addi %iota3A, %add3A_162 : vector<16xi32>
        %gather3A_164 = tpu.vector_load_idx %arg5[%rem3A_81, %add3A_163] : memref<32x512xf32, #tpu.memory_space<vmem>>[vector<16xi32>, vector<16xi32>], vector<16xf32>,
        %add3A_165 = arith.constant 5120 : i32
        %add3A_166 = vector.broadcast %add3A_165 : i32 to vector<16xi32>
        %add3A_167 = arith.addi %mul3A_5, %add3A_166 : vector<16xi32>
        %add3A_168 = arith.addi %add3A_167, %rem3A_81 : vector<16xi32>
        tpu.vector_store_idx %arg7[%add3A_168], %gather3A_164 : memref<16384xf32, #tpu.memory_space<vmem>>[vector<16xi32>], vector<16xf32>,
        %add3A_169 = arith.constant 176 : i32
        %add3A_170 = vector.broadcast %add3A_169 : i32 to vector<16xi32>
        %add3A_171 = arith.addi %iota3A, %add3A_170 : vector<16xi32>
        %gather3A_172 = tpu.vector_load_idx %arg5[%rem3A_81, %add3A_171] : memref<32x512xf32, #tpu.memory_space<vmem>>[vector<16xi32>, vector<16xi32>], vector<16xf32>,
        %add3A_173 = arith.constant 5632 : i32
        %add3A_174 = vector.broadcast %add3A_173 : i32 to vector<16xi32>
        %add3A_175 = arith.addi %mul3A_5, %add3A_174 : vector<16xi32>
        %add3A_176 = arith.addi %add3A_175, %rem3A_81 : vector<16xi32>
        tpu.vector_store_idx %arg7[%add3A_176], %gather3A_172 : memref<16384xf32, #tpu.memory_space<vmem>>[vector<16xi32>], vector<16xf32>,
        %add3A_177 = arith.constant 192 : i32
        %add3A_178 = vector.broadcast %add3A_177 : i32 to vector<16xi32>
        %add3A_179 = arith.addi %iota3A, %add3A_178 : vector<16xi32>
        %gather3A_180 = tpu.vector_load_idx %arg5[%rem3A_81, %add3A_179] : memref<32x512xf32, #tpu.memory_space<vmem>>[vector<16xi32>, vector<16xi32>], vector<16xf32>,
        %add3A_181 = arith.constant 6144 : i32
        %add3A_182 = vector.broadcast %add3A_181 : i32 to vector<16xi32>
        %add3A_183 = arith.addi %mul3A_5, %add3A_182 : vector<16xi32>
        %add3A_184 = arith.addi %add3A_183, %rem3A_81 : vector<16xi32>
        tpu.vector_store_idx %arg7[%add3A_184], %gather3A_180 : memref<16384xf32, #tpu.memory_space<vmem>>[vector<16xi32>], vector<16xf32>,
        %add3A_185 = arith.constant 208 : i32
        %add3A_186 = vector.broadcast %add3A_185 : i32 to vector<16xi32>
        %add3A_187 = arith.addi %iota3A, %add3A_186 : vector<16xi32>
        %gather3A_188 = tpu.vector_load_idx %arg5[%rem3A_81, %add3A_187] : memref<32x512xf32, #tpu.memory_space<vmem>>[vector<16xi32>, vector<16xi32>], vector<16xf32>,
        %add3A_189 = arith.constant 6656 : i32
        %add3A_190 = vector.broadcast %add3A_189 : i32 to vector<16xi32>
        %add3A_191 = arith.addi %mul3A_5, %add3A_190 : vector<16xi32>
        %add3A_192 = arith.addi %add3A_191, %rem3A_81 : vector<16xi32>
        tpu.vector_store_idx %arg7[%add3A_192], %gather3A_188 : memref<16384xf32, #tpu.memory_space<vmem>>[vector<16xi32>], vector<16xf32>,
        %add3A_193 = arith.constant 224 : i32
        %add3A_194 = vector.broadcast %add3A_193 : i32 to vector<16xi32>
        %add3A_195 = arith.addi %iota3A, %add3A_194 : vector<16xi32>
        %gather3A_196 = tpu.vector_load_idx %arg5[%rem3A_81, %add3A_195] : memref<32x512xf32, #tpu.memory_space<vmem>>[vector<16xi32>, vector<16xi32>], vector<16xf32>,
        %add3A_197 = arith.constant 7168 : i32
        %add3A_198 = vector.broadcast %add3A_197 : i32 to vector<16xi32>
        %add3A_199 = arith.addi %mul3A_5, %add3A_198 : vector<16xi32>
        %add3A_200 = arith.addi %add3A_199, %rem3A_81 : vector<16xi32>
        tpu.vector_store_idx %arg7[%add3A_200], %gather3A_196 : memref<16384xf32, #tpu.memory_space<vmem>>[vector<16xi32>], vector<16xf32>,
        %add3A_201 = arith.constant 240 : i32
        %add3A_202 = vector.broadcast %add3A_201 : i32 to vector<16xi32>
        %add3A_203 = arith.addi %iota3A, %add3A_202 : vector<16xi32>
        %gather3A_204 = tpu.vector_load_idx %arg5[%rem3A_81, %add3A_203] : memref<32x512xf32, #tpu.memory_space<vmem>>[vector<16xi32>, vector<16xi32>], vector<16xf32>,
        %add3A_205 = arith.constant 7680 : i32
        %add3A_206 = vector.broadcast %add3A_205 : i32 to vector<16xi32>
        %add3A_207 = arith.addi %mul3A_5, %add3A_206 : vector<16xi32>
        %add3A_208 = arith.addi %add3A_207, %rem3A_81 : vector<16xi32>
        tpu.vector_store_idx %arg7[%add3A_208], %gather3A_204 : memref<16384xf32, #tpu.memory_space<vmem>>[vector<16xi32>], vector<16xf32>,
        %add3A_209 = arith.constant 256 : i32
        %add3A_210 = vector.broadcast %add3A_209 : i32 to vector<16xi32>
        %add3A_211 = arith.addi %iota3A, %add3A_210 : vector<16xi32>
        %gather3A_212 = tpu.vector_load_idx %arg5[%rem3A_81, %add3A_211] : memref<32x512xf32, #tpu.memory_space<vmem>>[vector<16xi32>, vector<16xi32>], vector<16xf32>,
        %add3A_213 = arith.constant 8192 : i32
        %add3A_214 = vector.broadcast %add3A_213 : i32 to vector<16xi32>
        %add3A_215 = arith.addi %mul3A_5, %add3A_214 : vector<16xi32>
        %add3A_216 = arith.addi %add3A_215, %rem3A_81 : vector<16xi32>
        tpu.vector_store_idx %arg7[%add3A_216], %gather3A_212 : memref<16384xf32, #tpu.memory_space<vmem>>[vector<16xi32>], vector<16xf32>,
        %add3A_217 = arith.constant 272 : i32
        %add3A_218 = vector.broadcast %add3A_217 : i32 to vector<16xi32>
        %add3A_219 = arith.addi %iota3A, %add3A_218 : vector<16xi32>
        %gather3A_220 = tpu.vector_load_idx %arg5[%rem3A_81, %add3A_219] : memref<32x512xf32, #tpu.memory_space<vmem>>[vector<16xi32>, vector<16xi32>], vector<16xf32>,
        %add3A_221 = arith.constant 8704 : i32
        %add3A_222 = vector.broadcast %add3A_221 : i32 to vector<16xi32>
        %add3A_223 = arith.addi %mul3A_5, %add3A_222 : vector<16xi32>
        %add3A_224 = arith.addi %add3A_223, %rem3A_81 : vector<16xi32>
        tpu.vector_store_idx %arg7[%add3A_224], %gather3A_220 : memref<16384xf32, #tpu.memory_space<vmem>>[vector<16xi32>], vector<16xf32>,
        %add3A_225 = arith.constant 288 : i32
        %add3A_226 = vector.broadcast %add3A_225 : i32 to vector<16xi32>
        %add3A_227 = arith.addi %iota3A, %add3A_226 : vector<16xi32>
        %gather3A_228 = tpu.vector_load_idx %arg5[%rem3A_81, %add3A_227] : memref<32x512xf32, #tpu.memory_space<vmem>>[vector<16xi32>, vector<16xi32>], vector<16xf32>,
        %add3A_229 = arith.constant 9216 : i32
        %add3A_230 = vector.broadcast %add3A_229 : i32 to vector<16xi32>
        %add3A_231 = arith.addi %mul3A_5, %add3A_230 : vector<16xi32>
        %add3A_232 = arith.addi %add3A_231, %rem3A_81 : vector<16xi32>
        tpu.vector_store_idx %arg7[%add3A_232], %gather3A_228 : memref<16384xf32, #tpu.memory_space<vmem>>[vector<16xi32>], vector<16xf32>,
        %add3A_233 = arith.constant 304 : i32
        %add3A_234 = vector.broadcast %add3A_233 : i32 to vector<16xi32>
        %add3A_235 = arith.addi %iota3A, %add3A_234 : vector<16xi32>
        %gather3A_236 = tpu.vector_load_idx %arg5[%rem3A_81, %add3A_235] : memref<32x512xf32, #tpu.memory_space<vmem>>[vector<16xi32>, vector<16xi32>], vector<16xf32>,
        %add3A_237 = arith.constant 9728 : i32
        %add3A_238 = vector.broadcast %add3A_237 : i32 to vector<16xi32>
        %add3A_239 = arith.addi %mul3A_5, %add3A_238 : vector<16xi32>
        %add3A_240 = arith.addi %add3A_239, %rem3A_81 : vector<16xi32>
        tpu.vector_store_idx %arg7[%add3A_240], %gather3A_236 : memref<16384xf32, #tpu.memory_space<vmem>>[vector<16xi32>], vector<16xf32>,
        %add3A_241 = arith.constant 320 : i32
        %add3A_242 = vector.broadcast %add3A_241 : i32 to vector<16xi32>
        %add3A_243 = arith.addi %iota3A, %add3A_242 : vector<16xi32>
        %gather3A_244 = tpu.vector_load_idx %arg5[%rem3A_81, %add3A_243] : memref<32x512xf32, #tpu.memory_space<vmem>>[vector<16xi32>, vector<16xi32>], vector<16xf32>,
        %add3A_245 = arith.constant 10240 : i32
        %add3A_246 = vector.broadcast %add3A_245 : i32 to vector<16xi32>
        %add3A_247 = arith.addi %mul3A_5, %add3A_246 : vector<16xi32>
        %add3A_248 = arith.addi %add3A_247, %rem3A_81 : vector<16xi32>
        tpu.vector_store_idx %arg7[%add3A_248], %gather3A_244 : memref<16384xf32, #tpu.memory_space<vmem>>[vector<16xi32>], vector<16xf32>,
        %add3A_249 = arith.constant 336 : i32
        %add3A_250 = vector.broadcast %add3A_249 : i32 to vector<16xi32>
        %add3A_251 = arith.addi %iota3A, %add3A_250 : vector<16xi32>
        %gather3A_252 = tpu.vector_load_idx %arg5[%rem3A_81, %add3A_251] : memref<32x512xf32, #tpu.memory_space<vmem>>[vector<16xi32>, vector<16xi32>], vector<16xf32>,
        %add3A_253 = arith.constant 10752 : i32
        %add3A_254 = vector.broadcast %add3A_253 : i32 to vector<16xi32>
        %add3A_255 = arith.addi %mul3A_5, %add3A_254 : vector<16xi32>
        %add3A_256 = arith.addi %add3A_255, %rem3A_81 : vector<16xi32>
        tpu.vector_store_idx %arg7[%add3A_256], %gather3A_252 : memref<16384xf32, #tpu.memory_space<vmem>>[vector<16xi32>], vector<16xf32>,
        %add3A_257 = arith.constant 352 : i32
        %add3A_258 = vector.broadcast %add3A_257 : i32 to vector<16xi32>
        %add3A_259 = arith.addi %iota3A, %add3A_258 : vector<16xi32>
        %gather3A_260 = tpu.vector_load_idx %arg5[%rem3A_81, %add3A_259] : memref<32x512xf32, #tpu.memory_space<vmem>>[vector<16xi32>, vector<16xi32>], vector<16xf32>,
        %add3A_261 = arith.constant 11264 : i32
        %add3A_262 = vector.broadcast %add3A_261 : i32 to vector<16xi32>
        %add3A_263 = arith.addi %mul3A_5, %add3A_262 : vector<16xi32>
        %add3A_264 = arith.addi %add3A_263, %rem3A_81 : vector<16xi32>
        tpu.vector_store_idx %arg7[%add3A_264], %gather3A_260 : memref<16384xf32, #tpu.memory_space<vmem>>[vector<16xi32>], vector<16xf32>,
        %add3A_265 = arith.constant 368 : i32
        %add3A_266 = vector.broadcast %add3A_265 : i32 to vector<16xi32>
        %add3A_267 = arith.addi %iota3A, %add3A_266 : vector<16xi32>
        %gather3A_268 = tpu.vector_load_idx %arg5[%rem3A_81, %add3A_267] : memref<32x512xf32, #tpu.memory_space<vmem>>[vector<16xi32>, vector<16xi32>], vector<16xf32>,
        %add3A_269 = arith.constant 11776 : i32
        %add3A_270 = vector.broadcast %add3A_269 : i32 to vector<16xi32>
        %add3A_271 = arith.addi %mul3A_5, %add3A_270 : vector<16xi32>
        %add3A_272 = arith.addi %add3A_271, %rem3A_81 : vector<16xi32>
        tpu.vector_store_idx %arg7[%add3A_272], %gather3A_268 : memref<16384xf32, #tpu.memory_space<vmem>>[vector<16xi32>], vector<16xf32>,
        %add3A_273 = arith.constant 384 : i32
        %add3A_274 = vector.broadcast %add3A_273 : i32 to vector<16xi32>
        %add3A_275 = arith.addi %iota3A, %add3A_274 : vector<16xi32>
        %gather3A_276 = tpu.vector_load_idx %arg5[%rem3A_81, %add3A_275] : memref<32x512xf32, #tpu.memory_space<vmem>>[vector<16xi32>, vector<16xi32>], vector<16xf32>,
        %add3A_277 = arith.constant 12288 : i32
        %add3A_278 = vector.broadcast %add3A_277 : i32 to vector<16xi32>
        %add3A_279 = arith.addi %mul3A_5, %add3A_278 : vector<16xi32>
        %add3A_280 = arith.addi %add3A_279, %rem3A_81 : vector<16xi32>
        tpu.vector_store_idx %arg7[%add3A_280], %gather3A_276 : memref<16384xf32, #tpu.memory_space<vmem>>[vector<16xi32>], vector<16xf32>,
        %add3A_281 = arith.constant 400 : i32
        %add3A_282 = vector.broadcast %add3A_281 : i32 to vector<16xi32>
        %add3A_283 = arith.addi %iota3A, %add3A_282 : vector<16xi32>
        %gather3A_284 = tpu.vector_load_idx %arg5[%rem3A_81, %add3A_283] : memref<32x512xf32, #tpu.memory_space<vmem>>[vector<16xi32>, vector<16xi32>], vector<16xf32>,
        %add3A_285 = arith.constant 12800 : i32
        %add3A_286 = vector.broadcast %add3A_285 : i32 to vector<16xi32>
        %add3A_287 = arith.addi %mul3A_5, %add3A_286 : vector<16xi32>
        %add3A_288 = arith.addi %add3A_287, %rem3A_81 : vector<16xi32>
        tpu.vector_store_idx %arg7[%add3A_288], %gather3A_284 : memref<16384xf32, #tpu.memory_space<vmem>>[vector<16xi32>], vector<16xf32>,
        %add3A_289 = arith.constant 416 : i32
        %add3A_290 = vector.broadcast %add3A_289 : i32 to vector<16xi32>
        %add3A_291 = arith.addi %iota3A, %add3A_290 : vector<16xi32>
        %gather3A_292 = tpu.vector_load_idx %arg5[%rem3A_81, %add3A_291] : memref<32x512xf32, #tpu.memory_space<vmem>>[vector<16xi32>, vector<16xi32>], vector<16xf32>,
        %add3A_293 = arith.constant 13312 : i32
        %add3A_294 = vector.broadcast %add3A_293 : i32 to vector<16xi32>
        %add3A_295 = arith.addi %mul3A_5, %add3A_294 : vector<16xi32>
        %add3A_296 = arith.addi %add3A_295, %rem3A_81 : vector<16xi32>
        tpu.vector_store_idx %arg7[%add3A_296], %gather3A_292 : memref<16384xf32, #tpu.memory_space<vmem>>[vector<16xi32>], vector<16xf32>,
        %add3A_297 = arith.constant 432 : i32
        %add3A_298 = vector.broadcast %add3A_297 : i32 to vector<16xi32>
        %add3A_299 = arith.addi %iota3A, %add3A_298 : vector<16xi32>
        %gather3A_300 = tpu.vector_load_idx %arg5[%rem3A_81, %add3A_299] : memref<32x512xf32, #tpu.memory_space<vmem>>[vector<16xi32>, vector<16xi32>], vector<16xf32>,
        %add3A_301 = arith.constant 13824 : i32
        %add3A_302 = vector.broadcast %add3A_301 : i32 to vector<16xi32>
        %add3A_303 = arith.addi %mul3A_5, %add3A_302 : vector<16xi32>
        %add3A_304 = arith.addi %add3A_303, %rem3A_81 : vector<16xi32>
        tpu.vector_store_idx %arg7[%add3A_304], %gather3A_300 : memref<16384xf32, #tpu.memory_space<vmem>>[vector<16xi32>], vector<16xf32>,
        %add3A_305 = arith.constant 448 : i32
        %add3A_306 = vector.broadcast %add3A_305 : i32 to vector<16xi32>
        %add3A_307 = arith.addi %iota3A, %add3A_306 : vector<16xi32>
        %gather3A_308 = tpu.vector_load_idx %arg5[%rem3A_81, %add3A_307] : memref<32x512xf32, #tpu.memory_space<vmem>>[vector<16xi32>, vector<16xi32>], vector<16xf32>,
        %add3A_309 = arith.constant 14336 : i32
        %add3A_310 = vector.broadcast %add3A_309 : i32 to vector<16xi32>
        %add3A_311 = arith.addi %mul3A_5, %add3A_310 : vector<16xi32>
        %add3A_312 = arith.addi %add3A_311, %rem3A_81 : vector<16xi32>
        tpu.vector_store_idx %arg7[%add3A_312], %gather3A_308 : memref<16384xf32, #tpu.memory_space<vmem>>[vector<16xi32>], vector<16xf32>,
        %add3A_313 = arith.constant 464 : i32
        %add3A_314 = vector.broadcast %add3A_313 : i32 to vector<16xi32>
        %add3A_315 = arith.addi %iota3A, %add3A_314 : vector<16xi32>
        %gather3A_316 = tpu.vector_load_idx %arg5[%rem3A_81, %add3A_315] : memref<32x512xf32, #tpu.memory_space<vmem>>[vector<16xi32>, vector<16xi32>], vector<16xf32>,
        %add3A_317 = arith.constant 14848 : i32
        %add3A_318 = vector.broadcast %add3A_317 : i32 to vector<16xi32>
        %add3A_319 = arith.addi %mul3A_5, %add3A_318 : vector<16xi32>
        %add3A_320 = arith.addi %add3A_319, %rem3A_81 : vector<16xi32>
        tpu.vector_store_idx %arg7[%add3A_320], %gather3A_316 : memref<16384xf32, #tpu.memory_space<vmem>>[vector<16xi32>], vector<16xf32>,
        %add3A_321 = arith.constant 480 : i32
        %add3A_322 = vector.broadcast %add3A_321 : i32 to vector<16xi32>
        %add3A_323 = arith.addi %iota3A, %add3A_322 : vector<16xi32>
        %gather3A_324 = tpu.vector_load_idx %arg5[%rem3A_81, %add3A_323] : memref<32x512xf32, #tpu.memory_space<vmem>>[vector<16xi32>, vector<16xi32>], vector<16xf32>,
        %add3A_325 = arith.constant 15360 : i32
        %add3A_326 = vector.broadcast %add3A_325 : i32 to vector<16xi32>
        %add3A_327 = arith.addi %mul3A_5, %add3A_326 : vector<16xi32>
        %add3A_328 = arith.addi %add3A_327, %rem3A_81 : vector<16xi32>
        tpu.vector_store_idx %arg7[%add3A_328], %gather3A_324 : memref<16384xf32, #tpu.memory_space<vmem>>[vector<16xi32>], vector<16xf32>,
        %add3A_329 = arith.constant 496 : i32
        %add3A_330 = vector.broadcast %add3A_329 : i32 to vector<16xi32>
        %add3A_331 = arith.addi %iota3A, %add3A_330 : vector<16xi32>
        %gather3A_332 = tpu.vector_load_idx %arg5[%rem3A_81, %add3A_331] : memref<32x512xf32, #tpu.memory_space<vmem>>[vector<16xi32>, vector<16xi32>], vector<16xf32>,
        %add3A_333 = arith.constant 15872 : i32
        %add3A_334 = vector.broadcast %add3A_333 : i32 to vector<16xi32>
        %add3A_335 = arith.addi %mul3A_5, %add3A_334 : vector<16xi32>
        %add3A_336 = arith.addi %add3A_335, %rem3A_81 : vector<16xi32>
        tpu.vector_store_idx %arg7[%add3A_336], %gather3A_332 : memref<16384xf32, #tpu.memory_space<vmem>>[vector<16xi32>], vector<16xf32>,
        %scan3A_337 = arith.constant 0 : i32
        scf.yield %scan3A_337 : i32
      }
      %scan3A_60 = arith.constant 32 : i32
      %mul3A_61 = arith.constant 16384 : i32
      %mul3A_62 = arith.muli %add3A_36, %mul3A_61 : i32
      %dma_start3A_63 = tpu.memref_slice %arg4[%mul3A_62] : memref<32000000xf32, #tpu.memory_space<hbm>> -> memref<16384xf32, #tpu.memory_space<hbm>>
      %dma_start3A_64 = tpu.memref_slice %arg4[%mul3A_62] : memref<32000000xf32, #tpu.memory_space<hbm>> -> memref<16384xf32, #tpu.memory_space<hbm>>
      tpu.enqueue_dma source(%arg7 : memref<16384xf32, #tpu.memory_space<vmem>>) target(%dma_start3A_64 : memref<16384xf32, #tpu.memory_space<hbm>>) target_semaphore(%arg12 : memref<!tpu.dma_semaphore, #tpu.memory_space<semaphore_mem>>)
      %add3A_65 = arith.constant 2 : i32
      %add3A_66 = arith.addi %mul3A_29, %add3A_65 : i32
      %lt3A_67 = arith.cmpi slt, %add3A_66, %select_n3A : i32
      %convert_element_type3A_68 = arith.extui %lt3A_67 : i1 to i32
      %cond3A_69 = arith.constant 0 : i32
      %cond3A_70 = arith.cmpi ne, %convert_element_type3A_68, %cond3A_69 : i32
      scf.if %cond3A_70 {
        %add3A_76 = arith.constant 2 : i32
        %add3A_77 = arith.addi %mul3A_29, %add3A_76 : i32
        %mul3A_78 = arith.constant 32 : i32
        %mul3A_79 = arith.muli %mul3A_78, %add3A_77 : i32
        %add3A_80 = arith.addi %add3A, %mul3A_79 : i32
        %mul3A_81 = arith.constant 512 : i32
        %mul3A_82 = arith.muli %add3A_80, %mul3A_81 : i32
        %dma_start3A_83 = arith.constant 0 : i32
        %dma_start3A_84 = tpu.memref_slice %arg2[%dma_start3A_83, %mul3A_82] : memref<32x1000000xf32, #tpu.memory_space<hbm>> -> memref<32x512xf32, #tpu.memory_space<hbm>>
        %dma_start3A_85 = arith.constant 0 : i32
        %dma_start3A_86 = tpu.memref_slice %arg2[%dma_start3A_85, %mul3A_82] : memref<32x1000000xf32, #tpu.memory_space<hbm>> -> memref<32x512xf32, #tpu.memory_space<hbm>>
        tpu.enqueue_dma source(%dma_start3A_86 : memref<32x512xf32, #tpu.memory_space<hbm>>) target(%arg5 : memref<32x512xf32, #tpu.memory_space<vmem>>) target_semaphore(%arg10 : memref<!tpu.dma_semaphore, #tpu.memory_space<semaphore_mem>>)
      } else {
      }
      %lt3A_71 = arith.cmpi slt, %add3A_33, %select_n3A : i32
      %convert_element_type3A_72 = arith.extui %lt3A_71 : i1 to i32
      %cond3A_73 = arith.constant 0 : i32
      %cond3A_74 = arith.cmpi ne, %convert_element_type3A_72, %cond3A_73 : i32
      scf.if %cond3A_74 {
        %dma_wait3A_76 = arith.constant 0 : i32
        %dma_wait3A_77 = arith.constant 0 : i32
        %dma_wait3A_78 = tpu.memref_slice %arg2[%dma_wait3A_76, %dma_wait3A_77] : memref<32x1000000xf32, #tpu.memory_space<hbm>> -> memref<32x512xf32, #tpu.memory_space<hbm>>
        %dma_wait3A_79 = arith.constant 0 : i32
        %dma_wait3A_80 = arith.constant 0 : i32
        %dma_wait3A_81 = tpu.memref_slice %arg2[%dma_wait3A_79, %dma_wait3A_80] : memref<32x1000000xf32, #tpu.memory_space<hbm>> -> memref<32x512xf32, #tpu.memory_space<hbm>>
        tpu.wait_dma2 semaphore(%arg11 : memref<!tpu.dma_semaphore, #tpu.memory_space<semaphore_mem>>) src(%dma_wait3A_81 : memref<32x512xf32, #tpu.memory_space<hbm>>) dst(%arg6 : memref<32x512xf32, #tpu.memory_space<vmem>>)
        %gt3A_82 = arith.constant 0 : i32
        %gt3A_83 = arith.cmpi sgt, %scan3A_26, %gt3A_82 : i32
        %convert_element_type3A_84 = arith.extui %gt3A_83 : i1 to i32
        %cond3A_85 = arith.constant 0 : i32
        %cond3A_86 = arith.cmpi ne, %convert_element_type3A_84, %cond3A_85 : i32
        scf.if %cond3A_86 {
          %dma_wait3A_98 = arith.constant 0 : i32
          %dma_wait3A_99 = tpu.memref_slice %arg4[%dma_wait3A_98] : memref<32000000xf32, #tpu.memory_space<hbm>> -> memref<16384xf32, #tpu.memory_space<hbm>>
          %dma_wait3A_100 = arith.constant 0 : i32
          %dma_wait3A_101 = tpu.memref_slice %arg4[%dma_wait3A_100] : memref<32000000xf32, #tpu.memory_space<hbm>> -> memref<16384xf32, #tpu.memory_space<hbm>>
          tpu.wait_dma2 semaphore(%arg13 : memref<!tpu.dma_semaphore, #tpu.memory_space<semaphore_mem>>) src(%arg8 : memref<16384xf32, #tpu.memory_space<vmem>>) dst(%dma_wait3A_101 : memref<16384xf32, #tpu.memory_space<hbm>>)
        } else {
        }
        %scan3A_87 = arith.constant 0 : i32
        %scan3A_88 = arith.constant 0 : i32
        %scan3A_89 = arith.constant 32 : i32
        %scan3A_90 = arith.addi %scan3A_88, %scan3A_89 : i32
        %scan3A_91 = arith.constant 1 : i32
        %scan3A_92 = scf.for %scan3A_98 = %scan3A_88 to %scan3A_90 step %scan3A_91 iter_args(%scan3A_99 = %scan3A_87) -> (i32)  : i32 {
          %add3A_100 = vector.broadcast %scan3A_98 : i32 to vector<16xi32>
          %add3A_101 = arith.addi %add3A_100, %iota3A : vector<16xi32>
          %rem3A = arith.constant 32 : i32
          %rem3A_102 = vector.broadcast %rem3A : i32 to vector<16xi32>
          %rem3A_103 = arith.remsi %add3A_101, %rem3A_102 : vector<16xi32>
          %add3A_104 = arith.constant 0 : i32
          %add3A_105 = vector.broadcast %add3A_104 : i32 to vector<16xi32>
          %add3A_106 = arith.addi %iota3A, %add3A_105 : vector<16xi32>
          %gather3A = tpu.vector_load_idx %arg6[%rem3A_103, %add3A_106] : memref<32x512xf32, #tpu.memory_space<vmem>>[vector<16xi32>, vector<16xi32>], vector<16xf32>,
          %add3A_107 = arith.constant 0 : i32
          %add3A_108 = vector.broadcast %add3A_107 : i32 to vector<16xi32>
          %add3A_109 = arith.addi %mul3A_5, %add3A_108 : vector<16xi32>
          %add3A_110 = arith.addi %add3A_109, %rem3A_103 : vector<16xi32>
          tpu.vector_store_idx %arg8[%add3A_110], %gather3A : memref<16384xf32, #tpu.memory_space<vmem>>[vector<16xi32>], vector<16xf32>,
          %add3A_111 = arith.constant 16 : i32
          %add3A_112 = vector.broadcast %add3A_111 : i32 to vector<16xi32>
          %add3A_113 = arith.addi %iota3A, %add3A_112 : vector<16xi32>
          %gather3A_114 = tpu.vector_load_idx %arg6[%rem3A_103, %add3A_113] : memref<32x512xf32, #tpu.memory_space<vmem>>[vector<16xi32>, vector<16xi32>], vector<16xf32>,
          %add3A_115 = arith.constant 512 : i32
          %add3A_116 = vector.broadcast %add3A_115 : i32 to vector<16xi32>
          %add3A_117 = arith.addi %mul3A_5, %add3A_116 : vector<16xi32>
          %add3A_118 = arith.addi %add3A_117, %rem3A_103 : vector<16xi32>
          tpu.vector_store_idx %arg8[%add3A_118], %gather3A_114 : memref<16384xf32, #tpu.memory_space<vmem>>[vector<16xi32>], vector<16xf32>,
          %add3A_119 = arith.constant 32 : i32
          %add3A_120 = vector.broadcast %add3A_119 : i32 to vector<16xi32>
          %add3A_121 = arith.addi %iota3A, %add3A_120 : vector<16xi32>
          %gather3A_122 = tpu.vector_load_idx %arg6[%rem3A_103, %add3A_121] : memref<32x512xf32, #tpu.memory_space<vmem>>[vector<16xi32>, vector<16xi32>], vector<16xf32>,
          %add3A_123 = arith.constant 1024 : i32
          %add3A_124 = vector.broadcast %add3A_123 : i32 to vector<16xi32>
          %add3A_125 = arith.addi %mul3A_5, %add3A_124 : vector<16xi32>
          %add3A_126 = arith.addi %add3A_125, %rem3A_103 : vector<16xi32>
          tpu.vector_store_idx %arg8[%add3A_126], %gather3A_122 : memref<16384xf32, #tpu.memory_space<vmem>>[vector<16xi32>], vector<16xf32>,
          %add3A_127 = arith.constant 48 : i32
          %add3A_128 = vector.broadcast %add3A_127 : i32 to vector<16xi32>
          %add3A_129 = arith.addi %iota3A, %add3A_128 : vector<16xi32>
          %gather3A_130 = tpu.vector_load_idx %arg6[%rem3A_103, %add3A_129] : memref<32x512xf32, #tpu.memory_space<vmem>>[vector<16xi32>, vector<16xi32>], vector<16xf32>,
          %add3A_131 = arith.constant 1536 : i32
          %add3A_132 = vector.broadcast %add3A_131 : i32 to vector<16xi32>
          %add3A_133 = arith.addi %mul3A_5, %add3A_132 : vector<16xi32>
          %add3A_134 = arith.addi %add3A_133, %rem3A_103 : vector<16xi32>
          tpu.vector_store_idx %arg8[%add3A_134], %gather3A_130 : memref<16384xf32, #tpu.memory_space<vmem>>[vector<16xi32>], vector<16xf32>,
          %add3A_135 = arith.constant 64 : i32
          %add3A_136 = vector.broadcast %add3A_135 : i32 to vector<16xi32>
          %add3A_137 = arith.addi %iota3A, %add3A_136 : vector<16xi32>
          %gather3A_138 = tpu.vector_load_idx %arg6[%rem3A_103, %add3A_137] : memref<32x512xf32, #tpu.memory_space<vmem>>[vector<16xi32>, vector<16xi32>], vector<16xf32>,
          %add3A_139 = arith.constant 2048 : i32
          %add3A_140 = vector.broadcast %add3A_139 : i32 to vector<16xi32>
          %add3A_141 = arith.addi %mul3A_5, %add3A_140 : vector<16xi32>
          %add3A_142 = arith.addi %add3A_141, %rem3A_103 : vector<16xi32>
          tpu.vector_store_idx %arg8[%add3A_142], %gather3A_138 : memref<16384xf32, #tpu.memory_space<vmem>>[vector<16xi32>], vector<16xf32>,
          %add3A_143 = arith.constant 80 : i32
          %add3A_144 = vector.broadcast %add3A_143 : i32 to vector<16xi32>
          %add3A_145 = arith.addi %iota3A, %add3A_144 : vector<16xi32>
          %gather3A_146 = tpu.vector_load_idx %arg6[%rem3A_103, %add3A_145] : memref<32x512xf32, #tpu.memory_space<vmem>>[vector<16xi32>, vector<16xi32>], vector<16xf32>,
          %add3A_147 = arith.constant 2560 : i32
          %add3A_148 = vector.broadcast %add3A_147 : i32 to vector<16xi32>
          %add3A_149 = arith.addi %mul3A_5, %add3A_148 : vector<16xi32>
          %add3A_150 = arith.addi %add3A_149, %rem3A_103 : vector<16xi32>
          tpu.vector_store_idx %arg8[%add3A_150], %gather3A_146 : memref<16384xf32, #tpu.memory_space<vmem>>[vector<16xi32>], vector<16xf32>,
          %add3A_151 = arith.constant 96 : i32
          %add3A_152 = vector.broadcast %add3A_151 : i32 to vector<16xi32>
          %add3A_153 = arith.addi %iota3A, %add3A_152 : vector<16xi32>
          %gather3A_154 = tpu.vector_load_idx %arg6[%rem3A_103, %add3A_153] : memref<32x512xf32, #tpu.memory_space<vmem>>[vector<16xi32>, vector<16xi32>], vector<16xf32>,
          %add3A_155 = arith.constant 3072 : i32
          %add3A_156 = vector.broadcast %add3A_155 : i32 to vector<16xi32>
          %add3A_157 = arith.addi %mul3A_5, %add3A_156 : vector<16xi32>
          %add3A_158 = arith.addi %add3A_157, %rem3A_103 : vector<16xi32>
          tpu.vector_store_idx %arg8[%add3A_158], %gather3A_154 : memref<16384xf32, #tpu.memory_space<vmem>>[vector<16xi32>], vector<16xf32>,
          %add3A_159 = arith.constant 112 : i32
          %add3A_160 = vector.broadcast %add3A_159 : i32 to vector<16xi32>
          %add3A_161 = arith.addi %iota3A, %add3A_160 : vector<16xi32>
          %gather3A_162 = tpu.vector_load_idx %arg6[%rem3A_103, %add3A_161] : memref<32x512xf32, #tpu.memory_space<vmem>>[vector<16xi32>, vector<16xi32>], vector<16xf32>,
          %add3A_163 = arith.constant 3584 : i32
          %add3A_164 = vector.broadcast %add3A_163 : i32 to vector<16xi32>
          %add3A_165 = arith.addi %mul3A_5, %add3A_164 : vector<16xi32>
          %add3A_166 = arith.addi %add3A_165, %rem3A_103 : vector<16xi32>
          tpu.vector_store_idx %arg8[%add3A_166], %gather3A_162 : memref<16384xf32, #tpu.memory_space<vmem>>[vector<16xi32>], vector<16xf32>,
          %add3A_167 = arith.constant 128 : i32
          %add3A_168 = vector.broadcast %add3A_167 : i32 to vector<16xi32>
          %add3A_169 = arith.addi %iota3A, %add3A_168 : vector<16xi32>
          %gather3A_170 = tpu.vector_load_idx %arg6[%rem3A_103, %add3A_169] : memref<32x512xf32, #tpu.memory_space<vmem>>[vector<16xi32>, vector<16xi32>], vector<16xf32>,
          %add3A_171 = arith.constant 4096 : i32
          %add3A_172 = vector.broadcast %add3A_171 : i32 to vector<16xi32>
          %add3A_173 = arith.addi %mul3A_5, %add3A_172 : vector<16xi32>
          %add3A_174 = arith.addi %add3A_173, %rem3A_103 : vector<16xi32>
          tpu.vector_store_idx %arg8[%add3A_174], %gather3A_170 : memref<16384xf32, #tpu.memory_space<vmem>>[vector<16xi32>], vector<16xf32>,
          %add3A_175 = arith.constant 144 : i32
          %add3A_176 = vector.broadcast %add3A_175 : i32 to vector<16xi32>
          %add3A_177 = arith.addi %iota3A, %add3A_176 : vector<16xi32>
          %gather3A_178 = tpu.vector_load_idx %arg6[%rem3A_103, %add3A_177] : memref<32x512xf32, #tpu.memory_space<vmem>>[vector<16xi32>, vector<16xi32>], vector<16xf32>,
          %add3A_179 = arith.constant 4608 : i32
          %add3A_180 = vector.broadcast %add3A_179 : i32 to vector<16xi32>
          %add3A_181 = arith.addi %mul3A_5, %add3A_180 : vector<16xi32>
          %add3A_182 = arith.addi %add3A_181, %rem3A_103 : vector<16xi32>
          tpu.vector_store_idx %arg8[%add3A_182], %gather3A_178 : memref<16384xf32, #tpu.memory_space<vmem>>[vector<16xi32>], vector<16xf32>,
          %add3A_183 = arith.constant 160 : i32
          %add3A_184 = vector.broadcast %add3A_183 : i32 to vector<16xi32>
          %add3A_185 = arith.addi %iota3A, %add3A_184 : vector<16xi32>
          %gather3A_186 = tpu.vector_load_idx %arg6[%rem3A_103, %add3A_185] : memref<32x512xf32, #tpu.memory_space<vmem>>[vector<16xi32>, vector<16xi32>], vector<16xf32>,
          %add3A_187 = arith.constant 5120 : i32
          %add3A_188 = vector.broadcast %add3A_187 : i32 to vector<16xi32>
          %add3A_189 = arith.addi %mul3A_5, %add3A_188 : vector<16xi32>
          %add3A_190 = arith.addi %add3A_189, %rem3A_103 : vector<16xi32>
          tpu.vector_store_idx %arg8[%add3A_190], %gather3A_186 : memref<16384xf32, #tpu.memory_space<vmem>>[vector<16xi32>], vector<16xf32>,
          %add3A_191 = arith.constant 176 : i32
          %add3A_192 = vector.broadcast %add3A_191 : i32 to vector<16xi32>
          %add3A_193 = arith.addi %iota3A, %add3A_192 : vector<16xi32>
          %gather3A_194 = tpu.vector_load_idx %arg6[%rem3A_103, %add3A_193] : memref<32x512xf32, #tpu.memory_space<vmem>>[vector<16xi32>, vector<16xi32>], vector<16xf32>,
          %add3A_195 = arith.constant 5632 : i32
          %add3A_196 = vector.broadcast %add3A_195 : i32 to vector<16xi32>
          %add3A_197 = arith.addi %mul3A_5, %add3A_196 : vector<16xi32>
          %add3A_198 = arith.addi %add3A_197, %rem3A_103 : vector<16xi32>
          tpu.vector_store_idx %arg8[%add3A_198], %gather3A_194 : memref<16384xf32, #tpu.memory_space<vmem>>[vector<16xi32>], vector<16xf32>,
          %add3A_199 = arith.constant 192 : i32
          %add3A_200 = vector.broadcast %add3A_199 : i32 to vector<16xi32>
          %add3A_201 = arith.addi %iota3A, %add3A_200 : vector<16xi32>
          %gather3A_202 = tpu.vector_load_idx %arg6[%rem3A_103, %add3A_201] : memref<32x512xf32, #tpu.memory_space<vmem>>[vector<16xi32>, vector<16xi32>], vector<16xf32>,
          %add3A_203 = arith.constant 6144 : i32
          %add3A_204 = vector.broadcast %add3A_203 : i32 to vector<16xi32>
          %add3A_205 = arith.addi %mul3A_5, %add3A_204 : vector<16xi32>
          %add3A_206 = arith.addi %add3A_205, %rem3A_103 : vector<16xi32>
          tpu.vector_store_idx %arg8[%add3A_206], %gather3A_202 : memref<16384xf32, #tpu.memory_space<vmem>>[vector<16xi32>], vector<16xf32>,
          %add3A_207 = arith.constant 208 : i32
          %add3A_208 = vector.broadcast %add3A_207 : i32 to vector<16xi32>
          %add3A_209 = arith.addi %iota3A, %add3A_208 : vector<16xi32>
          %gather3A_210 = tpu.vector_load_idx %arg6[%rem3A_103, %add3A_209] : memref<32x512xf32, #tpu.memory_space<vmem>>[vector<16xi32>, vector<16xi32>], vector<16xf32>,
          %add3A_211 = arith.constant 6656 : i32
          %add3A_212 = vector.broadcast %add3A_211 : i32 to vector<16xi32>
          %add3A_213 = arith.addi %mul3A_5, %add3A_212 : vector<16xi32>
          %add3A_214 = arith.addi %add3A_213, %rem3A_103 : vector<16xi32>
          tpu.vector_store_idx %arg8[%add3A_214], %gather3A_210 : memref<16384xf32, #tpu.memory_space<vmem>>[vector<16xi32>], vector<16xf32>,
          %add3A_215 = arith.constant 224 : i32
          %add3A_216 = vector.broadcast %add3A_215 : i32 to vector<16xi32>
          %add3A_217 = arith.addi %iota3A, %add3A_216 : vector<16xi32>
          %gather3A_218 = tpu.vector_load_idx %arg6[%rem3A_103, %add3A_217] : memref<32x512xf32, #tpu.memory_space<vmem>>[vector<16xi32>, vector<16xi32>], vector<16xf32>,
          %add3A_219 = arith.constant 7168 : i32
          %add3A_220 = vector.broadcast %add3A_219 : i32 to vector<16xi32>
          %add3A_221 = arith.addi %mul3A_5, %add3A_220 : vector<16xi32>
          %add3A_222 = arith.addi %add3A_221, %rem3A_103 : vector<16xi32>
          tpu.vector_store_idx %arg8[%add3A_222], %gather3A_218 : memref<16384xf32, #tpu.memory_space<vmem>>[vector<16xi32>], vector<16xf32>,
          %add3A_223 = arith.constant 240 : i32
          %add3A_224 = vector.broadcast %add3A_223 : i32 to vector<16xi32>
          %add3A_225 = arith.addi %iota3A, %add3A_224 : vector<16xi32>
          %gather3A_226 = tpu.vector_load_idx %arg6[%rem3A_103, %add3A_225] : memref<32x512xf32, #tpu.memory_space<vmem>>[vector<16xi32>, vector<16xi32>], vector<16xf32>,
          %add3A_227 = arith.constant 7680 : i32
          %add3A_228 = vector.broadcast %add3A_227 : i32 to vector<16xi32>
          %add3A_229 = arith.addi %mul3A_5, %add3A_228 : vector<16xi32>
          %add3A_230 = arith.addi %add3A_229, %rem3A_103 : vector<16xi32>
          tpu.vector_store_idx %arg8[%add3A_230], %gather3A_226 : memref<16384xf32, #tpu.memory_space<vmem>>[vector<16xi32>], vector<16xf32>,
          %add3A_231 = arith.constant 256 : i32
          %add3A_232 = vector.broadcast %add3A_231 : i32 to vector<16xi32>
          %add3A_233 = arith.addi %iota3A, %add3A_232 : vector<16xi32>
          %gather3A_234 = tpu.vector_load_idx %arg6[%rem3A_103, %add3A_233] : memref<32x512xf32, #tpu.memory_space<vmem>>[vector<16xi32>, vector<16xi32>], vector<16xf32>,
          %add3A_235 = arith.constant 8192 : i32
          %add3A_236 = vector.broadcast %add3A_235 : i32 to vector<16xi32>
          %add3A_237 = arith.addi %mul3A_5, %add3A_236 : vector<16xi32>
          %add3A_238 = arith.addi %add3A_237, %rem3A_103 : vector<16xi32>
          tpu.vector_store_idx %arg8[%add3A_238], %gather3A_234 : memref<16384xf32, #tpu.memory_space<vmem>>[vector<16xi32>], vector<16xf32>,
          %add3A_239 = arith.constant 272 : i32
          %add3A_240 = vector.broadcast %add3A_239 : i32 to vector<16xi32>
          %add3A_241 = arith.addi %iota3A, %add3A_240 : vector<16xi32>
          %gather3A_242 = tpu.vector_load_idx %arg6[%rem3A_103, %add3A_241] : memref<32x512xf32, #tpu.memory_space<vmem>>[vector<16xi32>, vector<16xi32>], vector<16xf32>,
          %add3A_243 = arith.constant 8704 : i32
          %add3A_244 = vector.broadcast %add3A_243 : i32 to vector<16xi32>
          %add3A_245 = arith.addi %mul3A_5, %add3A_244 : vector<16xi32>
          %add3A_246 = arith.addi %add3A_245, %rem3A_103 : vector<16xi32>
          tpu.vector_store_idx %arg8[%add3A_246], %gather3A_242 : memref<16384xf32, #tpu.memory_space<vmem>>[vector<16xi32>], vector<16xf32>,
          %add3A_247 = arith.constant 288 : i32
          %add3A_248 = vector.broadcast %add3A_247 : i32 to vector<16xi32>
          %add3A_249 = arith.addi %iota3A, %add3A_248 : vector<16xi32>
          %gather3A_250 = tpu.vector_load_idx %arg6[%rem3A_103, %add3A_249] : memref<32x512xf32, #tpu.memory_space<vmem>>[vector<16xi32>, vector<16xi32>], vector<16xf32>,
          %add3A_251 = arith.constant 9216 : i32
          %add3A_252 = vector.broadcast %add3A_251 : i32 to vector<16xi32>
          %add3A_253 = arith.addi %mul3A_5, %add3A_252 : vector<16xi32>
          %add3A_254 = arith.addi %add3A_253, %rem3A_103 : vector<16xi32>
          tpu.vector_store_idx %arg8[%add3A_254], %gather3A_250 : memref<16384xf32, #tpu.memory_space<vmem>>[vector<16xi32>], vector<16xf32>,
          %add3A_255 = arith.constant 304 : i32
          %add3A_256 = vector.broadcast %add3A_255 : i32 to vector<16xi32>
          %add3A_257 = arith.addi %iota3A, %add3A_256 : vector<16xi32>
          %gather3A_258 = tpu.vector_load_idx %arg6[%rem3A_103, %add3A_257] : memref<32x512xf32, #tpu.memory_space<vmem>>[vector<16xi32>, vector<16xi32>], vector<16xf32>,
          %add3A_259 = arith.constant 9728 : i32
          %add3A_260 = vector.broadcast %add3A_259 : i32 to vector<16xi32>
          %add3A_261 = arith.addi %mul3A_5, %add3A_260 : vector<16xi32>
          %add3A_262 = arith.addi %add3A_261, %rem3A_103 : vector<16xi32>
          tpu.vector_store_idx %arg8[%add3A_262], %gather3A_258 : memref<16384xf32, #tpu.memory_space<vmem>>[vector<16xi32>], vector<16xf32>,
          %add3A_263 = arith.constant 320 : i32
          %add3A_264 = vector.broadcast %add3A_263 : i32 to vector<16xi32>
          %add3A_265 = arith.addi %iota3A, %add3A_264 : vector<16xi32>
          %gather3A_266 = tpu.vector_load_idx %arg6[%rem3A_103, %add3A_265] : memref<32x512xf32, #tpu.memory_space<vmem>>[vector<16xi32>, vector<16xi32>], vector<16xf32>,
          %add3A_267 = arith.constant 10240 : i32
          %add3A_268 = vector.broadcast %add3A_267 : i32 to vector<16xi32>
          %add3A_269 = arith.addi %mul3A_5, %add3A_268 : vector<16xi32>
          %add3A_270 = arith.addi %add3A_269, %rem3A_103 : vector<16xi32>
          tpu.vector_store_idx %arg8[%add3A_270], %gather3A_266 : memref<16384xf32, #tpu.memory_space<vmem>>[vector<16xi32>], vector<16xf32>,
          %add3A_271 = arith.constant 336 : i32
          %add3A_272 = vector.broadcast %add3A_271 : i32 to vector<16xi32>
          %add3A_273 = arith.addi %iota3A, %add3A_272 : vector<16xi32>
          %gather3A_274 = tpu.vector_load_idx %arg6[%rem3A_103, %add3A_273] : memref<32x512xf32, #tpu.memory_space<vmem>>[vector<16xi32>, vector<16xi32>], vector<16xf32>,
          %add3A_275 = arith.constant 10752 : i32
          %add3A_276 = vector.broadcast %add3A_275 : i32 to vector<16xi32>
          %add3A_277 = arith.addi %mul3A_5, %add3A_276 : vector<16xi32>
          %add3A_278 = arith.addi %add3A_277, %rem3A_103 : vector<16xi32>
          tpu.vector_store_idx %arg8[%add3A_278], %gather3A_274 : memref<16384xf32, #tpu.memory_space<vmem>>[vector<16xi32>], vector<16xf32>,
          %add3A_279 = arith.constant 352 : i32
          %add3A_280 = vector.broadcast %add3A_279 : i32 to vector<16xi32>
          %add3A_281 = arith.addi %iota3A, %add3A_280 : vector<16xi32>
          %gather3A_282 = tpu.vector_load_idx %arg6[%rem3A_103, %add3A_281] : memref<32x512xf32, #tpu.memory_space<vmem>>[vector<16xi32>, vector<16xi32>], vector<16xf32>,
          %add3A_283 = arith.constant 11264 : i32
          %add3A_284 = vector.broadcast %add3A_283 : i32 to vector<16xi32>
          %add3A_285 = arith.addi %mul3A_5, %add3A_284 : vector<16xi32>
          %add3A_286 = arith.addi %add3A_285, %rem3A_103 : vector<16xi32>
          tpu.vector_store_idx %arg8[%add3A_286], %gather3A_282 : memref<16384xf32, #tpu.memory_space<vmem>>[vector<16xi32>], vector<16xf32>,
          %add3A_287 = arith.constant 368 : i32
          %add3A_288 = vector.broadcast %add3A_287 : i32 to vector<16xi32>
          %add3A_289 = arith.addi %iota3A, %add3A_288 : vector<16xi32>
          %gather3A_290 = tpu.vector_load_idx %arg6[%rem3A_103, %add3A_289] : memref<32x512xf32, #tpu.memory_space<vmem>>[vector<16xi32>, vector<16xi32>], vector<16xf32>,
          %add3A_291 = arith.constant 11776 : i32
          %add3A_292 = vector.broadcast %add3A_291 : i32 to vector<16xi32>
          %add3A_293 = arith.addi %mul3A_5, %add3A_292 : vector<16xi32>
          %add3A_294 = arith.addi %add3A_293, %rem3A_103 : vector<16xi32>
          tpu.vector_store_idx %arg8[%add3A_294], %gather3A_290 : memref<16384xf32, #tpu.memory_space<vmem>>[vector<16xi32>], vector<16xf32>,
          %add3A_295 = arith.constant 384 : i32
          %add3A_296 = vector.broadcast %add3A_295 : i32 to vector<16xi32>
          %add3A_297 = arith.addi %iota3A, %add3A_296 : vector<16xi32>
          %gather3A_298 = tpu.vector_load_idx %arg6[%rem3A_103, %add3A_297] : memref<32x512xf32, #tpu.memory_space<vmem>>[vector<16xi32>, vector<16xi32>], vector<16xf32>,
          %add3A_299 = arith.constant 12288 : i32
          %add3A_300 = vector.broadcast %add3A_299 : i32 to vector<16xi32>
          %add3A_301 = arith.addi %mul3A_5, %add3A_300 : vector<16xi32>
          %add3A_302 = arith.addi %add3A_301, %rem3A_103 : vector<16xi32>
          tpu.vector_store_idx %arg8[%add3A_302], %gather3A_298 : memref<16384xf32, #tpu.memory_space<vmem>>[vector<16xi32>], vector<16xf32>,
          %add3A_303 = arith.constant 400 : i32
          %add3A_304 = vector.broadcast %add3A_303 : i32 to vector<16xi32>
          %add3A_305 = arith.addi %iota3A, %add3A_304 : vector<16xi32>
          %gather3A_306 = tpu.vector_load_idx %arg6[%rem3A_103, %add3A_305] : memref<32x512xf32, #tpu.memory_space<vmem>>[vector<16xi32>, vector<16xi32>], vector<16xf32>,
          %add3A_307 = arith.constant 12800 : i32
          %add3A_308 = vector.broadcast %add3A_307 : i32 to vector<16xi32>
          %add3A_309 = arith.addi %mul3A_5, %add3A_308 : vector<16xi32>
          %add3A_310 = arith.addi %add3A_309, %rem3A_103 : vector<16xi32>
          tpu.vector_store_idx %arg8[%add3A_310], %gather3A_306 : memref<16384xf32, #tpu.memory_space<vmem>>[vector<16xi32>], vector<16xf32>,
          %add3A_311 = arith.constant 416 : i32
          %add3A_312 = vector.broadcast %add3A_311 : i32 to vector<16xi32>
          %add3A_313 = arith.addi %iota3A, %add3A_312 : vector<16xi32>
          %gather3A_314 = tpu.vector_load_idx %arg6[%rem3A_103, %add3A_313] : memref<32x512xf32, #tpu.memory_space<vmem>>[vector<16xi32>, vector<16xi32>], vector<16xf32>,
          %add3A_315 = arith.constant 13312 : i32
          %add3A_316 = vector.broadcast %add3A_315 : i32 to vector<16xi32>
          %add3A_317 = arith.addi %mul3A_5, %add3A_316 : vector<16xi32>
          %add3A_318 = arith.addi %add3A_317, %rem3A_103 : vector<16xi32>
          tpu.vector_store_idx %arg8[%add3A_318], %gather3A_314 : memref<16384xf32, #tpu.memory_space<vmem>>[vector<16xi32>], vector<16xf32>,
          %add3A_319 = arith.constant 432 : i32
          %add3A_320 = vector.broadcast %add3A_319 : i32 to vector<16xi32>
          %add3A_321 = arith.addi %iota3A, %add3A_320 : vector<16xi32>
          %gather3A_322 = tpu.vector_load_idx %arg6[%rem3A_103, %add3A_321] : memref<32x512xf32, #tpu.memory_space<vmem>>[vector<16xi32>, vector<16xi32>], vector<16xf32>,
          %add3A_323 = arith.constant 13824 : i32
          %add3A_324 = vector.broadcast %add3A_323 : i32 to vector<16xi32>
          %add3A_325 = arith.addi %mul3A_5, %add3A_324 : vector<16xi32>
          %add3A_326 = arith.addi %add3A_325, %rem3A_103 : vector<16xi32>
          tpu.vector_store_idx %arg8[%add3A_326], %gather3A_322 : memref<16384xf32, #tpu.memory_space<vmem>>[vector<16xi32>], vector<16xf32>,
          %add3A_327 = arith.constant 448 : i32
          %add3A_328 = vector.broadcast %add3A_327 : i32 to vector<16xi32>
          %add3A_329 = arith.addi %iota3A, %add3A_328 : vector<16xi32>
          %gather3A_330 = tpu.vector_load_idx %arg6[%rem3A_103, %add3A_329] : memref<32x512xf32, #tpu.memory_space<vmem>>[vector<16xi32>, vector<16xi32>], vector<16xf32>,
          %add3A_331 = arith.constant 14336 : i32
          %add3A_332 = vector.broadcast %add3A_331 : i32 to vector<16xi32>
          %add3A_333 = arith.addi %mul3A_5, %add3A_332 : vector<16xi32>
          %add3A_334 = arith.addi %add3A_333, %rem3A_103 : vector<16xi32>
          tpu.vector_store_idx %arg8[%add3A_334], %gather3A_330 : memref<16384xf32, #tpu.memory_space<vmem>>[vector<16xi32>], vector<16xf32>,
          %add3A_335 = arith.constant 464 : i32
          %add3A_336 = vector.broadcast %add3A_335 : i32 to vector<16xi32>
          %add3A_337 = arith.addi %iota3A, %add3A_336 : vector<16xi32>
          %gather3A_338 = tpu.vector_load_idx %arg6[%rem3A_103, %add3A_337] : memref<32x512xf32, #tpu.memory_space<vmem>>[vector<16xi32>, vector<16xi32>], vector<16xf32>,
          %add3A_339 = arith.constant 14848 : i32
          %add3A_340 = vector.broadcast %add3A_339 : i32 to vector<16xi32>
          %add3A_341 = arith.addi %mul3A_5, %add3A_340 : vector<16xi32>
          %add3A_342 = arith.addi %add3A_341, %rem3A_103 : vector<16xi32>
          tpu.vector_store_idx %arg8[%add3A_342], %gather3A_338 : memref<16384xf32, #tpu.memory_space<vmem>>[vector<16xi32>], vector<16xf32>,
          %add3A_343 = arith.constant 480 : i32
          %add3A_344 = vector.broadcast %add3A_343 : i32 to vector<16xi32>
          %add3A_345 = arith.addi %iota3A, %add3A_344 : vector<16xi32>
          %gather3A_346 = tpu.vector_load_idx %arg6[%rem3A_103, %add3A_345] : memref<32x512xf32, #tpu.memory_space<vmem>>[vector<16xi32>, vector<16xi32>], vector<16xf32>,
          %add3A_347 = arith.constant 15360 : i32
          %add3A_348 = vector.broadcast %add3A_347 : i32 to vector<16xi32>
          %add3A_349 = arith.addi %mul3A_5, %add3A_348 : vector<16xi32>
          %add3A_350 = arith.addi %add3A_349, %rem3A_103 : vector<16xi32>
          tpu.vector_store_idx %arg8[%add3A_350], %gather3A_346 : memref<16384xf32, #tpu.memory_space<vmem>>[vector<16xi32>], vector<16xf32>,
          %add3A_351 = arith.constant 496 : i32
          %add3A_352 = vector.broadcast %add3A_351 : i32 to vector<16xi32>
          %add3A_353 = arith.addi %iota3A, %add3A_352 : vector<16xi32>
          %gather3A_354 = tpu.vector_load_idx %arg6[%rem3A_103, %add3A_353] : memref<32x512xf32, #tpu.memory_space<vmem>>[vector<16xi32>, vector<16xi32>], vector<16xf32>,
          %add3A_355 = arith.constant 15872 : i32
          %add3A_356 = vector.broadcast %add3A_355 : i32 to vector<16xi32>
          %add3A_357 = arith.addi %mul3A_5, %add3A_356 : vector<16xi32>
          %add3A_358 = arith.addi %add3A_357, %rem3A_103 : vector<16xi32>
          tpu.vector_store_idx %arg8[%add3A_358], %gather3A_354 : memref<16384xf32, #tpu.memory_space<vmem>>[vector<16xi32>], vector<16xf32>,
          %scan3A_359 = arith.constant 0 : i32
          scf.yield %scan3A_359 : i32
        }
        %scan3A_93 = arith.constant 32 : i32
        %mul3A_94 = arith.constant 16384 : i32
        %mul3A_95 = arith.muli %add3A_39, %mul3A_94 : i32
        %dma_start3A_96 = tpu.memref_slice %arg4[%mul3A_95] : memref<32000000xf32, #tpu.memory_space<hbm>> -> memref<16384xf32, #tpu.memory_space<hbm>>
        %dma_start3A_97 = tpu.memref_slice %arg4[%mul3A_95] : memref<32000000xf32, #tpu.memory_space<hbm>> -> memref<16384xf32, #tpu.memory_space<hbm>>
        tpu.enqueue_dma source(%arg8 : memref<16384xf32, #tpu.memory_space<vmem>>) target(%dma_start3A_97 : memref<16384xf32, #tpu.memory_space<hbm>>) target_semaphore(%arg13 : memref<!tpu.dma_semaphore, #tpu.memory_space<semaphore_mem>>)
      } else {
      }
      %scan3A_75 = arith.constant 0 : i32
      scf.yield %scan3A_75 : i32
    }
    %scan3A_16 = arith.constant 31 : i32
    %dma_wait3A = arith.constant 0 : i32
    %dma_wait3A_17 = tpu.memref_slice %arg4[%dma_wait3A] : memref<32000000xf32, #tpu.memory_space<hbm>> -> memref<16384xf32, #tpu.memory_space<hbm>>
    %dma_wait3A_18 = arith.constant 0 : i32
    %dma_wait3A_19 = tpu.memref_slice %arg4[%dma_wait3A_18] : memref<32000000xf32, #tpu.memory_space<hbm>> -> memref<16384xf32, #tpu.memory_space<hbm>>
    tpu.wait_dma2 semaphore(%arg12 : memref<!tpu.dma_semaphore, #tpu.memory_space<semaphore_mem>>) src(%arg7 : memref<16384xf32, #tpu.memory_space<vmem>>) dst(%dma_wait3A_19 : memref<16384xf32, #tpu.memory_space<hbm>>)
    %dma_wait3A_20 = arith.constant 0 : i32
    %dma_wait3A_21 = tpu.memref_slice %arg4[%dma_wait3A_20] : memref<32000000xf32, #tpu.memory_space<hbm>> -> memref<16384xf32, #tpu.memory_space<hbm>>
    %dma_wait3A_22 = arith.constant 0 : i32
    %dma_wait3A_23 = tpu.memref_slice %arg4[%dma_wait3A_22] : memref<32000000xf32, #tpu.memory_space<hbm>> -> memref<16384xf32, #tpu.memory_space<hbm>>
    tpu.wait_dma2 semaphore(%arg13 : memref<!tpu.dma_semaphore, #tpu.memory_space<semaphore_mem>>) src(%arg8 : memref<16384xf32, #tpu.memory_space<vmem>>) dst(%dma_wait3A_23 : memref<16384xf32, #tpu.memory_space<hbm>>)
    %eq3A = arith.constant 0 : i32
    %eq3A_24 = arith.cmpi eq, %add3A, %eq3A : i32
    %convert_element_type3A = arith.extui %eq3A_24 : i1 to i32
    %cond3A = arith.constant 0 : i32
    %cond3A_25 = arith.cmpi ne, %convert_element_type3A, %cond3A : i32
    scf.if %cond3A_25 {
      "tpu.region"() ({
        %run_scoped3A = tpu.sem_alloc : memref<!tpu.dma_semaphore, #tpu.memory_space<semaphore_mem>>
        tpu.enqueue_dma source(%arg3 : memref<2048xf32, #tpu.memory_space<hbm>>) target(%arg9 : memref<2048xf32, #tpu.memory_space<vmem>>) target_semaphore(%run_scoped3A : memref<!tpu.dma_semaphore, #tpu.memory_space<semaphore_mem>>)
        tpu.wait_dma2 semaphore(%run_scoped3A : memref<!tpu.dma_semaphore, #tpu.memory_space<semaphore_mem>>) src(%arg3 : memref<2048xf32, #tpu.memory_space<hbm>>) dst(%arg9 : memref<2048xf32, #tpu.memory_space<vmem>>)
        tpu.yield
      }) : () -> ()
      "tpu.region"() ({
        %run_scoped3A = tpu.sem_alloc : memref<!tpu.dma_semaphore, #tpu.memory_space<semaphore_mem>>
        %dma_start3A_26 = arith.constant 31997952 : i32
        %dma_start3A_27 = tpu.memref_slice %arg4[%dma_start3A_26] : memref<32000000xf32, #tpu.memory_space<hbm>> -> memref<2048xf32, #tpu.memory_space<hbm>>
        %dma_start3A_28 = arith.constant 31997952 : i32
        %dma_start3A_29 = tpu.memref_slice %arg4[%dma_start3A_28] : memref<32000000xf32, #tpu.memory_space<hbm>> -> memref<2048xf32, #tpu.memory_space<hbm>>
        tpu.enqueue_dma source(%arg9 : memref<2048xf32, #tpu.memory_space<vmem>>) target(%dma_start3A_29 : memref<2048xf32, #tpu.memory_space<hbm>>) target_semaphore(%run_scoped3A : memref<!tpu.dma_semaphore, #tpu.memory_space<semaphore_mem>>)
        %dma_wait3A_30 = arith.constant 31997952 : i32
        %dma_wait3A_31 = tpu.memref_slice %arg4[%dma_wait3A_30] : memref<32000000xf32, #tpu.memory_space<hbm>> -> memref<2048xf32, #tpu.memory_space<hbm>>
        %dma_wait3A_32 = arith.constant 31997952 : i32
        %dma_wait3A_33 = tpu.memref_slice %arg4[%dma_wait3A_32] : memref<32000000xf32, #tpu.memory_space<hbm>> -> memref<2048xf32, #tpu.memory_space<hbm>>
        tpu.wait_dma2 semaphore(%run_scoped3A : memref<!tpu.dma_semaphore, #tpu.memory_space<semaphore_mem>>) src(%arg9 : memref<2048xf32, #tpu.memory_space<vmem>>) dst(%dma_wait3A_33 : memref<2048xf32, #tpu.memory_space<hbm>>)
        tpu.yield
      }) : () -> ()
    } else {
    }
    return
  }
}

#map = affine_map<(d0, d1) -> (0)>
#map1 = affine_map<(d0, d1) -> (0, 0)>
module attributes {stable_mosaic.version = 14 : i64} {
  func.func @_sc_gather_body(%arg0: i32, %arg1: i32, %arg2: memref<106496xi32, #tpu.memory_space<hbm>>, %arg3: memref<1000000x32xf32, #tpu.memory_space<hbm>>, %arg4: memref<1000000xf32, #tpu.memory_space<hbm>>, %arg5: memref<106496x32xf32, #tpu.memory_space<hbm>>, %arg6: memref<106496xf32, #tpu.memory_space<hbm>>, %arg7: memref<3328xi32, #tpu.memory_space<vmem>>, %arg8: memref<416x32xf32, #tpu.memory_space<vmem>>, %arg9: memref<416x32xf32, #tpu.memory_space<vmem>>, %arg10: memref<3328xf32, #tpu.memory_space<vmem>>, %arg11: memref<!tpu.dma_semaphore, #tpu.memory_space<semaphore_mem>>, %arg12: memref<!tpu.dma_semaphore, #tpu.memory_space<semaphore_mem>>, %arg13: memref<!tpu.dma_semaphore, #tpu.memory_space<semaphore_mem>>) attributes {dimension_semantics = [#tpu.dimension_semantics<core_parallel>, #tpu.dimension_semantics<subcore_parallel>], iteration_bounds = array<i64: 2, 16>, scalar_prefetch = 0 : i64, scratch_operands = 7 : i64, tpu.core_type = #tpu.core_type<sc_vector_subcore>, window_params = [{transform_indices = #map}, {transform_indices = #map1}, {transform_indices = #map}, {transform_indices = #map1}, {transform_indices = #map}]} {
    %mul3A = arith.constant 2 : i32
    %mul3A_0 = arith.muli %arg1, %mul3A : i32
    %add3A = arith.addi %mul3A_0, %arg0 : i32
    %mul3A_1 = arith.constant 3328 : i32
    %mul3A_2 = arith.muli %add3A, %mul3A_1 : i32
    "tpu.region"() ({
      %run_scoped3A = tpu.sem_alloc : memref<!tpu.dma_semaphore, #tpu.memory_space<semaphore_mem>>
      %dma_start3A_101 = tpu.memref_slice %arg2[%mul3A_2] : memref<106496xi32, #tpu.memory_space<hbm>> -> memref<3328xi32, #tpu.memory_space<hbm>>
      %dma_start3A_102 = tpu.memref_slice %arg2[%mul3A_2] : memref<106496xi32, #tpu.memory_space<hbm>> -> memref<3328xi32, #tpu.memory_space<hbm>>
      tpu.enqueue_dma source(%dma_start3A_102 : memref<3328xi32, #tpu.memory_space<hbm>>) target(%arg7 : memref<3328xi32, #tpu.memory_space<vmem>>) target_semaphore(%run_scoped3A : memref<!tpu.dma_semaphore, #tpu.memory_space<semaphore_mem>>)
      %dma_wait3A_103 = tpu.memref_slice %arg2[%mul3A_2] : memref<106496xi32, #tpu.memory_space<hbm>> -> memref<3328xi32, #tpu.memory_space<hbm>>
      %dma_wait3A_104 = tpu.memref_slice %arg2[%mul3A_2] : memref<106496xi32, #tpu.memory_space<hbm>> -> memref<3328xi32, #tpu.memory_space<hbm>>
      tpu.wait_dma2 semaphore(%run_scoped3A : memref<!tpu.dma_semaphore, #tpu.memory_space<semaphore_mem>>) src(%dma_wait3A_104 : memref<3328xi32, #tpu.memory_space<hbm>>) dst(%arg7 : memref<3328xi32, #tpu.memory_space<vmem>>)
      tpu.yield
    }) : () -> ()
    %dma_start3A = arith.constant 0 : i32
    %dma_start3A_3 = tpu.memref_slice %arg4[%dma_start3A] : memref<1000000xf32, #tpu.memory_space<hbm>> -> memref<1000000xf32, #tpu.memory_space<hbm>>
    tpu.enqueue_indirect_dma source(%dma_start3A_3 : memref<1000000xf32, #tpu.memory_space<hbm>>) target(%arg10 : memref<3328xf32, #tpu.memory_space<vmem>>) offsets(%arg7 : memref<3328xi32, #tpu.memory_space<vmem>>) semaphore(%arg13 : memref<!tpu.dma_semaphore, #tpu.memory_space<semaphore_mem>>)
    %dma_start3A_4 = arith.constant 0 : i32
    %dma_start3A_5 = tpu.memref_slice %arg7[%dma_start3A_4] : memref<3328xi32, #tpu.memory_space<vmem>> -> memref<416xi32, #tpu.memory_space<vmem>>
    %dma_start3A_6 = arith.constant 0 : i32
    %dma_start3A_7 = arith.constant 0 : i32
    %dma_start3A_8 = tpu.memref_slice %arg3[%dma_start3A_6, %dma_start3A_7] : memref<1000000x32xf32, #tpu.memory_space<hbm>> -> memref<1000000x32xf32, #tpu.memory_space<hbm>>
    tpu.enqueue_indirect_dma source(%dma_start3A_8 : memref<1000000x32xf32, #tpu.memory_space<hbm>>) target(%arg8 : memref<416x32xf32, #tpu.memory_space<vmem>>) offsets(%dma_start3A_5 : memref<416xi32, #tpu.memory_space<vmem>>) semaphore(%arg11 : memref<!tpu.dma_semaphore, #tpu.memory_space<semaphore_mem>>)
    %dma_start3A_9 = arith.constant 416 : i32
    %dma_start3A_10 = tpu.memref_slice %arg7[%dma_start3A_9] : memref<3328xi32, #tpu.memory_space<vmem>> -> memref<416xi32, #tpu.memory_space<vmem>>
    %dma_start3A_11 = arith.constant 0 : i32
    %dma_start3A_12 = arith.constant 0 : i32
    %dma_start3A_13 = tpu.memref_slice %arg3[%dma_start3A_11, %dma_start3A_12] : memref<1000000x32xf32, #tpu.memory_space<hbm>> -> memref<1000000x32xf32, #tpu.memory_space<hbm>>
    tpu.enqueue_indirect_dma source(%dma_start3A_13 : memref<1000000x32xf32, #tpu.memory_space<hbm>>) target(%arg9 : memref<416x32xf32, #tpu.memory_space<vmem>>) offsets(%dma_start3A_10 : memref<416xi32, #tpu.memory_space<vmem>>) semaphore(%arg12 : memref<!tpu.dma_semaphore, #tpu.memory_space<semaphore_mem>>)
    %dma_wait3A = arith.constant 0 : i32
    %dma_wait3A_14 = tpu.memref_slice %arg7[%dma_wait3A] : memref<3328xi32, #tpu.memory_space<vmem>> -> memref<416xi32, #tpu.memory_space<vmem>>
    %dma_wait3A_15 = arith.constant 0 : i32
    %dma_wait3A_16 = arith.constant 0 : i32
    %dma_wait3A_17 = tpu.memref_slice %arg3[%dma_wait3A_15, %dma_wait3A_16] : memref<1000000x32xf32, #tpu.memory_space<hbm>> -> memref<1000000x32xf32, #tpu.memory_space<hbm>>
    tpu.wait_indirect_dma semaphore(%arg11 : memref<!tpu.dma_semaphore, #tpu.memory_space<semaphore_mem>>) src(%dma_wait3A_17 : memref<1000000x32xf32, #tpu.memory_space<hbm>>) dst(%arg8 : memref<416x32xf32, #tpu.memory_space<vmem>>)
    %add3A_18 = arith.constant 0 : i32
    %add3A_19 = arith.addi %mul3A_2, %add3A_18 : i32
    "tpu.region"() ({
      %run_scoped3A = tpu.sem_alloc : memref<!tpu.dma_semaphore, #tpu.memory_space<semaphore_mem>>
      %dma_start3A_101 = arith.constant 0 : i32
      %dma_start3A_102 = tpu.memref_slice %arg5[%add3A_19, %dma_start3A_101] : memref<106496x32xf32, #tpu.memory_space<hbm>> -> memref<416x32xf32, #tpu.memory_space<hbm>>
      %dma_start3A_103 = arith.constant 0 : i32
      %dma_start3A_104 = tpu.memref_slice %arg5[%add3A_19, %dma_start3A_103] : memref<106496x32xf32, #tpu.memory_space<hbm>> -> memref<416x32xf32, #tpu.memory_space<hbm>>
      tpu.enqueue_dma source(%arg8 : memref<416x32xf32, #tpu.memory_space<vmem>>) target(%dma_start3A_104 : memref<416x32xf32, #tpu.memory_space<hbm>>) target_semaphore(%run_scoped3A : memref<!tpu.dma_semaphore, #tpu.memory_space<semaphore_mem>>)
      %dma_wait3A_105 = arith.constant 0 : i32
      %dma_wait3A_106 = tpu.memref_slice %arg5[%add3A_19, %dma_wait3A_105] : memref<106496x32xf32, #tpu.memory_space<hbm>> -> memref<416x32xf32, #tpu.memory_space<hbm>>
      %dma_wait3A_107 = arith.constant 0 : i32
      %dma_wait3A_108 = tpu.memref_slice %arg5[%add3A_19, %dma_wait3A_107] : memref<106496x32xf32, #tpu.memory_space<hbm>> -> memref<416x32xf32, #tpu.memory_space<hbm>>
      tpu.wait_dma2 semaphore(%run_scoped3A : memref<!tpu.dma_semaphore, #tpu.memory_space<semaphore_mem>>) src(%arg8 : memref<416x32xf32, #tpu.memory_space<vmem>>) dst(%dma_wait3A_108 : memref<416x32xf32, #tpu.memory_space<hbm>>)
      tpu.yield
    }) : () -> ()
    %dma_start3A_20 = arith.constant 832 : i32
    %dma_start3A_21 = tpu.memref_slice %arg7[%dma_start3A_20] : memref<3328xi32, #tpu.memory_space<vmem>> -> memref<416xi32, #tpu.memory_space<vmem>>
    %dma_start3A_22 = arith.constant 0 : i32
    %dma_start3A_23 = arith.constant 0 : i32
    %dma_start3A_24 = tpu.memref_slice %arg3[%dma_start3A_22, %dma_start3A_23] : memref<1000000x32xf32, #tpu.memory_space<hbm>> -> memref<1000000x32xf32, #tpu.memory_space<hbm>>
    tpu.enqueue_indirect_dma source(%dma_start3A_24 : memref<1000000x32xf32, #tpu.memory_space<hbm>>) target(%arg8 : memref<416x32xf32, #tpu.memory_space<vmem>>) offsets(%dma_start3A_21 : memref<416xi32, #tpu.memory_space<vmem>>) semaphore(%arg11 : memref<!tpu.dma_semaphore, #tpu.memory_space<semaphore_mem>>)
    %dma_wait3A_25 = arith.constant 416 : i32
    %dma_wait3A_26 = tpu.memref_slice %arg7[%dma_wait3A_25] : memref<3328xi32, #tpu.memory_space<vmem>> -> memref<416xi32, #tpu.memory_space<vmem>>
    %dma_wait3A_27 = arith.constant 0 : i32
    %dma_wait3A_28 = arith.constant 0 : i32
    %dma_wait3A_29 = tpu.memref_slice %arg3[%dma_wait3A_27, %dma_wait3A_28] : memref<1000000x32xf32, #tpu.memory_space<hbm>> -> memref<1000000x32xf32, #tpu.memory_space<hbm>>
    tpu.wait_indirect_dma semaphore(%arg12 : memref<!tpu.dma_semaphore, #tpu.memory_space<semaphore_mem>>) src(%dma_wait3A_29 : memref<1000000x32xf32, #tpu.memory_space<hbm>>) dst(%arg9 : memref<416x32xf32, #tpu.memory_space<vmem>>)
    %add3A_30 = arith.constant 416 : i32
    %add3A_31 = arith.addi %mul3A_2, %add3A_30 : i32
    "tpu.region"() ({
      %run_scoped3A = tpu.sem_alloc : memref<!tpu.dma_semaphore, #tpu.memory_space<semaphore_mem>>
      %dma_start3A_101 = arith.constant 0 : i32
      %dma_start3A_102 = tpu.memref_slice %arg5[%add3A_31, %dma_start3A_101] : memref<106496x32xf32, #tpu.memory_space<hbm>> -> memref<416x32xf32, #tpu.memory_space<hbm>>
      %dma_start3A_103 = arith.constant 0 : i32
      %dma_start3A_104 = tpu.memref_slice %arg5[%add3A_31, %dma_start3A_103] : memref<106496x32xf32, #tpu.memory_space<hbm>> -> memref<416x32xf32, #tpu.memory_space<hbm>>
      tpu.enqueue_dma source(%arg9 : memref<416x32xf32, #tpu.memory_space<vmem>>) target(%dma_start3A_104 : memref<416x32xf32, #tpu.memory_space<hbm>>) target_semaphore(%run_scoped3A : memref<!tpu.dma_semaphore, #tpu.memory_space<semaphore_mem>>)
      %dma_wait3A_105 = arith.constant 0 : i32
      %dma_wait3A_106 = tpu.memref_slice %arg5[%add3A_31, %dma_wait3A_105] : memref<106496x32xf32, #tpu.memory_space<hbm>> -> memref<416x32xf32, #tpu.memory_space<hbm>>
      %dma_wait3A_107 = arith.constant 0 : i32
      %dma_wait3A_108 = tpu.memref_slice %arg5[%add3A_31, %dma_wait3A_107] : memref<106496x32xf32, #tpu.memory_space<hbm>> -> memref<416x32xf32, #tpu.memory_space<hbm>>
      tpu.wait_dma2 semaphore(%run_scoped3A : memref<!tpu.dma_semaphore, #tpu.memory_space<semaphore_mem>>) src(%arg9 : memref<416x32xf32, #tpu.memory_space<vmem>>) dst(%dma_wait3A_108 : memref<416x32xf32, #tpu.memory_space<hbm>>)
      tpu.yield
    }) : () -> ()
    %dma_start3A_32 = arith.constant 1248 : i32
    %dma_start3A_33 = tpu.memref_slice %arg7[%dma_start3A_32] : memref<3328xi32, #tpu.memory_space<vmem>> -> memref<416xi32, #tpu.memory_space<vmem>>
    %dma_start3A_34 = arith.constant 0 : i32
    %dma_start3A_35 = arith.constant 0 : i32
    %dma_start3A_36 = tpu.memref_slice %arg3[%dma_start3A_34, %dma_start3A_35] : memref<1000000x32xf32, #tpu.memory_space<hbm>> -> memref<1000000x32xf32, #tpu.memory_space<hbm>>
    tpu.enqueue_indirect_dma source(%dma_start3A_36 : memref<1000000x32xf32, #tpu.memory_space<hbm>>) target(%arg9 : memref<416x32xf32, #tpu.memory_space<vmem>>) offsets(%dma_start3A_33 : memref<416xi32, #tpu.memory_space<vmem>>) semaphore(%arg12 : memref<!tpu.dma_semaphore, #tpu.memory_space<semaphore_mem>>)
    %dma_wait3A_37 = arith.constant 832 : i32
    %dma_wait3A_38 = tpu.memref_slice %arg7[%dma_wait3A_37] : memref<3328xi32, #tpu.memory_space<vmem>> -> memref<416xi32, #tpu.memory_space<vmem>>
    %dma_wait3A_39 = arith.constant 0 : i32
    %dma_wait3A_40 = arith.constant 0 : i32
    %dma_wait3A_41 = tpu.memref_slice %arg3[%dma_wait3A_39, %dma_wait3A_40] : memref<1000000x32xf32, #tpu.memory_space<hbm>> -> memref<1000000x32xf32, #tpu.memory_space<hbm>>
    tpu.wait_indirect_dma semaphore(%arg11 : memref<!tpu.dma_semaphore, #tpu.memory_space<semaphore_mem>>) src(%dma_wait3A_41 : memref<1000000x32xf32, #tpu.memory_space<hbm>>) dst(%arg8 : memref<416x32xf32, #tpu.memory_space<vmem>>)
    %add3A_42 = arith.constant 832 : i32
    %add3A_43 = arith.addi %mul3A_2, %add3A_42 : i32
    "tpu.region"() ({
      %run_scoped3A = tpu.sem_alloc : memref<!tpu.dma_semaphore, #tpu.memory_space<semaphore_mem>>
      %dma_start3A_101 = arith.constant 0 : i32
      %dma_start3A_102 = tpu.memref_slice %arg5[%add3A_43, %dma_start3A_101] : memref<106496x32xf32, #tpu.memory_space<hbm>> -> memref<416x32xf32, #tpu.memory_space<hbm>>
      %dma_start3A_103 = arith.constant 0 : i32
      %dma_start3A_104 = tpu.memref_slice %arg5[%add3A_43, %dma_start3A_103] : memref<106496x32xf32, #tpu.memory_space<hbm>> -> memref<416x32xf32, #tpu.memory_space<hbm>>
      tpu.enqueue_dma source(%arg8 : memref<416x32xf32, #tpu.memory_space<vmem>>) target(%dma_start3A_104 : memref<416x32xf32, #tpu.memory_space<hbm>>) target_semaphore(%run_scoped3A : memref<!tpu.dma_semaphore, #tpu.memory_space<semaphore_mem>>)
      %dma_wait3A_105 = arith.constant 0 : i32
      %dma_wait3A_106 = tpu.memref_slice %arg5[%add3A_43, %dma_wait3A_105] : memref<106496x32xf32, #tpu.memory_space<hbm>> -> memref<416x32xf32, #tpu.memory_space<hbm>>
      %dma_wait3A_107 = arith.constant 0 : i32
      %dma_wait3A_108 = tpu.memref_slice %arg5[%add3A_43, %dma_wait3A_107] : memref<106496x32xf32, #tpu.memory_space<hbm>> -> memref<416x32xf32, #tpu.memory_space<hbm>>
      tpu.wait_dma2 semaphore(%run_scoped3A : memref<!tpu.dma_semaphore, #tpu.memory_space<semaphore_mem>>) src(%arg8 : memref<416x32xf32, #tpu.memory_space<vmem>>) dst(%dma_wait3A_108 : memref<416x32xf32, #tpu.memory_space<hbm>>)
      tpu.yield
    }) : () -> ()
    %dma_start3A_44 = arith.constant 1664 : i32
    %dma_start3A_45 = tpu.memref_slice %arg7[%dma_start3A_44] : memref<3328xi32, #tpu.memory_space<vmem>> -> memref<416xi32, #tpu.memory_space<vmem>>
    %dma_start3A_46 = arith.constant 0 : i32
    %dma_start3A_47 = arith.constant 0 : i32
    %dma_start3A_48 = tpu.memref_slice %arg3[%dma_start3A_46, %dma_start3A_47] : memref<1000000x32xf32, #tpu.memory_space<hbm>> -> memref<1000000x32xf32, #tpu.memory_space<hbm>>
    tpu.enqueue_indirect_dma source(%dma_start3A_48 : memref<1000000x32xf32, #tpu.memory_space<hbm>>) target(%arg8 : memref<416x32xf32, #tpu.memory_space<vmem>>) offsets(%dma_start3A_45 : memref<416xi32, #tpu.memory_space<vmem>>) semaphore(%arg11 : memref<!tpu.dma_semaphore, #tpu.memory_space<semaphore_mem>>)
    %dma_wait3A_49 = arith.constant 1248 : i32
    %dma_wait3A_50 = tpu.memref_slice %arg7[%dma_wait3A_49] : memref<3328xi32, #tpu.memory_space<vmem>> -> memref<416xi32, #tpu.memory_space<vmem>>
    %dma_wait3A_51 = arith.constant 0 : i32
    %dma_wait3A_52 = arith.constant 0 : i32
    %dma_wait3A_53 = tpu.memref_slice %arg3[%dma_wait3A_51, %dma_wait3A_52] : memref<1000000x32xf32, #tpu.memory_space<hbm>> -> memref<1000000x32xf32, #tpu.memory_space<hbm>>
    tpu.wait_indirect_dma semaphore(%arg12 : memref<!tpu.dma_semaphore, #tpu.memory_space<semaphore_mem>>) src(%dma_wait3A_53 : memref<1000000x32xf32, #tpu.memory_space<hbm>>) dst(%arg9 : memref<416x32xf32, #tpu.memory_space<vmem>>)
    %add3A_54 = arith.constant 1248 : i32
    %add3A_55 = arith.addi %mul3A_2, %add3A_54 : i32
    "tpu.region"() ({
      %run_scoped3A = tpu.sem_alloc : memref<!tpu.dma_semaphore, #tpu.memory_space<semaphore_mem>>
      %dma_start3A_101 = arith.constant 0 : i32
      %dma_start3A_102 = tpu.memref_slice %arg5[%add3A_55, %dma_start3A_101] : memref<106496x32xf32, #tpu.memory_space<hbm>> -> memref<416x32xf32, #tpu.memory_space<hbm>>
      %dma_start3A_103 = arith.constant 0 : i32
      %dma_start3A_104 = tpu.memref_slice %arg5[%add3A_55, %dma_start3A_103] : memref<106496x32xf32, #tpu.memory_space<hbm>> -> memref<416x32xf32, #tpu.memory_space<hbm>>
      tpu.enqueue_dma source(%arg9 : memref<416x32xf32, #tpu.memory_space<vmem>>) target(%dma_start3A_104 : memref<416x32xf32, #tpu.memory_space<hbm>>) target_semaphore(%run_scoped3A : memref<!tpu.dma_semaphore, #tpu.memory_space<semaphore_mem>>)
      %dma_wait3A_105 = arith.constant 0 : i32
      %dma_wait3A_106 = tpu.memref_slice %arg5[%add3A_55, %dma_wait3A_105] : memref<106496x32xf32, #tpu.memory_space<hbm>> -> memref<416x32xf32, #tpu.memory_space<hbm>>
      %dma_wait3A_107 = arith.constant 0 : i32
      %dma_wait3A_108 = tpu.memref_slice %arg5[%add3A_55, %dma_wait3A_107] : memref<106496x32xf32, #tpu.memory_space<hbm>> -> memref<416x32xf32, #tpu.memory_space<hbm>>
      tpu.wait_dma2 semaphore(%run_scoped3A : memref<!tpu.dma_semaphore, #tpu.memory_space<semaphore_mem>>) src(%arg9 : memref<416x32xf32, #tpu.memory_space<vmem>>) dst(%dma_wait3A_108 : memref<416x32xf32, #tpu.memory_space<hbm>>)
      tpu.yield
    }) : () -> ()
    %dma_start3A_56 = arith.constant 2080 : i32
    %dma_start3A_57 = tpu.memref_slice %arg7[%dma_start3A_56] : memref<3328xi32, #tpu.memory_space<vmem>> -> memref<416xi32, #tpu.memory_space<vmem>>
    %dma_start3A_58 = arith.constant 0 : i32
    %dma_start3A_59 = arith.constant 0 : i32
    %dma_start3A_60 = tpu.memref_slice %arg3[%dma_start3A_58, %dma_start3A_59] : memref<1000000x32xf32, #tpu.memory_space<hbm>> -> memref<1000000x32xf32, #tpu.memory_space<hbm>>
    tpu.enqueue_indirect_dma source(%dma_start3A_60 : memref<1000000x32xf32, #tpu.memory_space<hbm>>) target(%arg9 : memref<416x32xf32, #tpu.memory_space<vmem>>) offsets(%dma_start3A_57 : memref<416xi32, #tpu.memory_space<vmem>>) semaphore(%arg12 : memref<!tpu.dma_semaphore, #tpu.memory_space<semaphore_mem>>)
    %dma_wait3A_61 = arith.constant 1664 : i32
    %dma_wait3A_62 = tpu.memref_slice %arg7[%dma_wait3A_61] : memref<3328xi32, #tpu.memory_space<vmem>> -> memref<416xi32, #tpu.memory_space<vmem>>
    %dma_wait3A_63 = arith.constant 0 : i32
    %dma_wait3A_64 = arith.constant 0 : i32
    %dma_wait3A_65 = tpu.memref_slice %arg3[%dma_wait3A_63, %dma_wait3A_64] : memref<1000000x32xf32, #tpu.memory_space<hbm>> -> memref<1000000x32xf32, #tpu.memory_space<hbm>>
    tpu.wait_indirect_dma semaphore(%arg11 : memref<!tpu.dma_semaphore, #tpu.memory_space<semaphore_mem>>) src(%dma_wait3A_65 : memref<1000000x32xf32, #tpu.memory_space<hbm>>) dst(%arg8 : memref<416x32xf32, #tpu.memory_space<vmem>>)
    %add3A_66 = arith.constant 1664 : i32
    %add3A_67 = arith.addi %mul3A_2, %add3A_66 : i32
    "tpu.region"() ({
      %run_scoped3A = tpu.sem_alloc : memref<!tpu.dma_semaphore, #tpu.memory_space<semaphore_mem>>
      %dma_start3A_101 = arith.constant 0 : i32
      %dma_start3A_102 = tpu.memref_slice %arg5[%add3A_67, %dma_start3A_101] : memref<106496x32xf32, #tpu.memory_space<hbm>> -> memref<416x32xf32, #tpu.memory_space<hbm>>
      %dma_start3A_103 = arith.constant 0 : i32
      %dma_start3A_104 = tpu.memref_slice %arg5[%add3A_67, %dma_start3A_103] : memref<106496x32xf32, #tpu.memory_space<hbm>> -> memref<416x32xf32, #tpu.memory_space<hbm>>
      tpu.enqueue_dma source(%arg8 : memref<416x32xf32, #tpu.memory_space<vmem>>) target(%dma_start3A_104 : memref<416x32xf32, #tpu.memory_space<hbm>>) target_semaphore(%run_scoped3A : memref<!tpu.dma_semaphore, #tpu.memory_space<semaphore_mem>>)
      %dma_wait3A_105 = arith.constant 0 : i32
      %dma_wait3A_106 = tpu.memref_slice %arg5[%add3A_67, %dma_wait3A_105] : memref<106496x32xf32, #tpu.memory_space<hbm>> -> memref<416x32xf32, #tpu.memory_space<hbm>>
      %dma_wait3A_107 = arith.constant 0 : i32
      %dma_wait3A_108 = tpu.memref_slice %arg5[%add3A_67, %dma_wait3A_107] : memref<106496x32xf32, #tpu.memory_space<hbm>> -> memref<416x32xf32, #tpu.memory_space<hbm>>
      tpu.wait_dma2 semaphore(%run_scoped3A : memref<!tpu.dma_semaphore, #tpu.memory_space<semaphore_mem>>) src(%arg8 : memref<416x32xf32, #tpu.memory_space<vmem>>) dst(%dma_wait3A_108 : memref<416x32xf32, #tpu.memory_space<hbm>>)
      tpu.yield
    }) : () -> ()
    %dma_start3A_68 = arith.constant 2496 : i32
    %dma_start3A_69 = tpu.memref_slice %arg7[%dma_start3A_68] : memref<3328xi32, #tpu.memory_space<vmem>> -> memref<416xi32, #tpu.memory_space<vmem>>
    %dma_start3A_70 = arith.constant 0 : i32
    %dma_start3A_71 = arith.constant 0 : i32
    %dma_start3A_72 = tpu.memref_slice %arg3[%dma_start3A_70, %dma_start3A_71] : memref<1000000x32xf32, #tpu.memory_space<hbm>> -> memref<1000000x32xf32, #tpu.memory_space<hbm>>
    tpu.enqueue_indirect_dma source(%dma_start3A_72 : memref<1000000x32xf32, #tpu.memory_space<hbm>>) target(%arg8 : memref<416x32xf32, #tpu.memory_space<vmem>>) offsets(%dma_start3A_69 : memref<416xi32, #tpu.memory_space<vmem>>) semaphore(%arg11 : memref<!tpu.dma_semaphore, #tpu.memory_space<semaphore_mem>>)
    %dma_wait3A_73 = arith.constant 2080 : i32
    %dma_wait3A_74 = tpu.memref_slice %arg7[%dma_wait3A_73] : memref<3328xi32, #tpu.memory_space<vmem>> -> memref<416xi32, #tpu.memory_space<vmem>>
    %dma_wait3A_75 = arith.constant 0 : i32
    %dma_wait3A_76 = arith.constant 0 : i32
    %dma_wait3A_77 = tpu.memref_slice %arg3[%dma_wait3A_75, %dma_wait3A_76] : memref<1000000x32xf32, #tpu.memory_space<hbm>> -> memref<1000000x32xf32, #tpu.memory_space<hbm>>
    tpu.wait_indirect_dma semaphore(%arg12 : memref<!tpu.dma_semaphore, #tpu.memory_space<semaphore_mem>>) src(%dma_wait3A_77 : memref<1000000x32xf32, #tpu.memory_space<hbm>>) dst(%arg9 : memref<416x32xf32, #tpu.memory_space<vmem>>)
    %add3A_78 = arith.constant 2080 : i32
    %add3A_79 = arith.addi %mul3A_2, %add3A_78 : i32
    "tpu.region"() ({
      %run_scoped3A = tpu.sem_alloc : memref<!tpu.dma_semaphore, #tpu.memory_space<semaphore_mem>>
      %dma_start3A_101 = arith.constant 0 : i32
      %dma_start3A_102 = tpu.memref_slice %arg5[%add3A_79, %dma_start3A_101] : memref<106496x32xf32, #tpu.memory_space<hbm>> -> memref<416x32xf32, #tpu.memory_space<hbm>>
      %dma_start3A_103 = arith.constant 0 : i32
      %dma_start3A_104 = tpu.memref_slice %arg5[%add3A_79, %dma_start3A_103] : memref<106496x32xf32, #tpu.memory_space<hbm>> -> memref<416x32xf32, #tpu.memory_space<hbm>>
      tpu.enqueue_dma source(%arg9 : memref<416x32xf32, #tpu.memory_space<vmem>>) target(%dma_start3A_104 : memref<416x32xf32, #tpu.memory_space<hbm>>) target_semaphore(%run_scoped3A : memref<!tpu.dma_semaphore, #tpu.memory_space<semaphore_mem>>)
      %dma_wait3A_105 = arith.constant 0 : i32
      %dma_wait3A_106 = tpu.memref_slice %arg5[%add3A_79, %dma_wait3A_105] : memref<106496x32xf32, #tpu.memory_space<hbm>> -> memref<416x32xf32, #tpu.memory_space<hbm>>
      %dma_wait3A_107 = arith.constant 0 : i32
      %dma_wait3A_108 = tpu.memref_slice %arg5[%add3A_79, %dma_wait3A_107] : memref<106496x32xf32, #tpu.memory_space<hbm>> -> memref<416x32xf32, #tpu.memory_space<hbm>>
      tpu.wait_dma2 semaphore(%run_scoped3A : memref<!tpu.dma_semaphore, #tpu.memory_space<semaphore_mem>>) src(%arg9 : memref<416x32xf32, #tpu.memory_space<vmem>>) dst(%dma_wait3A_108 : memref<416x32xf32, #tpu.memory_space<hbm>>)
      tpu.yield
    }) : () -> ()
    %dma_start3A_80 = arith.constant 2912 : i32
    %dma_start3A_81 = tpu.memref_slice %arg7[%dma_start3A_80] : memref<3328xi32, #tpu.memory_space<vmem>> -> memref<416xi32, #tpu.memory_space<vmem>>
    %dma_start3A_82 = arith.constant 0 : i32
    %dma_start3A_83 = arith.constant 0 : i32
    %dma_start3A_84 = tpu.memref_slice %arg3[%dma_start3A_82, %dma_start3A_83] : memref<1000000x32xf32, #tpu.memory_space<hbm>> -> memref<1000000x32xf32, #tpu.memory_space<hbm>>
    tpu.enqueue_indirect_dma source(%dma_start3A_84 : memref<1000000x32xf32, #tpu.memory_space<hbm>>) target(%arg9 : memref<416x32xf32, #tpu.memory_space<vmem>>) offsets(%dma_start3A_81 : memref<416xi32, #tpu.memory_space<vmem>>) semaphore(%arg12 : memref<!tpu.dma_semaphore, #tpu.memory_space<semaphore_mem>>)
    %dma_wait3A_85 = arith.constant 2496 : i32
    %dma_wait3A_86 = tpu.memref_slice %arg7[%dma_wait3A_85] : memref<3328xi32, #tpu.memory_space<vmem>> -> memref<416xi32, #tpu.memory_space<vmem>>
    %dma_wait3A_87 = arith.constant 0 : i32
    %dma_wait3A_88 = arith.constant 0 : i32
    %dma_wait3A_89 = tpu.memref_slice %arg3[%dma_wait3A_87, %dma_wait3A_88] : memref<1000000x32xf32, #tpu.memory_space<hbm>> -> memref<1000000x32xf32, #tpu.memory_space<hbm>>
    tpu.wait_indirect_dma semaphore(%arg11 : memref<!tpu.dma_semaphore, #tpu.memory_space<semaphore_mem>>) src(%dma_wait3A_89 : memref<1000000x32xf32, #tpu.memory_space<hbm>>) dst(%arg8 : memref<416x32xf32, #tpu.memory_space<vmem>>)
    %add3A_90 = arith.constant 2496 : i32
    %add3A_91 = arith.addi %mul3A_2, %add3A_90 : i32
    "tpu.region"() ({
      %run_scoped3A = tpu.sem_alloc : memref<!tpu.dma_semaphore, #tpu.memory_space<semaphore_mem>>
      %dma_start3A_101 = arith.constant 0 : i32
      %dma_start3A_102 = tpu.memref_slice %arg5[%add3A_91, %dma_start3A_101] : memref<106496x32xf32, #tpu.memory_space<hbm>> -> memref<416x32xf32, #tpu.memory_space<hbm>>
      %dma_start3A_103 = arith.constant 0 : i32
      %dma_start3A_104 = tpu.memref_slice %arg5[%add3A_91, %dma_start3A_103] : memref<106496x32xf32, #tpu.memory_space<hbm>> -> memref<416x32xf32, #tpu.memory_space<hbm>>
      tpu.enqueue_dma source(%arg8 : memref<416x32xf32, #tpu.memory_space<vmem>>) target(%dma_start3A_104 : memref<416x32xf32, #tpu.memory_space<hbm>>) target_semaphore(%run_scoped3A : memref<!tpu.dma_semaphore, #tpu.memory_space<semaphore_mem>>)
      %dma_wait3A_105 = arith.constant 0 : i32
      %dma_wait3A_106 = tpu.memref_slice %arg5[%add3A_91, %dma_wait3A_105] : memref<106496x32xf32, #tpu.memory_space<hbm>> -> memref<416x32xf32, #tpu.memory_space<hbm>>
      %dma_wait3A_107 = arith.constant 0 : i32
      %dma_wait3A_108 = tpu.memref_slice %arg5[%add3A_91, %dma_wait3A_107] : memref<106496x32xf32, #tpu.memory_space<hbm>> -> memref<416x32xf32, #tpu.memory_space<hbm>>
      tpu.wait_dma2 semaphore(%run_scoped3A : memref<!tpu.dma_semaphore, #tpu.memory_space<semaphore_mem>>) src(%arg8 : memref<416x32xf32, #tpu.memory_space<vmem>>) dst(%dma_wait3A_108 : memref<416x32xf32, #tpu.memory_space<hbm>>)
      tpu.yield
    }) : () -> ()
    %dma_wait3A_92 = arith.constant 2912 : i32
    %dma_wait3A_93 = tpu.memref_slice %arg7[%dma_wait3A_92] : memref<3328xi32, #tpu.memory_space<vmem>> -> memref<416xi32, #tpu.memory_space<vmem>>
    %dma_wait3A_94 = arith.constant 0 : i32
    %dma_wait3A_95 = arith.constant 0 : i32
    %dma_wait3A_96 = tpu.memref_slice %arg3[%dma_wait3A_94, %dma_wait3A_95] : memref<1000000x32xf32, #tpu.memory_space<hbm>> -> memref<1000000x32xf32, #tpu.memory_space<hbm>>
    tpu.wait_indirect_dma semaphore(%arg12 : memref<!tpu.dma_semaphore, #tpu.memory_space<semaphore_mem>>) src(%dma_wait3A_96 : memref<1000000x32xf32, #tpu.memory_space<hbm>>) dst(%arg9 : memref<416x32xf32, #tpu.memory_space<vmem>>)
    %add3A_97 = arith.constant 2912 : i32
    %add3A_98 = arith.addi %mul3A_2, %add3A_97 : i32
    "tpu.region"() ({
      %run_scoped3A = tpu.sem_alloc : memref<!tpu.dma_semaphore, #tpu.memory_space<semaphore_mem>>
      %dma_start3A_101 = arith.constant 0 : i32
      %dma_start3A_102 = tpu.memref_slice %arg5[%add3A_98, %dma_start3A_101] : memref<106496x32xf32, #tpu.memory_space<hbm>> -> memref<416x32xf32, #tpu.memory_space<hbm>>
      %dma_start3A_103 = arith.constant 0 : i32
      %dma_start3A_104 = tpu.memref_slice %arg5[%add3A_98, %dma_start3A_103] : memref<106496x32xf32, #tpu.memory_space<hbm>> -> memref<416x32xf32, #tpu.memory_space<hbm>>
      tpu.enqueue_dma source(%arg9 : memref<416x32xf32, #tpu.memory_space<vmem>>) target(%dma_start3A_104 : memref<416x32xf32, #tpu.memory_space<hbm>>) target_semaphore(%run_scoped3A : memref<!tpu.dma_semaphore, #tpu.memory_space<semaphore_mem>>)
      %dma_wait3A_105 = arith.constant 0 : i32
      %dma_wait3A_106 = tpu.memref_slice %arg5[%add3A_98, %dma_wait3A_105] : memref<106496x32xf32, #tpu.memory_space<hbm>> -> memref<416x32xf32, #tpu.memory_space<hbm>>
      %dma_wait3A_107 = arith.constant 0 : i32
      %dma_wait3A_108 = tpu.memref_slice %arg5[%add3A_98, %dma_wait3A_107] : memref<106496x32xf32, #tpu.memory_space<hbm>> -> memref<416x32xf32, #tpu.memory_space<hbm>>
      tpu.wait_dma2 semaphore(%run_scoped3A : memref<!tpu.dma_semaphore, #tpu.memory_space<semaphore_mem>>) src(%arg9 : memref<416x32xf32, #tpu.memory_space<vmem>>) dst(%dma_wait3A_108 : memref<416x32xf32, #tpu.memory_space<hbm>>)
      tpu.yield
    }) : () -> ()
    %dma_wait3A_99 = arith.constant 0 : i32
    %dma_wait3A_100 = tpu.memref_slice %arg4[%dma_wait3A_99] : memref<1000000xf32, #tpu.memory_space<hbm>> -> memref<1000000xf32, #tpu.memory_space<hbm>>
    tpu.wait_indirect_dma semaphore(%arg13 : memref<!tpu.dma_semaphore, #tpu.memory_space<semaphore_mem>>) src(%dma_wait3A_100 : memref<1000000xf32, #tpu.memory_space<hbm>>) dst(%arg10 : memref<3328xf32, #tpu.memory_space<vmem>>)
    "tpu.region"() ({
      %run_scoped3A = tpu.sem_alloc : memref<!tpu.dma_semaphore, #tpu.memory_space<semaphore_mem>>
      %dma_start3A_101 = tpu.memref_slice %arg6[%mul3A_2] : memref<106496xf32, #tpu.memory_space<hbm>> -> memref<3328xf32, #tpu.memory_space<hbm>>
      %dma_start3A_102 = tpu.memref_slice %arg6[%mul3A_2] : memref<106496xf32, #tpu.memory_space<hbm>> -> memref<3328xf32, #tpu.memory_space<hbm>>
      tpu.enqueue_dma source(%arg10 : memref<3328xf32, #tpu.memory_space<vmem>>) target(%dma_start3A_102 : memref<3328xf32, #tpu.memory_space<hbm>>) target_semaphore(%run_scoped3A : memref<!tpu.dma_semaphore, #tpu.memory_space<semaphore_mem>>)
      %dma_wait3A_103 = tpu.memref_slice %arg6[%mul3A_2] : memref<106496xf32, #tpu.memory_space<hbm>> -> memref<3328xf32, #tpu.memory_space<hbm>>
      %dma_wait3A_104 = tpu.memref_slice %arg6[%mul3A_2] : memref<106496xf32, #tpu.memory_space<hbm>> -> memref<3328xf32, #tpu.memory_space<hbm>>
      tpu.wait_dma2 semaphore(%run_scoped3A : memref<!tpu.dma_semaphore, #tpu.memory_space<semaphore_mem>>) src(%arg10 : memref<3328xf32, #tpu.memory_space<vmem>>) dst(%dma_wait3A_104 : memref<3328xf32, #tpu.memory_space<hbm>>)
      tpu.yield
    }) : () -> ()
    return
  }
}

module attributes {stable_mosaic.version = 14 : i64} {
  func.func @_mlp_body(%arg0: memref<4096x832xf32, #tpu.memory_space<vmem>>, %arg1: memref<4096x26xf32, #tpu.memory_space<vmem>>, %arg2: memref<1x1xf32, #tpu.memory_space<vmem>>, %arg3: memref<832x32xf32, #tpu.memory_space<vmem>>, %arg4: memref<1x32xf32, #tpu.memory_space<vmem>>, %arg5: memref<1x32xf32, #tpu.memory_space<vmem>>, %arg6: memref<1x32xf32, #tpu.memory_space<vmem>>, %arg7: memref<32x32xf32, #tpu.memory_space<vmem>>, %arg8: memref<1x32xf32, #tpu.memory_space<vmem>>, %arg9: memref<1x32xf32, #tpu.memory_space<vmem>>, %arg10: memref<1x32xf32, #tpu.memory_space<vmem>>, %arg11: memref<32x1xf32, #tpu.memory_space<vmem>>, %arg12: memref<1x1xf32, #tpu.memory_space<vmem>>, %arg13: memref<4096x1xf32, #tpu.memory_space<vmem>>) attributes {dimension_semantics = [], scalar_prefetch = 0 : i64, scratch_operands = 0 : i64, tpu.core_type = #tpu.core_type<tc>} {
    %get3A = arith.constant 0 : index
    %get3A_0 = arith.constant 0 : index
    %get3A_1 = vector.load %arg0[%get3A, %get3A_0] : memref<4096x832xf32, #tpu.memory_space<vmem>>, vector<4096x832xf32>
    %get3A_2 = arith.constant 0 : index
    %get3A_3 = arith.constant 0 : index
    %get3A_4 = vector.load %arg3[%get3A_2, %get3A_3] : memref<832x32xf32, #tpu.memory_space<vmem>>, vector<832x32xf32>
    %dot_general3A = arith.constant dense<0.000000e+00> : vector<4096x32xf32>
    %dot_general3A_5 = tpu.matmul %get3A_1, %get3A_4, %dot_general3A {dimension_numbers = #tpu.dot_dimension_numbers<[1], [0], [0], [1], [0, 0, 1, 1], [], []>, transpose_lhs_hint = false} : vector<4096x832xf32>, vector<832x32xf32>, vector<4096x32xf32> -> vector<4096x32xf32>
    %get3A_6 = arith.constant 0 : index
    %get3A_7 = arith.constant 0 : index
    %get3A_8 = vector.load %arg4[%get3A_6, %get3A_7] : memref<1x32xf32, #tpu.memory_space<vmem>>, vector<1x32xf32>
    %add3A = vector.broadcast %get3A_8 : vector<1x32xf32> to vector<4096x32xf32>
    %add3A_9 = arith.addf %dot_general3A_5, %add3A : vector<4096x32xf32>
    %reduce_sum3A = arith.constant dense<0.000000e+00> : vector<32xf32>
    %reduce_sum3A_10 = vector.multi_reduction <add>, %add3A_9, %reduce_sum3A [0] : vector<4096x32xf32> to vector<32xf32>
    %broadcast_in_dim3A = vector.shape_cast %reduce_sum3A_10 : vector<32xf32> to vector<1x32xf32>
    %div3A = arith.constant 4.096000e+03 : f32
    %div3A_11 = vector.broadcast %div3A : f32 to vector<1x32xf32>
    %div3A_12 = arith.divf %broadcast_in_dim3A, %div3A_11 : vector<1x32xf32>
    %sub3A = vector.broadcast %div3A_12 : vector<1x32xf32> to vector<4096x32xf32>
    %sub3A_13 = arith.subf %add3A_9, %sub3A : vector<4096x32xf32>
    %integer_pow3A = arith.mulf %sub3A_13, %sub3A_13 : vector<4096x32xf32>
    %reduce_sum3A_14 = arith.constant dense<0.000000e+00> : vector<32xf32>
    %reduce_sum3A_15 = vector.multi_reduction <add>, %integer_pow3A, %reduce_sum3A_14 [0] : vector<4096x32xf32> to vector<32xf32>
    %broadcast_in_dim3A_16 = vector.shape_cast %reduce_sum3A_15 : vector<32xf32> to vector<1x32xf32>
    %div3A_17 = arith.constant 4.096000e+03 : f32
    %div3A_18 = vector.broadcast %div3A_17 : f32 to vector<1x32xf32>
    %div3A_19 = arith.divf %broadcast_in_dim3A_16, %div3A_18 : vector<1x32xf32>
    %get3A_20 = arith.constant 0 : index
    %get3A_21 = arith.constant 0 : index
    %get3A_22 = vector.load %arg5[%get3A_20, %get3A_21] : memref<1x32xf32, #tpu.memory_space<vmem>>, vector<1x32xf32>
    %sub3A_23 = vector.broadcast %div3A_12 : vector<1x32xf32> to vector<4096x32xf32>
    %sub3A_24 = arith.subf %add3A_9, %sub3A_23 : vector<4096x32xf32>
    %mul3A = vector.broadcast %get3A_22 : vector<1x32xf32> to vector<4096x32xf32>
    %mul3A_25 = arith.mulf %mul3A, %sub3A_24 : vector<4096x32xf32>
    %add3A_26 = arith.constant 9.99999974E-6 : f32
    %add3A_27 = vector.broadcast %add3A_26 : f32 to vector<1x32xf32>
    %add3A_28 = arith.addf %div3A_19, %add3A_27 : vector<1x32xf32>
    %rsqrt3A = math.rsqrt %add3A_28 : vector<1x32xf32>
    %mul3A_29 = vector.broadcast %rsqrt3A : vector<1x32xf32> to vector<4096x32xf32>
    %mul3A_30 = arith.mulf %mul3A_25, %mul3A_29 : vector<4096x32xf32>
    %get3A_31 = arith.constant 0 : index
    %get3A_32 = arith.constant 0 : index
    %get3A_33 = vector.load %arg6[%get3A_31, %get3A_32] : memref<1x32xf32, #tpu.memory_space<vmem>>, vector<1x32xf32>
    %add3A_34 = vector.broadcast %get3A_33 : vector<1x32xf32> to vector<4096x32xf32>
    %add3A_35 = arith.addf %mul3A_30, %add3A_34 : vector<4096x32xf32>
    %max3A = arith.constant 0.000000e+00 : f32
    %max3A_36 = vector.broadcast %max3A : f32 to vector<4096x32xf32>
    %max3A_37 = arith.maximumf %add3A_35, %max3A_36 : vector<4096x32xf32>
    %get3A_38 = arith.constant 0 : index
    %get3A_39 = arith.constant 0 : index
    %get3A_40 = vector.load %arg7[%get3A_38, %get3A_39] : memref<32x32xf32, #tpu.memory_space<vmem>>, vector<32x32xf32>
    %dot_general3A_41 = arith.constant dense<0.000000e+00> : vector<4096x32xf32>
    %dot_general3A_42 = tpu.matmul %max3A_37, %get3A_40, %dot_general3A_41 {dimension_numbers = #tpu.dot_dimension_numbers<[1], [0], [0], [1], [0, 0, 1, 1], [], []>, transpose_lhs_hint = false} : vector<4096x32xf32>, vector<32x32xf32>, vector<4096x32xf32> -> vector<4096x32xf32>
    %get3A_43 = arith.constant 0 : index
    %get3A_44 = arith.constant 0 : index
    %get3A_45 = vector.load %arg8[%get3A_43, %get3A_44] : memref<1x32xf32, #tpu.memory_space<vmem>>, vector<1x32xf32>
    %add3A_46 = vector.broadcast %get3A_45 : vector<1x32xf32> to vector<4096x32xf32>
    %add3A_47 = arith.addf %dot_general3A_42, %add3A_46 : vector<4096x32xf32>
    %reduce_sum3A_48 = arith.constant dense<0.000000e+00> : vector<32xf32>
    %reduce_sum3A_49 = vector.multi_reduction <add>, %add3A_47, %reduce_sum3A_48 [0] : vector<4096x32xf32> to vector<32xf32>
    %broadcast_in_dim3A_50 = vector.shape_cast %reduce_sum3A_49 : vector<32xf32> to vector<1x32xf32>
    %div3A_51 = arith.constant 4.096000e+03 : f32
    %div3A_52 = vector.broadcast %div3A_51 : f32 to vector<1x32xf32>
    %div3A_53 = arith.divf %broadcast_in_dim3A_50, %div3A_52 : vector<1x32xf32>
    %sub3A_54 = vector.broadcast %div3A_53 : vector<1x32xf32> to vector<4096x32xf32>
    %sub3A_55 = arith.subf %add3A_47, %sub3A_54 : vector<4096x32xf32>
    %integer_pow3A_56 = arith.mulf %sub3A_55, %sub3A_55 : vector<4096x32xf32>
    %reduce_sum3A_57 = arith.constant dense<0.000000e+00> : vector<32xf32>
    %reduce_sum3A_58 = vector.multi_reduction <add>, %integer_pow3A_56, %reduce_sum3A_57 [0] : vector<4096x32xf32> to vector<32xf32>
    %broadcast_in_dim3A_59 = vector.shape_cast %reduce_sum3A_58 : vector<32xf32> to vector<1x32xf32>
    %div3A_60 = arith.constant 4.096000e+03 : f32
    %div3A_61 = vector.broadcast %div3A_60 : f32 to vector<1x32xf32>
    %div3A_62 = arith.divf %broadcast_in_dim3A_59, %div3A_61 : vector<1x32xf32>
    %get3A_63 = arith.constant 0 : index
    %get3A_64 = arith.constant 0 : index
    %get3A_65 = vector.load %arg9[%get3A_63, %get3A_64] : memref<1x32xf32, #tpu.memory_space<vmem>>, vector<1x32xf32>
    %sub3A_66 = vector.broadcast %div3A_53 : vector<1x32xf32> to vector<4096x32xf32>
    %sub3A_67 = arith.subf %add3A_47, %sub3A_66 : vector<4096x32xf32>
    %mul3A_68 = vector.broadcast %get3A_65 : vector<1x32xf32> to vector<4096x32xf32>
    %mul3A_69 = arith.mulf %mul3A_68, %sub3A_67 : vector<4096x32xf32>
    %add3A_70 = arith.constant 9.99999974E-6 : f32
    %add3A_71 = vector.broadcast %add3A_70 : f32 to vector<1x32xf32>
    %add3A_72 = arith.addf %div3A_62, %add3A_71 : vector<1x32xf32>
    %rsqrt3A_73 = math.rsqrt %add3A_72 : vector<1x32xf32>
    %mul3A_74 = vector.broadcast %rsqrt3A_73 : vector<1x32xf32> to vector<4096x32xf32>
    %mul3A_75 = arith.mulf %mul3A_69, %mul3A_74 : vector<4096x32xf32>
    %get3A_76 = arith.constant 0 : index
    %get3A_77 = arith.constant 0 : index
    %get3A_78 = vector.load %arg10[%get3A_76, %get3A_77] : memref<1x32xf32, #tpu.memory_space<vmem>>, vector<1x32xf32>
    %add3A_79 = vector.broadcast %get3A_78 : vector<1x32xf32> to vector<4096x32xf32>
    %add3A_80 = arith.addf %mul3A_75, %add3A_79 : vector<4096x32xf32>
    %max3A_81 = arith.constant 0.000000e+00 : f32
    %max3A_82 = vector.broadcast %max3A_81 : f32 to vector<4096x32xf32>
    %max3A_83 = arith.maximumf %add3A_80, %max3A_82 : vector<4096x32xf32>
    %get3A_84 = arith.constant 0 : index
    %get3A_85 = arith.constant 0 : index
    %get3A_86 = vector.load %arg11[%get3A_84, %get3A_85] : memref<32x1xf32, #tpu.memory_space<vmem>>, vector<32x1xf32>
    %dot_general3A_87 = arith.constant dense<0.000000e+00> : vector<4096x1xf32>
    %dot_general3A_88 = tpu.matmul %max3A_83, %get3A_86, %dot_general3A_87 {dimension_numbers = #tpu.dot_dimension_numbers<[1], [0], [0], [1], [0, 0, 1, 1], [], []>, transpose_lhs_hint = false} : vector<4096x32xf32>, vector<32x1xf32>, vector<4096x1xf32> -> vector<4096x1xf32>
    %get3A_89 = arith.constant 0 : index
    %get3A_90 = arith.constant 0 : index
    %get3A_91 = vector.load %arg12[%get3A_89, %get3A_90] : memref<1x1xf32, #tpu.memory_space<vmem>>, vector<1x1xf32>
    %add3A_92 = vector.broadcast %get3A_91 : vector<1x1xf32> to vector<4096x1xf32>
    %add3A_93 = arith.addf %dot_general3A_88, %add3A_92 : vector<4096x1xf32>
    %get3A_94 = arith.constant 0 : index
    %get3A_95 = arith.constant 0 : index
    %get3A_96 = vector.load %arg1[%get3A_94, %get3A_95] : memref<4096x26xf32, #tpu.memory_space<vmem>>, vector<4096x26xf32>
    %reduce_sum3A_97 = arith.constant dense<0.000000e+00> : vector<4096xf32>
    %reduce_sum3A_98 = vector.multi_reduction <add>, %get3A_96, %reduce_sum3A_97 [1] : vector<4096x26xf32> to vector<4096xf32>
    %broadcast_in_dim3A_99 = vector.shape_cast %reduce_sum3A_98 : vector<4096xf32> to vector<4096x1xf32>
    %get3A_100 = arith.constant 0 : index
    %get3A_101 = arith.constant 0 : index
    %get3A_102 = vector.load %arg2[%get3A_100, %get3A_101] : memref<1x1xf32, #tpu.memory_space<vmem>>, vector<1x1xf32>
    %add3A_103 = vector.broadcast %get3A_102 : vector<1x1xf32> to vector<4096x1xf32>
    %add3A_104 = arith.addf %add3A_103, %broadcast_in_dim3A_99 : vector<4096x1xf32>
    %add3A_105 = arith.addf %add3A_104, %add3A_93 : vector<4096x1xf32>
    %logistic3A = arith.negf %add3A_105 : vector<4096x1xf32>
    %logistic3A_106 = math.exp %logistic3A : vector<4096x1xf32>
    %logistic3A_107 = arith.constant 1.000000e+00 : f32
    %logistic3A_108 = vector.broadcast %logistic3A_107 : f32 to vector<4096x1xf32>
    %logistic3A_109 = arith.addf %logistic3A_108, %logistic3A_106 : vector<4096x1xf32>
    %logistic3A_110 = arith.divf %logistic3A_108, %logistic3A_109 : vector<4096x1xf32>
    %swap3A = arith.constant 0 : index
    %swap3A_111 = arith.constant 0 : index
    %swap3A_112 = vector.load %arg13[%swap3A, %swap3A_111] : memref<4096x1xf32, #tpu.memory_space<vmem>>, vector<4096x1xf32>
    tpu.vector_store %arg13[%swap3A, %swap3A_111], %logistic3A_110 {strides = array<i32>} : memref<4096x1xf32, #tpu.memory_space<vmem>>, vector<4096x1xf32>,
    return
  }
}

</mosaic_0001>

<sc_bundles>
// kernel: kernel.5.cloned.1.call-start
scs
__scs_entry_jumppad:
0x0: {  	(pc) =	sbr.rel $0x88, $3  }
0x1: {  	(tag) =	ssettag $0x0;
	lr =	simm.s32 $0x1  }
0x2: {  	[smem:$0x3F93] =	sst lr;
	_ =	strace $0xD0000000  }
0x3: {  	_ = 	snop  }
0x4: {  	_ = 	snop  }
0x5: {  	_ = 	snop  }
0x6: {  	_ = 	snop  }
0x7: {  	_ = 	snop  }
__scs_overlays_trampoline_lowered:
0x8: {  	[smem:$0x3FA2] =	sst s0  }
0x9: {  	[smem:$0x3FA3] =	sst s1  }
0xa: {  	[smem:$0x3FA4] =	sst s2  }
0xb: {  	[smem:$0x3FA5] =	sst s3  }
0xc: {  	[smem:$0x3FA6] =	sst s4  }
0xd: {  	[smem:$0x3FA7] =	sst s5  }
0xe: {  	[smem:$0x3FA8] =	sst s6  }
0xf: {  	[smem:$0x3FA9] =	sst s7  }
0x10: {  	[smem:$0x3FAA] =	sst s8  }
0x11: {  	[smem:$0x3FAB] =	sst s9;
	s0 =	simm.s32 @!p0 $0x0  }
0x12: {  	s1 =	sld [smem:$0x3F91];
	s0 =	simm.s32 @p0 $0x1  }
0x13: {  	[smem:$0x3FAC] =	sst s0;
	s0 =	simm.s32 @!p1 $0x0  }
0x14: {  	s2 =	sld [smem:$0x3F90];
	s0 =	simm.s32 @p1 $0x1  }
0x15: {  	[smem:$0x3FAD] =	sst s0;
	s0 =	simm.s32 @!p2 $0x0  }
0x16: {  	s3 =	sld [smem:$0x3FDB];
	s0 =	simm.s32 @p2 $0x1  }
0x17: {  	s4 =	simm.s32 $0x1BF5;
	[smem:$0x3FAF] =	sst s0  }
0x18: {  	s0 =	sld [smem:$0x3F92];
	_ =	swait.ge [sflag:s4], $0x0  }
0x19: {  	s7 =	sld [smem:$0x3F93]  }
0x1a: {  	s8 =	sadd.s32 $0xFFFFE003, lr  }
0x1b: {  	s9 =	sadd.s32 $0xFFFFFEF7, lr;
	s5 =	simm.s32 $0xFFFFFFFF;
	p2 =	slt.u32 s8, $0xFFFFF086  }
0x1c: {  	p1 =	slt.u32 s9, $0xF7A;
	s5 =	simm.s32 @!p2 $0x0  }
0x1d: {  	s5 =	simm.s32 @p1 $0x1;
	p0 =	seq.s32 s7, s2  }
0x1e: {  	s7 =	smul.u32 @!p0 $0xF7A, s2;
	p2 =	seq.s32 @!p0 s5, $0x0  }
0x1f: {  	s9 =	smul.u32 $0xF7A, s1;
	s8 =	simm.s32 @!p0 $0x1BF5;
	p2 =	por !p2, p0  }
0x20: {  	[sflag:s8] =	ssyncset.s32 @!p0 $0xFFFFF086;
	s6 =	sadd.s32 @!p0 s3, s7;
	s7 =	simm.s32 @!p0 $0x108  }
0x21: {  	s3 =	sadd.s32 s3, s9;
	s6 =	sadd.s32 @!p0 $0x88, s6;
	s7 =	simm.s32 @p2 $0x1082  }
0x22: {  	[simem:s7], [sflag:s8] =	dma.local @!p0 [hbm:s6], $0xF7A  }
0x23: {  	s9 =	sor.u32 $0xD0000000, s2;
	s6 =	simm.s32 $0x108;
	_ =	swait.ge @!p0 [sflag:s8], $0x0  }
0x24: {  	s3 =	sadd.s32 $0x88, s3;
	s6 =	simm.s32 @!p1 $0x1082;
	[sflag:s4] =	ssyncset.s32 $0xFFFFF086  }
0x25: {  	[simem:s6], [sflag:s4] =	dma.local [hbm:s3], $0xF7A  }
0x26: {  	[smem:$0x3F93] =	sst s1;
	(tag) =	ssettag s2;
	_ =	strace s9  }
0x27: {  	s1 =	sld [smem:$0x3FA3]  }
0x28: {  	s2 =	sld [smem:$0x3FA4]  }
0x29: {  	s4 =	sld [smem:$0x3FA6]  }
0x2a: {  	p0 =	seq.s32 s5, $0x0;
	s5 =	sld [smem:$0x3FA7]  }
0x2b: {  	s6 =	sld [smem:$0x3FA8]  }
0x2c: {  	s7 =	sld [smem:$0x3FA9]  }
0x2d: {  	s3 =	simm.s32 $0x108;
	s8 =	sld [smem:$0x3FAA]  }
0x2e: {  	s3 =	simm.s32 @!p0 $0x1082;
	s9 =	sld [smem:$0x3FAB]  }
0x2f: {  	lr =	sadd.s32 s0, s3;
	s0 =	sld [smem:$0x3FA2]  }
0x30: {  	s3 =	sld [smem:$0x3FA5]  }
0x31: {  	[smem:$0x3FAE] =	sst s10  }
0x32: {  	s10 =	sld [smem:$0x3FAC];
	_ =	sdelay $0x3  }
0x33: {  	p0 =	seq.s32 s10, $0x1;
	s10 =	sld [smem:$0x3FAE];
	_ =	sdelay $0x3  }
0x34: {  	[smem:$0x3FAE] =	sst s10  }
0x35: {  	s10 =	sld [smem:$0x3FAD];
	_ =	sdelay $0x3  }
0x36: {  	p1 =	seq.s32 s10, $0x1;
	s10 =	sld [smem:$0x3FAE];
	_ =	sdelay $0x3  }
0x37: {  	[smem:$0x3FAE] =	sst s10  }
0x38: {  	s10 =	sld [smem:$0x3FAF]  }
0x39: {  	_ = 	snop;
	(pc) =	sbr.ind lr, $3  }
0x3a: {  	_ = 	snop  }
0x3b: {  	_ = 	snop  }
0x3c: {  	p2 =	seq.s32 s10, $0x1;
	s10 =	sld [smem:$0x3FAE]  }
0x3d: {  	_ =	shalt  }
0x3e: {  	_ =	shalt  }
0x3f: {  	_ =	shalt  }
0x40: {  	_ =	shalt  }
0x41: {  	_ =	shalt  }
0x42: {  	_ =	shalt  }
0x43: {  	_ =	shalt  }
0x44: {  	_ =	shalt  }
0x45: {  	_ =	shalt  }
0x46: {  	_ =	shalt  }
0x47: {  	_ =	shalt  }
0x48: {  	_ =	shalt  }
0x49: {  	_ =	shalt  }
0x4a: {  	_ =	shalt  }
0x4b: {  	_ =	shalt  }
0x4c: {  	_ =	shalt  }
0x4d: {  	_ =	shalt  }
0x4e: {  	_ =	shalt  }
0x4f: {  	_ =	shalt  }
0x50: {  	_ =	shalt  }
0x51: {  	_ =	shalt  }
0x52: {  	_ =	shalt  }
0x53: {  	_ =	shalt  }
0x54: {  	_ =	shalt  }
0x55: {  	_ =	shalt  }
0x56: {  	_ =	shalt  }
0x57: {  	_ =	shalt  }
0x58: {  	_ =	shalt  }
0x59: {  	_ =	shalt  }
0x5a: {  	_ =	shalt  }
0x5b: {  	_ =	shalt  }
0x5c: {  	_ =	shalt  }
0x5d: {  	_ =	shalt  }
0x5e: {  	_ =	shalt  }
0x5f: {  	_ =	shalt  }
0x60: {  	_ =	shalt  }
0x61: {  	_ =	shalt  }
0x62: {  	_ =	shalt  }
0x63: {  	_ =	shalt  }
0x64: {  	_ =	shalt  }
0x65: {  	_ =	shalt  }
0x66: {  	_ =	shalt  }
0x67: {  	_ =	shalt  }
0x68: {  	_ =	shalt  }
0x69: {  	_ =	shalt  }
0x6a: {  	_ =	shalt  }
0x6b: {  	_ =	shalt  }
0x6c: {  	_ =	shalt  }
0x6d: {  	_ =	shalt  }
0x6e: {  	_ =	shalt  }
0x6f: {  	_ =	shalt  }
0x70: {  	_ =	shalt  }
0x71: {  	_ =	shalt  }
0x72: {  	_ =	shalt  }
0x73: {  	_ =	shalt  }
0x74: {  	_ =	shalt  }
0x75: {  	_ =	shalt  }
0x76: {  	_ =	shalt  }
0x77: {  	_ =	shalt  }
0x78: {  	_ =	shalt  }
0x79: {  	_ =	shalt  }
0x7a: {  	_ =	shalt  }
0x7b: {  	_ =	shalt  }
0x7c: {  	_ =	shalt  }
0x7d: {  	_ =	shalt  }
0x7e: {  	_ =	shalt  }
0x7f: {  	_ =	shalt  }
0x80: {  	_ =	shalt  }
0x81: {  	_ =	shalt  }
0x82: {  	_ =	shalt  }
0x83: {  	_ =	shalt  }
0x84: {  	_ =	shalt  }
0x85: {  	_ =	shalt  }
0x86: {  	_ =	shalt  }
0x87: {  	_ =	shalt  }
.Lfunc_end0:
.L_simem_size_0:
called_computation_lowered:
.L_overlay_start_0:
0x88: {  	s2 =	sld [smem:$0x3FD9]  }
0x89: {  	s3 =	sld [smem:$0x3FFE];
	_ =	sdelay $0x1  }
0x8a: {  	s1 =	srdreg.scid  }
0x8b: {  	s0 =	sand.u32 $0x1, s1  }
0x8c: {  	s17 =	sshll.u32 s0, $0xA;
	s2 =	sadd.s32 s3, s2  }
0x8d: {  	s2 =	sadd.s32 s2, s17  }
0x8e: {  	[smem:$0x3FBA] =	sst s2  }
0x8f: {  	_ = 	snop  }
0x90: {  	s2 =	sld [smem:$0x3FC6]  }
0x91: {  	s18 =	sld [smem:$0x3FD0];
	(tm) =	ssettm $0x1  }
0x92: {  	s4 =	sld [smem:$0x3FFB];
	_ =	sdelay $0x3  }
0x93: {  	_ =	strace s4  }
0x94: {  	s4 =	sld [smem:$0x3FFC];
	_ =	sdelay $0x3  }
0x95: {  	_ =	strace s4  }
0x96: {  	s4 =	sld [smem:$0x3FFD];
	_ =	sdelay $0x3  }
0x97: {  	_ =	strace s4  }
0x98: {  	_ =	strace $0x8FFFFFFF  }
0x99: {  	s19 =	sld [smem:$0x3FDB];
	_ =	sdelay $0x1  }
0x9a: {  	s5 =	simm.s32 $_scs_section_size  }
0x9b: {  	s6 =	simm.s32 $_size__tile_overlayer_lowered;
	s7 =	simm.s32 $_tile_overlayer_lowered  }
0x9c: {  	s22 =	simm.s32 $0x1BFF;
	s21 =	sshll.u32 s7, $0x1;
	s4 =	sadd.s32 s5, s19  }
0x9d: {  	s8 =	simm.s32 $0x0;
	s20 =	sshll.u32 s6, $0x1;
	s6 =	sadd.s32 s21, s4  }
0x9e: {  	[timem:s8], [sflag:s22] =	dma.local [hbm:s6], s20  }
0x9f: {  	_ =	swait.ge [sflag:s22], s20  }
0xa0: {  	s5 =	ssub.s32 $0x0, s20;
	[sflag:s22] =	ssyncset.done $0x0  }
0xa1: {  	[sflag:s22] =	ssyncadd.s32 s5;
	_ =	sdelay $0x1  }
0xa2: {  	s23 =	simm.s32 $0x1B8B  }
0xa3: {  	_ =	swait.ge [sflag:s23], $0x1  }
0xa4: {  	[sflag:s23] =	ssyncset.done $0x0  }
0xa5: {  	s25 =	simm.s32 $0x1B8E;
	s24 =	sld [smem:$0x3FFE];
	[sflag:s23] =	ssyncadd.s32 $0xFFFFFFFF  }
0xa6: {  	s26 =	simm.s32 $execute0_lowered;
	[smem:$0x3FD2] =	sst s25  }
0xa7: {  	s6 =	sshll.u32 s26, $0x1;
	_ =	strace $0x80000046;
	[dreg:$0x1] =	wrdreg $0xFFFFFFFF  }
0xa8: {  	s28 =	simm.s32 $_size_execute0_lowered;
	s4 =	sadd.s32 s4, s6;
	[dreg:$0x0] =	wrdreg $0x0  }
0xa9: {  	s6 =	sshll.u32 s28, $0x1;
	[dreg:$0x2] =	wrdreg s4  }
0xaa: {  	[dreg:$0x3] =	wrdreg s6  }
0xab: {  	[dreg:$0x4] =	wrdreg $0xC0  }
0xac: {  	_ =	task [dreg:s8], $0x5FFFF  }
0xad: {  	[dreg:$0x1] =	wrdreg $0xFFFFFFFF  }
0xae: {  	[dreg:$0x0] =	wrdreg $0x60  }
0xaf: {  	[dreg:$0x2] =	wrdreg s2  }
0xb0: {  	[dreg:$0x3] =	wrdreg s18  }
0xb1: {  	[dreg:$0x4] =	wrdreg s24  }
0xb2: {  	[dreg:$0x5] =	wrdreg $0x9  }
0xb3: {  	_ =	task.clear_ibuf [dreg:s8], $0x6FFFF;
	_ =	strace $0x90000046  }
0xb4: {  	s29 =	simm.s32 $0x9;
	_ =	strace $0x80000048  }
0xb5: {  	_ =	swait.ge [sflag:s29], $0x1  }
0xb6: {  	[sflag:s29] =	ssyncadd.s32 $0xFFFFFFFF  }
0xb7: {  	_ =	strace $0x90000048  }
0xb8: {  	_ =	sfence  }
0xb9: {  	s30 =	sld [smem:$0x0];
	_ =	sdelay $0x2  }
0xba: {  	s31 =	sshll.u32 s1, $0xD;
	s1 =	sshrl.u32 s1, $0x2  }
0xbb: {  	s3 =	sand.u32 $0x4000, s31;
	s1 =	sadd.s32 s1, s30  }
0xbc: {  	s0 =	sor.u32 s3, s0;
	s1 =	sshll.u32 s1, $0x11  }
0xbd: {  	s0 =	sor.u32 s1, s0  }
0xbe: {  	s0 =	sadd.s32 $0x8F2B, s0  }
0xbf: {  	[sflag:s0] =	ssyncadd.remote.s32 $0x1  }
0xc0: {  	_ =	sfence.sel $0xFFFF  }
0xc1: {  	[dreg:$0x0] =	wrdreg $0xFFFFFFFF;
	(pc) =	sbr.abs _section_cstart, $3  }
0xc2: {  	[dreg:$0x1] =	wrdreg $0xFFFFFFFF  }
0xc3: {  	_ =	task.clear_ibuf [dreg:s8], $0x2FFFF;
	_ =	strace $0x9FFFFFFF  }
0xc4: {  	(tm) =	ssettm $0x7FFFFFFF  }
0xc5: {  	_ =	shalt  }
tec
execute0_lowered:
.L_overlay_start_1:
0x0: {  	(tag) =	ssettag $0x1  }
0x1: {  	v1 =	vlaneseq.u32  }
0x2: {  	v13 =	vmul.u32 $0x20, v1;
	v10 =	vor.u32 $0x10, v1;
	v14 =	vor.u32 $0x20, v1  }
0x3: {  	v16 =	vor.u32 $0x30, v1;
	v18 =	vor.u32 $0x40, v1;
	v20 =	vor.u32 $0x50, v1  }
0x4: {  	v22 =	vor.u32 $0x60, v1;
	v24 =	vor.u32 $0x70, v1;
	v26 =	vor.u32 $0x400, v1  }
0x5: {  	v28 =	vor.u32 $0x410, v1;
	v30 =	vor.u32 $0x420, v1;
	v32 =	vor.u32 $0x430, v1  }
0x6: {  	v34 =	vor.u32 $0x440, v1;
	v36 =	vor.u32 $0x450, v1;
	v38 =	vor.u32 $0x460, v1  }
0x7: {  	v40 =	vor.u32 $0x470, v1;
	v42 =	vor.u32 $0x800, v1;
	v44 =	vor.u32 $0x810, v1  }
0x8: {  	s0 =	rddreg [dreg:$0x0];
	v46 =	vor.u32 $0x820, v1;
	v48 =	vor.u32 $0x830, v1;
	v50 =	vor.u32 $0x840, v1  }
0x9: {  	s1 =	rddreg [dreg:$0x1];
	v52 =	vor.u32 $0x850, v1;
	v54 =	vor.u32 $0x860, v1;
	v56 =	vor.u32 $0x870, v1  }
0xa: {  	s10 =	rddreg [dreg:$0x2];
	v58 =	vor.u32 $0xC00, v1;
	v60 =	vor.u32 $0xC10, v1;
	v62 =	vor.u32 $0xC20, v1  }
0xb: {  	s2 =	rddreg [dreg:$0x3];
	v8 =	vor.u32 $0xC30, v1;
	v12 =	vor.u32 $0xC40, v1;
	v7 =	vor.u32 $0xC50, v1  }
0xc: {  	s3 =	simm.s32 $0x0;
	s5 =	srdreg.scid;
	s4 =	stileid.u32;
	v11 =	vor.u32 $0x200, v13;
	v15 =	vor.u32 $0x400, v13;
	v17 =	vor.u32 $0x600, v13  }
0xd: {  	s12 =	simm.s32 $0x1000;
	s13 =	simm.s32 $0x7A1400;
	s14 =	simm.s32 $0x1;
	v19 =	vor.u32 $0x800, v13;
	v21 =	vor.u32 $0xA00, v13;
	v23 =	vor.u32 $0xC00, v13  }
0xe: {  	s17 =	simm.s32 $0x4000;
	s18 =	simm.s32 $0xC000;
	[smem:$0x7FF] =	sst s3;
	v25 =	vor.u32 $0xE00, v13;
	v27 =	vor.u32 $0x1000, v13;
	v29 =	vor.u32 $0x1200, v13  }
0xf: {  	s15 =	simm.s32 $0x8000;
	s16 =	simm.s32 $0x2;
	_ =	strace $0x80000047;
	[tilespmem:$0x1FFD0] =	vst v7;
	v31 =	vor.u32 $0x1400, v13;
	v33 =	vor.u32 $0x1600, v13;
	v0 =	vor.u32 $0x3A00, v13  }
0x10: {  	s19 =	simm.s32 $0x3;
	s20 =	simm.s32 $0x4;
	s21 =	simm.s32 $0x0;
	v35 =	vor.u32 $0x1800, v13;
	v37 =	vor.u32 $0x1A00, v13;
	v6 =	vor.u32 $0x3E00, v13;
	[tilespmem:$0x1FF80] =	vst v0  }
0x11: {  	s6 =	sand.u32 $0x1, s5;
	s8 =	sshll.u32 s4, $0x1;
	s5 =	sadd.s32 $0x2000, s10;
	v39 =	vor.u32 $0x1C00, v13;
	v41 =	vor.u32 $0x1E00, v13;
	v3 =	vor.u32 $0x3800, v13;
	[tilespmem:$0x1FFC0] =	vst v6  }
.Ltmp0:
0x12: {  	s7 =	ssub.s32 $0x2, s6;
	s6 =	sor.u32 s6, s8;
	v43 =	vor.u32 $0x2000, v13;
	v45 =	vor.u32 $0x2200, v13;
	v47 =	vor.u32 $0x2400, v13;
	[tilespmem:$0x1FFE0] =	vst v3;
	(pc) =	sbr.rel .LBB2_1-.Ltmp0, $4  }
0x13: {  	s10 =	sadd.s32 $0x3D2800, s10;
	v49 =	vor.u32 $0x2600, v13;
	s9 =	sshrl.u32 s7, $0x1;
	v51 =	vor.u32 $0x2800, v13;
	p0 =	seq.s32 s6, $0x0;
	v0 =	vor.u32 $0xC60, v1;
	[tilespmem:$0x1FFF0] =	vst v11  }
0x14: {  	v53 =	vor.u32 $0x2A00, v13;
	v55 =	vor.u32 $0x2C00, v13;
	s8 =	sshll.u32 s6, $0x9;
	s31 =	sshll.u32 s6, $0xB;
	s11 =	ssub.s32 s7, s9;
	[tilespmem:$0x1FF90] =	vst v0;
	v0 =	vor.u32 $0x3C00, v13  }
0x15: {  	v57 =	vor.u32 $0x2E00, v13;
	v59 =	vor.u32 $0x3000, v13;
	s7 =	simm.s32 $0x3E;
	s8 =	sadd.s32 s0, s8;
	s9 =	sadd.s32 s5, s31;
	[tilespmem:$0x1FFA0] =	vst v0;
	v0 =	vor.u32 $0xC70, v1  }
0x16: {  	v61 =	vor.u32 $0x3200, v13;
	v63 =	vor.u32 $0x3400, v13;
	v9 =	vor.u32 $0x3600, v13;
	s7 =	simm.s32 @!p0 $0x3D;
	s11 =	smax.u32 s11, $0x1;
	p0 =	sne.s32 s6, $0x0;
	[tilespmem:$0x1FFB0] =	vst v0  }
.LBB2_9:
0x17: {  	_ =	swait.ge [sflag:s19], $0x4000  }
0x18: {  	[sflag:s19] =	ssyncset.done $0x0  }
0x19: {  	[sflag:s19] =	ssyncadd.s32 $0xFFFFC000  }
0x1a: {  	_ =	swait.ge [sflag:s20], $0x4000  }
0x1b: {  	s22 =	simm.s32 @!p0 $0x0;
	[sflag:s20] =	ssyncset.done $0x0  }
0x1c: {  	s23 =	simm.s32 @!p0 $0x10000;
	s24 =	simm.s32 @!p0 $0x5;
	[sflag:s20] =	ssyncadd.s32 $0xFFFFC000  }
0x1d: {  	[tilespmem:s23], [sflag:$0x5] =	stream.linear.gather @!p0 [hbm4b:s1+s22], $0x800, $0x38;
	[tilespmem:$0x10800] =	vst v63  }
0x1e: {  	s21 =	sadd.s32 $0x1, s21;
	_ =	swait.ge @!p0 [sflag:s24], $0x800  }
0x1f: {  	p1 =	sne.s32 s21, s11;
	[sflag:s24] =	ssyncset.done @!p0 $0x0  }
.Ltmp1:
0x20: {  	[sflag:s24] =	ssyncadd.s32 @!p0 $0xFFFFF800;
	(pc) =	sbr.rel @!p1 .LBB2_10-.Ltmp1, $4  }
0x21: {  	[hbm4b:s10+s22] =	stream.linear.scatter @!p0 [tilespmem:s23], [sflag:$0x5], $0x800, $0x38;
	[tilespmem:$0x10800] =	vst v63  }
0x22: {  	_ =	swait.ge @!p0 [sflag:s24], $0x800  }
0x23: {  	[sflag:s24] =	ssyncset.done @!p0 $0x0  }
0x24: {  	[sflag:s24] =	ssyncadd.s32 @!p0 $0xFFFFF800  }
.LBB2_1:
.Ltmp2:
0x25: {  	(pc) =	sbr.rel .LBB2_2-.Ltmp2, $3  }
0x26: {  	_ =	sdelay $0x1  }
0x27: {  	[tilespmem:s3], [sflag:$0x1] =	stream.strided.gather [hbm4b:s8+s12], $0x4000, s13, s12, $0x38;
	[tilespmem:$0x10800] =	vst v63  }
0x28: {  	s22 =	simm.s32 $0x0  }
.LBB2_8:
0x29: {  	s22 =	sadd.s32 $0x1, s22  }
0x2a: {  	p1 =	sne.s32 s22, $0x1F  }
.Ltmp3:
0x2b: {  	_ = 	snop;
	(pc) =	sbr.rel @!p1 .LBB2_9-.Ltmp3, $1  }
0x2c: {  	_ =	sdelay $0x3  }
.LBB2_2:
0x2d: {  	s24 =	sshllo.u32 s22, $0x1  }
0x2e: {  	s23 =	sshll.u32 s24, $0x5  }
0x2f: {  	p1 =	sge.u32 s24, s7;
	s23 =	sor.u32 s6, s23  }
0x30: {  	s25 =	simm.s32 $0x0;
	s24 =	sshll.u32 @!p1 s23, $0x9  }
0x31: {  	v0 =	vadd.s32 s25, v1;
	s25 =	simm.s32 @!p1 $0x1000;
	s24 =	sand.u32 @!p1 $0x1FFFFE00, s24  }
0x32: {  	s26 =	simm.s32 @!p1 $0x7A1400;
	s28 =	simm.s32 @!p1 $0x4000;
	v1 =	vshll.u32 v0, $0x9;
	v2 =	vshll.u32 v0, $0x7;
	s24 =	sadd.s32 @!p1 s0, s24  }
0x33: {  	v1 =	vand.u32 $0x3000, v1;
	v2 =	vand.u32 $0x380, v2;
	[tilespmem:s28], [sflag:$0x2] =	stream.strided.gather @!p1 [hbm4b:s24+s25], $0x4000, s26, s25, $0x38;
	[tilespmem:$0x10800] =	vst v63  }
0x34: {  	v5 =	vlaneseq.u32;
	v1 =	vor.u32 v2, v1;
	_ =	swait.ge [sflag:s14], $0x4000  }
0x35: {  	p2 =	seq.s32 s22, $0x0;
	v2 =	vor.u32 v5, v1;
	[sflag:s14] =	ssyncset.done $0x0  }
0x36: {  	s24 =	simm.s32 @!p2 $0x3;
	[sflag:s14] =	ssyncadd.s32 $0xFFFFC000  }
0x37: {  	_ =	swait.ge @!p2 [sflag:s24], $0x4000  }
0x38: {  	[sflag:s24] =	ssyncset.done @!p2 $0x0  }
0x39: {  	v0 =	vand.u32 $0x1F, v0;
	[sflag:s24] =	ssyncadd.s32 @!p2 $0xFFFFC000  }
0x3a: {  	v6 =	vmov v3;
	v3 =	vor.u32 v13, v0;
	v2 =	vld.idx.msk [tilespmem:v2+s3+$0x0], $0xffff  }
0x3b: {  	v4 =	vor.u32 v10, v1;
	_ =	sdelay $0x3  }
0x3c: {  	[tilespmem:v3+s15+$0x0] =	vst.idx.msk $0xffff, v2  }
0x3d: {  	v3 =	vor.u32 v11, v0;
	v2 =	vld.idx.msk [tilespmem:v4+s3+$0x0], $0xffff  }
0x3e: {  	v4 =	vor.u32 v14, v1;
	_ =	sdelay $0x3  }
0x3f: {  	[tilespmem:v3+s15+$0x0] =	vst.idx.msk $0xffff, v2  }
0x40: {  	v3 =	vor.u32 v15, v0;
	v2 =	vld.idx.msk [tilespmem:v4+s3+$0x0], $0xffff  }
0x41: {  	v4 =	vor.u32 v16, v1;
	_ =	sdelay $0x3  }
0x42: {  	[tilespmem:v3+s15+$0x0] =	vst.idx.msk $0xffff, v2  }
0x43: {  	v3 =	vor.u32 v17, v0;
	v2 =	vld.idx.msk [tilespmem:v4+s3+$0x0], $0xffff  }
0x44: {  	v4 =	vor.u32 v18, v1;
	_ =	sdelay $0x3  }
0x45: {  	[tilespmem:v3+s15+$0x0] =	vst.idx.msk $0xffff, v2  }
0x46: {  	v3 =	vor.u32 v19, v0;
	v2 =	vld.idx.msk [tilespmem:v4+s3+$0x0], $0xffff  }
0x47: {  	v4 =	vor.u32 v20, v1;
	_ =	sdelay $0x3  }
0x48: {  	[tilespmem:v3+s15+$0x0] =	vst.idx.msk $0xffff, v2  }
0x49: {  	v3 =	vor.u32 v21, v0;
	v2 =	vld.idx.msk [tilespmem:v4+s3+$0x0], $0xffff  }
0x4a: {  	v4 =	vor.u32 v22, v1;
	_ =	sdelay $0x3  }
0x4b: {  	[tilespmem:v3+s15+$0x0] =	vst.idx.msk $0xffff, v2  }
0x4c: {  	v3 =	vor.u32 v23, v0;
	v2 =	vld.idx.msk [tilespmem:v4+s3+$0x0], $0xffff  }
0x4d: {  	v4 =	vor.u32 v24, v1;
	_ =	sdelay $0x3  }
0x4e: {  	[tilespmem:v3+s15+$0x0] =	vst.idx.msk $0xffff, v2  }
0x4f: {  	v3 =	vor.u32 v25, v0;
	v2 =	vld.idx.msk [tilespmem:v4+s3+$0x0], $0xffff  }
0x50: {  	v4 =	vor.u32 v26, v1;
	_ =	sdelay $0x3  }
0x51: {  	[tilespmem:v3+s15+$0x0] =	vst.idx.msk $0xffff, v2  }
0x52: {  	v3 =	vor.u32 v27, v0;
	v2 =	vld.idx.msk [tilespmem:v4+s3+$0x0], $0xffff  }
0x53: {  	v4 =	vor.u32 v28, v1;
	_ =	sdelay $0x3  }
0x54: {  	[tilespmem:v3+s15+$0x0] =	vst.idx.msk $0xffff, v2  }
0x55: {  	v3 =	vor.u32 v29, v0;
	v2 =	vld.idx.msk [tilespmem:v4+s3+$0x0], $0xffff  }
0x56: {  	v4 =	vor.u32 v30, v1;
	_ =	sdelay $0x3  }
0x57: {  	[tilespmem:v3+s15+$0x0] =	vst.idx.msk $0xffff, v2  }
0x58: {  	v3 =	vor.u32 v31, v0;
	v2 =	vld.idx.msk [tilespmem:v4+s3+$0x0], $0xffff  }
0x59: {  	v4 =	vor.u32 v32, v1;
	_ =	sdelay $0x3  }
0x5a: {  	[tilespmem:v3+s15+$0x0] =	vst.idx.msk $0xffff, v2  }
0x5b: {  	v3 =	vor.u32 v33, v0;
	v2 =	vld.idx.msk [tilespmem:v4+s3+$0x0], $0xffff  }
0x5c: {  	v4 =	vor.u32 v34, v1;
	_ =	sdelay $0x3  }
0x5d: {  	[tilespmem:v3+s15+$0x0] =	vst.idx.msk $0xffff, v2  }
0x5e: {  	v3 =	vor.u32 v35, v0;
	v2 =	vld.idx.msk [tilespmem:v4+s3+$0x0], $0xffff  }
0x5f: {  	v4 =	vor.u32 v36, v1;
	_ =	sdelay $0x3  }
0x60: {  	[tilespmem:v3+s15+$0x0] =	vst.idx.msk $0xffff, v2  }
0x61: {  	v3 =	vor.u32 v37, v0;
	v2 =	vld.idx.msk [tilespmem:v4+s3+$0x0], $0xffff  }
0x62: {  	v4 =	vor.u32 v38, v1;
	_ =	sdelay $0x3  }
0x63: {  	[tilespmem:v3+s15+$0x0] =	vst.idx.msk $0xffff, v2  }
0x64: {  	v3 =	vor.u32 v39, v0;
	v2 =	vld.idx.msk [tilespmem:v4+s3+$0x0], $0xffff  }
0x65: {  	v4 =	vor.u32 v40, v1;
	_ =	sdelay $0x3  }
0x66: {  	[tilespmem:v3+s15+$0x0] =	vst.idx.msk $0xffff, v2  }
0x67: {  	v3 =	vor.u32 v41, v0;
	v2 =	vld.idx.msk [tilespmem:v4+s3+$0x0], $0xffff  }
0x68: {  	v4 =	vor.u32 v42, v1;
	_ =	sdelay $0x3  }
0x69: {  	[tilespmem:v3+s15+$0x0] =	vst.idx.msk $0xffff, v2  }
0x6a: {  	v3 =	vor.u32 v43, v0;
	v2 =	vld.idx.msk [tilespmem:v4+s3+$0x0], $0xffff  }
0x6b: {  	v4 =	vor.u32 v44, v1;
	_ =	sdelay $0x3  }
0x6c: {  	[tilespmem:v3+s15+$0x0] =	vst.idx.msk $0xffff, v2  }
0x6d: {  	v3 =	vor.u32 v45, v0;
	v2 =	vld.idx.msk [tilespmem:v4+s3+$0x0], $0xffff  }
0x6e: {  	v4 =	vor.u32 v46, v1;
	_ =	sdelay $0x3  }
0x6f: {  	[tilespmem:v3+s15+$0x0] =	vst.idx.msk $0xffff, v2  }
0x70: {  	v3 =	vor.u32 v47, v0;
	v2 =	vld.idx.msk [tilespmem:v4+s3+$0x0], $0xffff  }
0x71: {  	v4 =	vor.u32 v48, v1;
	_ =	sdelay $0x3  }
0x72: {  	[tilespmem:v3+s15+$0x0] =	vst.idx.msk $0xffff, v2  }
0x73: {  	v3 =	vor.u32 v49, v0;
	v2 =	vld.idx.msk [tilespmem:v4+s3+$0x0], $0xffff  }
0x74: {  	v4 =	vor.u32 v50, v1;
	_ =	sdelay $0x3  }
0x75: {  	[tilespmem:v3+s15+$0x0] =	vst.idx.msk $0xffff, v2  }
0x76: {  	v3 =	vor.u32 v51, v0;
	v2 =	vld.idx.msk [tilespmem:v4+s3+$0x0], $0xffff  }
0x77: {  	v4 =	vor.u32 v52, v1;
	_ =	sdelay $0x3  }
0x78: {  	[tilespmem:v3+s15+$0x0] =	vst.idx.msk $0xffff, v2  }
0x79: {  	v3 =	vor.u32 v53, v0;
	v2 =	vld.idx.msk [tilespmem:v4+s3+$0x0], $0xffff  }
0x7a: {  	v4 =	vor.u32 v54, v1;
	_ =	sdelay $0x3  }
0x7b: {  	[tilespmem:v3+s15+$0x0] =	vst.idx.msk $0xffff, v2  }
0x7c: {  	v3 =	vor.u32 v55, v0;
	v2 =	vld.idx.msk [tilespmem:v4+s3+$0x0], $0xffff  }
0x7d: {  	v4 =	vor.u32 v56, v1;
	_ =	sdelay $0x3  }
0x7e: {  	[tilespmem:v3+s15+$0x0] =	vst.idx.msk $0xffff, v2  }
0x7f: {  	v3 =	vor.u32 v57, v0;
	v2 =	vld.idx.msk [tilespmem:v4+s3+$0x0], $0xffff  }
0x80: {  	v4 =	vor.u32 v58, v1;
	_ =	sdelay $0x3  }
0x81: {  	[tilespmem:v3+s15+$0x0] =	vst.idx.msk $0xffff, v2  }
0x82: {  	v3 =	vor.u32 v59, v0;
	v2 =	vld.idx.msk [tilespmem:v4+s3+$0x0], $0xffff  }
0x83: {  	v4 =	vor.u32 v60, v1;
	_ =	sdelay $0x3  }
0x84: {  	[tilespmem:v3+s15+$0x0] =	vst.idx.msk $0xffff, v2  }
0x85: {  	v3 =	vor.u32 v61, v0;
	v2 =	vld.idx.msk [tilespmem:v4+s3+$0x0], $0xffff  }
0x86: {  	v4 =	vor.u32 v62, v1;
	_ =	sdelay $0x3  }
0x87: {  	[tilespmem:v3+s15+$0x0] =	vst.idx.msk $0xffff, v2  }
0x88: {  	v3 =	vor.u32 v63, v0;
	v2 =	vld.idx.msk [tilespmem:v4+s3+$0x0], $0xffff  }
0x89: {  	v4 =	vor.u32 v8, v1;
	_ =	sdelay $0x3  }
0x8a: {  	[tilespmem:v3+s15+$0x0] =	vst.idx.msk $0xffff, v2  }
0x8b: {  	v3 =	vor.u32 v9, v0;
	v2 =	vld.idx.msk [tilespmem:v4+s3+$0x0], $0xffff  }
0x8c: {  	v4 =	vor.u32 v12, v1;
	_ =	sdelay $0x3  }
0x8d: {  	[tilespmem:v3+s15+$0x0] =	vst.idx.msk $0xffff, v2  }
0x8e: {  	v3 =	vor.u32 v6, v0;
	v2 =	vld.idx.msk [tilespmem:v4+s3+$0x0], $0xffff;
	_ =	sdelay $0x2  }
0x8f: {  	v4 =	vor.u32 v7, v1;
	_ =	sdelay $0x1  }
0x90: {  	[tilespmem:v3+s15+$0x0] =	vst.idx.msk $0xffff, v2;
	v3 =	vld [tilespmem:$0x1FF80];
	_ =	sdelay $0x2  }
0x91: {  	v2 =	vld.idx.msk [tilespmem:v4+s3+$0x0], $0xffff  }
0x92: {  	v4 =	vld [tilespmem:$0x1FF90]  }
0x93: {  	v3 =	vor.u32 v3, v0;
	_ =	sdelay $0x3  }
0x94: {  	v4 =	vor.u32 v4, v1  }
0x95: {  	[tilespmem:v3+s15+$0x0] =	vst.idx.msk $0xffff, v2;
	v2 =	vld [tilespmem:$0x1FFA0];
	_ =	sdelay $0x3  }
0x96: {  	v3 =	vld.idx.msk [tilespmem:v4+s3+$0x0], $0xffff  }
0x97: {  	v4 =	vor.u32 v2, v0;
	v2 =	vld [tilespmem:$0x1FFB0];
	_ =	sdelay $0x3  }
0x98: {  	s31 =	simm.s32 $0x1  }
0x99: {  	s25 =	simm.s32 $0x2;
	s24 =	sshll.u32 s22, $0x1;
	v7 =	vlaneseq.u32;
	v1 =	vor.u32 v2, v1;
	v2 =	vadd.s32 s31, v5  }
.LBB2_3:
0x9a: {  	_ =	sdelay $0x2  }
0x9b: {  	v5 =	vshll.u32 v2, $0x9;
	v6 =	vshll.u32 v2, $0x7;
	[tilespmem:v4+s15+$0x0] =	vst.idx.msk $0xffff, v3  }
0x9c: {  	v3 =	vand.u32 $0x3000, v5;
	v4 =	vand.u32 $0x380, v6;
	v5 =	vld.idx.msk [tilespmem:v1+s3+$0x0], $0xffff  }
0x9d: {  	v1 =	vor.u32 v4, v3;
	v3 =	vld [tilespmem:$0x1FFC0];
	_ =	sdelay $0x4  }
0x9e: {  	v0 =	vor.u32 v3, v0  }
0x9f: {  	v3 =	vor.u32 v7, v1;
	_ =	sdelay $0x3  }
0xa0: {  	[tilespmem:v0+s15+$0x0] =	vst.idx.msk $0xffff, v5;
	v0 =	vand.u32 $0x1F, v2  }
0xa1: {  	v2 =	vld.idx.msk [tilespmem:v3+s3+$0x0], $0xffff;
	v3 =	vor.u32 v13, v0  }
0xa2: {  	v4 =	vor.u32 v10, v1;
	_ =	sdelay $0x3  }
0xa3: {  	[tilespmem:v3+s15+$0x0] =	vst.idx.msk $0xffff, v2  }
0xa4: {  	v3 =	vor.u32 v11, v0;
	v2 =	vld.idx.msk [tilespmem:v4+s3+$0x0], $0xffff  }
0xa5: {  	v4 =	vor.u32 v14, v1;
	_ =	sdelay $0x3  }
0xa6: {  	[tilespmem:v3+s15+$0x0] =	vst.idx.msk $0xffff, v2  }
0xa7: {  	v3 =	vor.u32 v15, v0;
	v2 =	vld.idx.msk [tilespmem:v4+s3+$0x0], $0xffff  }
0xa8: {  	v4 =	vor.u32 v16, v1;
	_ =	sdelay $0x3  }
0xa9: {  	[tilespmem:v3+s15+$0x0] =	vst.idx.msk $0xffff, v2  }
0xaa: {  	v3 =	vor.u32 v17, v0;
	v2 =	vld.idx.msk [tilespmem:v4+s3+$0x0], $0xffff  }
0xab: {  	v4 =	vor.u32 v18, v1;
	_ =	sdelay $0x3  }
0xac: {  	[tilespmem:v3+s15+$0x0] =	vst.idx.msk $0xffff, v2  }
0xad: {  	v3 =	vor.u32 v19, v0;
	v2 =	vld.idx.msk [tilespmem:v4+s3+$0x0], $0xffff  }
0xae: {  	v4 =	vor.u32 v20, v1;
	_ =	sdelay $0x3  }
0xaf: {  	[tilespmem:v3+s15+$0x0] =	vst.idx.msk $0xffff, v2  }
0xb0: {  	v3 =	vor.u32 v21, v0;
	v2 =	vld.idx.msk [tilespmem:v4+s3+$0x0], $0xffff  }
0xb1: {  	v4 =	vor.u32 v22, v1;
	_ =	sdelay $0x3  }
0xb2: {  	[tilespmem:v3+s15+$0x0] =	vst.idx.msk $0xffff, v2  }
0xb3: {  	v3 =	vor.u32 v23, v0;
	v2 =	vld.idx.msk [tilespmem:v4+s3+$0x0], $0xffff  }
0xb4: {  	v4 =	vor.u32 v24, v1;
	_ =	sdelay $0x3  }
0xb5: {  	[tilespmem:v3+s15+$0x0] =	vst.idx.msk $0xffff, v2  }
0xb6: {  	v3 =	vor.u32 v25, v0;
	v2 =	vld.idx.msk [tilespmem:v4+s3+$0x0], $0xffff  }
0xb7: {  	v4 =	vor.u32 v26, v1;
	_ =	sdelay $0x3  }
0xb8: {  	[tilespmem:v3+s15+$0x0] =	vst.idx.msk $0xffff, v2  }
0xb9: {  	v3 =	vor.u32 v27, v0;
	v2 =	vld.idx.msk [tilespmem:v4+s3+$0x0], $0xffff  }
0xba: {  	v4 =	vor.u32 v28, v1;
	_ =	sdelay $0x3  }
0xbb: {  	[tilespmem:v3+s15+$0x0] =	vst.idx.msk $0xffff, v2  }
0xbc: {  	v3 =	vor.u32 v29, v0;
	v2 =	vld.idx.msk [tilespmem:v4+s3+$0x0], $0xffff  }
0xbd: {  	v4 =	vor.u32 v30, v1;
	_ =	sdelay $0x3  }
0xbe: {  	[tilespmem:v3+s15+$0x0] =	vst.idx.msk $0xffff, v2  }
0xbf: {  	v3 =	vor.u32 v31, v0;
	v2 =	vld.idx.msk [tilespmem:v4+s3+$0x0], $0xffff  }
0xc0: {  	v4 =	vor.u32 v32, v1;
	_ =	sdelay $0x3  }
0xc1: {  	[tilespmem:v3+s15+$0x0] =	vst.idx.msk $0xffff, v2  }
0xc2: {  	v3 =	vor.u32 v33, v0;
	v2 =	vld.idx.msk [tilespmem:v4+s3+$0x0], $0xffff  }
0xc3: {  	v4 =	vor.u32 v34, v1;
	_ =	sdelay $0x3  }
0xc4: {  	[tilespmem:v3+s15+$0x0] =	vst.idx.msk $0xffff, v2  }
0xc5: {  	v3 =	vor.u32 v35, v0;
	v2 =	vld.idx.msk [tilespmem:v4+s3+$0x0], $0xffff  }
0xc6: {  	v4 =	vor.u32 v36, v1;
	_ =	sdelay $0x3  }
0xc7: {  	[tilespmem:v3+s15+$0x0] =	vst.idx.msk $0xffff, v2  }
0xc8: {  	v3 =	vor.u32 v37, v0;
	v2 =	vld.idx.msk [tilespmem:v4+s3+$0x0], $0xffff  }
0xc9: {  	v4 =	vor.u32 v38, v1;
	_ =	sdelay $0x3  }
0xca: {  	[tilespmem:v3+s15+$0x0] =	vst.idx.msk $0xffff, v2  }
0xcb: {  	v3 =	vor.u32 v39, v0;
	v2 =	vld.idx.msk [tilespmem:v4+s3+$0x0], $0xffff  }
0xcc: {  	v4 =	vor.u32 v40, v1;
	_ =	sdelay $0x3  }
0xcd: {  	[tilespmem:v3+s15+$0x0] =	vst.idx.msk $0xffff, v2  }
0xce: {  	v3 =	vor.u32 v41, v0;
	v2 =	vld.idx.msk [tilespmem:v4+s3+$0x0], $0xffff  }
0xcf: {  	v4 =	vor.u32 v42, v1;
	_ =	sdelay $0x3  }
0xd0: {  	[tilespmem:v3+s15+$0x0] =	vst.idx.msk $0xffff, v2  }
0xd1: {  	v3 =	vor.u32 v43, v0;
	v2 =	vld.idx.msk [tilespmem:v4+s3+$0x0], $0xffff  }
0xd2: {  	v4 =	vor.u32 v44, v1;
	_ =	sdelay $0x3  }
0xd3: {  	[tilespmem:v3+s15+$0x0] =	vst.idx.msk $0xffff, v2  }
0xd4: {  	v3 =	vor.u32 v45, v0;
	v2 =	vld.idx.msk [tilespmem:v4+s3+$0x0], $0xffff  }
0xd5: {  	v4 =	vor.u32 v46, v1;
	_ =	sdelay $0x3  }
0xd6: {  	[tilespmem:v3+s15+$0x0] =	vst.idx.msk $0xffff, v2  }
0xd7: {  	v3 =	vor.u32 v47, v0;
	v2 =	vld.idx.msk [tilespmem:v4+s3+$0x0], $0xffff  }
0xd8: {  	v4 =	vor.u32 v48, v1;
	_ =	sdelay $0x3  }
0xd9: {  	[tilespmem:v3+s15+$0x0] =	vst.idx.msk $0xffff, v2  }
0xda: {  	v3 =	vor.u32 v49, v0;
	v2 =	vld.idx.msk [tilespmem:v4+s3+$0x0], $0xffff  }
0xdb: {  	v4 =	vor.u32 v50, v1;
	_ =	sdelay $0x3  }
0xdc: {  	[tilespmem:v3+s15+$0x0] =	vst.idx.msk $0xffff, v2  }
0xdd: {  	v3 =	vor.u32 v51, v0;
	v2 =	vld.idx.msk [tilespmem:v4+s3+$0x0], $0xffff  }
0xde: {  	v4 =	vor.u32 v52, v1;
	_ =	sdelay $0x3  }
0xdf: {  	[tilespmem:v3+s15+$0x0] =	vst.idx.msk $0xffff, v2  }
0xe0: {  	v3 =	vor.u32 v53, v0;
	v2 =	vld.idx.msk [tilespmem:v4+s3+$0x0], $0xffff  }
0xe1: {  	v4 =	vor.u32 v54, v1;
	_ =	sdelay $0x3  }
0xe2: {  	[tilespmem:v3+s15+$0x0] =	vst.idx.msk $0xffff, v2  }
0xe3: {  	v3 =	vor.u32 v55, v0;
	v2 =	vld.idx.msk [tilespmem:v4+s3+$0x0], $0xffff  }
0xe4: {  	v4 =	vor.u32 v56, v1;
	_ =	sdelay $0x3  }
0xe5: {  	[tilespmem:v3+s15+$0x0] =	vst.idx.msk $0xffff, v2  }
0xe6: {  	v3 =	vor.u32 v57, v0;
	v2 =	vld.idx.msk [tilespmem:v4+s3+$0x0], $0xffff  }
0xe7: {  	v4 =	vor.u32 v58, v1;
	_ =	sdelay $0x3  }
0xe8: {  	[tilespmem:v3+s15+$0x0] =	vst.idx.msk $0xffff, v2  }
0xe9: {  	v3 =	vor.u32 v59, v0;
	v2 =	vld.idx.msk [tilespmem:v4+s3+$0x0], $0xffff  }
0xea: {  	v4 =	vor.u32 v60, v1;
	_ =	sdelay $0x3  }
0xeb: {  	[tilespmem:v3+s15+$0x0] =	vst.idx.msk $0xffff, v2  }
0xec: {  	v3 =	vor.u32 v61, v0;
	v2 =	vld.idx.msk [tilespmem:v4+s3+$0x0], $0xffff  }
0xed: {  	v4 =	vor.u32 v62, v1;
	_ =	sdelay $0x3  }
0xee: {  	[tilespmem:v3+s15+$0x0] =	vst.idx.msk $0xffff, v2  }
0xef: {  	v3 =	vor.u32 v63, v0;
	v2 =	vld.idx.msk [tilespmem:v4+s3+$0x0], $0xffff  }
0xf0: {  	v4 =	vor.u32 v8, v1;
	_ =	sdelay $0x3  }
0xf1: {  	[tilespmem:v3+s15+$0x0] =	vst.idx.msk $0xffff, v2  }
0xf2: {  	v3 =	vor.u32 v9, v0;
	v2 =	vld.idx.msk [tilespmem:v4+s3+$0x0], $0xffff;
	_ =	sdelay $0x1  }
0xf3: {  	v4 =	vor.u32 v12, v1;
	_ =	sdelay $0x2  }
0xf4: {  	[tilespmem:v3+s15+$0x0] =	vst.idx.msk $0xffff, v2;
	v3 =	vld [tilespmem:$0x1FFE0];
	_ =	sdelay $0x1  }
0xf5: {  	v2 =	vld.idx.msk [tilespmem:v4+s3+$0x0], $0xffff  }
0xf6: {  	v4 =	vld [tilespmem:$0x1FFD0];
	_ =	sdelay $0x1  }
0xf7: {  	v3 =	vor.u32 v3, v0;
	_ =	sdelay $0x2  }
0xf8: {  	v4 =	vor.u32 v4, v1;
	_ =	sdelay $0x1  }
0xf9: {  	[tilespmem:v3+s15+$0x0] =	vst.idx.msk $0xffff, v2;
	v3 =	vld [tilespmem:$0x1FF80];
	_ =	sdelay $0x2  }
0xfa: {  	v2 =	vld.idx.msk [tilespmem:v4+s3+$0x0], $0xffff  }
0xfb: {  	v4 =	vld [tilespmem:$0x1FF90]  }
0xfc: {  	v3 =	vor.u32 v3, v0;
	_ =	sdelay $0x3  }
0xfd: {  	v4 =	vor.u32 v4, v1  }
0xfe: {  	[tilespmem:v3+s15+$0x0] =	vst.idx.msk $0xffff, v2;
	v2 =	vld [tilespmem:$0x1FFA0];
	_ =	sdelay $0x3  }
0xff: {  	v3 =	vld.idx.msk [tilespmem:v4+s3+$0x0], $0xffff  }
0x100: {  	p3 =	sne.s32 s25, $0x1F;
	v4 =	vor.u32 v2, v0;
	v2 =	vld [tilespmem:$0x1FFB0]  }
.Ltmp4:
0x101: {  	_ = 	snop;
	(pc) =	sbr.rel @p3 .LBB2_3-.Ltmp4, $2  }
0x102: {  	_ =	sdelay $0x2  }
0x103: {  	v1 =	vor.u32 v2, v1;
	v2 =	vadd.s32 s25, v7;
	s25 =	sadd.s32 $0x1, s25  }
0x104: {  	_ =	sdelay $0x2  }
0x105: {  	v6 =	vshll.u32 v2, $0x7  }
0x106: {  	[tilespmem:v4+s15+$0x0] =	vst.idx.msk $0xffff, v3;
	v4 =	vand.u32 $0x380, v6;
	v6 =	vld [tilespmem:$0x1FFC0];
	_ =	sdelay $0x2  }
0x107: {  	v5 =	vshll.u32 v2, $0x9  }
0x108: {  	v3 =	vand.u32 $0x3000, v5  }
0x109: {  	v1 =	vld.idx.msk [tilespmem:v1+s3+$0x0], $0xffff;
	v3 =	vor.u32 v4, v3;
	v0 =	vor.u32 v6, v0  }
0x10a: {  	v4 =	vor.u32 v7, v3;
	_ =	sdelay $0x3  }
0x10b: {  	[tilespmem:v0+s15+$0x0] =	vst.idx.msk $0xffff, v1;
	v0 =	vand.u32 $0x1F, v2  }
0x10c: {  	v1 =	vld.idx.msk [tilespmem:v4+s3+$0x0], $0xffff;
	v2 =	vor.u32 v13, v0  }
0x10d: {  	v4 =	vor.u32 v10, v3;
	_ =	sdelay $0x3  }
0x10e: {  	[tilespmem:v2+s15+$0x0] =	vst.idx.msk $0xffff, v1  }
0x10f: {  	v2 =	vor.u32 v11, v0;
	v1 =	vld.idx.msk [tilespmem:v4+s3+$0x0], $0xffff  }
0x110: {  	v4 =	vor.u32 v14, v3;
	_ =	sdelay $0x3  }
0x111: {  	[tilespmem:v2+s15+$0x0] =	vst.idx.msk $0xffff, v1  }
0x112: {  	v2 =	vor.u32 v15, v0;
	v1 =	vld.idx.msk [tilespmem:v4+s3+$0x0], $0xffff  }
0x113: {  	v4 =	vor.u32 v16, v3;
	_ =	sdelay $0x3  }
0x114: {  	[tilespmem:v2+s15+$0x0] =	vst.idx.msk $0xffff, v1  }
0x115: {  	v2 =	vor.u32 v17, v0;
	v1 =	vld.idx.msk [tilespmem:v4+s3+$0x0], $0xffff  }
0x116: {  	v4 =	vor.u32 v18, v3;
	_ =	sdelay $0x3  }
0x117: {  	[tilespmem:v2+s15+$0x0] =	vst.idx.msk $0xffff, v1  }
0x118: {  	v2 =	vor.u32 v19, v0;
	v1 =	vld.idx.msk [tilespmem:v4+s3+$0x0], $0xffff  }
0x119: {  	v4 =	vor.u32 v20, v3;
	_ =	sdelay $0x3  }
0x11a: {  	[tilespmem:v2+s15+$0x0] =	vst.idx.msk $0xffff, v1  }
0x11b: {  	v2 =	vor.u32 v21, v0;
	v1 =	vld.idx.msk [tilespmem:v4+s3+$0x0], $0xffff  }
0x11c: {  	v4 =	vor.u32 v22, v3;
	_ =	sdelay $0x3  }
0x11d: {  	[tilespmem:v2+s15+$0x0] =	vst.idx.msk $0xffff, v1  }
0x11e: {  	v2 =	vor.u32 v23, v0;
	v1 =	vld.idx.msk [tilespmem:v4+s3+$0x0], $0xffff  }
0x11f: {  	v4 =	vor.u32 v24, v3;
	_ =	sdelay $0x3  }
0x120: {  	[tilespmem:v2+s15+$0x0] =	vst.idx.msk $0xffff, v1  }
0x121: {  	v2 =	vor.u32 v25, v0;
	v1 =	vld.idx.msk [tilespmem:v4+s3+$0x0], $0xffff  }
0x122: {  	v4 =	vor.u32 v26, v3;
	_ =	sdelay $0x3  }
0x123: {  	[tilespmem:v2+s15+$0x0] =	vst.idx.msk $0xffff, v1  }
0x124: {  	v2 =	vor.u32 v27, v0;
	v1 =	vld.idx.msk [tilespmem:v4+s3+$0x0], $0xffff  }
0x125: {  	v4 =	vor.u32 v28, v3;
	_ =	sdelay $0x3  }
0x126: {  	[tilespmem:v2+s15+$0x0] =	vst.idx.msk $0xffff, v1  }
0x127: {  	v2 =	vor.u32 v29, v0;
	v1 =	vld.idx.msk [tilespmem:v4+s3+$0x0], $0xffff  }
0x128: {  	v4 =	vor.u32 v30, v3;
	_ =	sdelay $0x3  }
0x129: {  	[tilespmem:v2+s15+$0x0] =	vst.idx.msk $0xffff, v1  }
0x12a: {  	v2 =	vor.u32 v31, v0;
	v1 =	vld.idx.msk [tilespmem:v4+s3+$0x0], $0xffff  }
0x12b: {  	v4 =	vor.u32 v32, v3;
	_ =	sdelay $0x3  }
0x12c: {  	[tilespmem:v2+s15+$0x0] =	vst.idx.msk $0xffff, v1  }
0x12d: {  	v2 =	vor.u32 v33, v0;
	v1 =	vld.idx.msk [tilespmem:v4+s3+$0x0], $0xffff  }
0x12e: {  	v4 =	vor.u32 v34, v3;
	_ =	sdelay $0x3  }
0x12f: {  	[tilespmem:v2+s15+$0x0] =	vst.idx.msk $0xffff, v1  }
0x130: {  	v2 =	vor.u32 v35, v0;
	v1 =	vld.idx.msk [tilespmem:v4+s3+$0x0], $0xffff  }
0x131: {  	v4 =	vor.u32 v36, v3;
	_ =	sdelay $0x3  }
0x132: {  	[tilespmem:v2+s15+$0x0] =	vst.idx.msk $0xffff, v1  }
0x133: {  	v2 =	vor.u32 v37, v0;
	v1 =	vld.idx.msk [tilespmem:v4+s3+$0x0], $0xffff  }
0x134: {  	v4 =	vor.u32 v38, v3;
	_ =	sdelay $0x3  }
0x135: {  	[tilespmem:v2+s15+$0x0] =	vst.idx.msk $0xffff, v1  }
0x136: {  	v2 =	vor.u32 v39, v0;
	v1 =	vld.idx.msk [tilespmem:v4+s3+$0x0], $0xffff  }
0x137: {  	v4 =	vor.u32 v40, v3;
	_ =	sdelay $0x3  }
0x138: {  	[tilespmem:v2+s15+$0x0] =	vst.idx.msk $0xffff, v1  }
0x139: {  	v2 =	vor.u32 v41, v0;
	v1 =	vld.idx.msk [tilespmem:v4+s3+$0x0], $0xffff  }
0x13a: {  	v4 =	vor.u32 v42, v3;
	_ =	sdelay $0x3  }
0x13b: {  	[tilespmem:v2+s15+$0x0] =	vst.idx.msk $0xffff, v1  }
0x13c: {  	v2 =	vor.u32 v43, v0;
	v1 =	vld.idx.msk [tilespmem:v4+s3+$0x0], $0xffff  }
0x13d: {  	v4 =	vor.u32 v44, v3;
	_ =	sdelay $0x3  }
0x13e: {  	[tilespmem:v2+s15+$0x0] =	vst.idx.msk $0xffff, v1  }
0x13f: {  	v2 =	vor.u32 v45, v0;
	v1 =	vld.idx.msk [tilespmem:v4+s3+$0x0], $0xffff  }
0x140: {  	v4 =	vor.u32 v46, v3;
	_ =	sdelay $0x3  }
0x141: {  	[tilespmem:v2+s15+$0x0] =	vst.idx.msk $0xffff, v1  }
0x142: {  	v2 =	vor.u32 v47, v0;
	v1 =	vld.idx.msk [tilespmem:v4+s3+$0x0], $0xffff  }
0x143: {  	v4 =	vor.u32 v48, v3;
	_ =	sdelay $0x3  }
0x144: {  	[tilespmem:v2+s15+$0x0] =	vst.idx.msk $0xffff, v1  }
0x145: {  	v2 =	vor.u32 v49, v0;
	v1 =	vld.idx.msk [tilespmem:v4+s3+$0x0], $0xffff  }
0x146: {  	v4 =	vor.u32 v50, v3;
	_ =	sdelay $0x3  }
0x147: {  	[tilespmem:v2+s15+$0x0] =	vst.idx.msk $0xffff, v1  }
0x148: {  	v2 =	vor.u32 v51, v0;
	v1 =	vld.idx.msk [tilespmem:v4+s3+$0x0], $0xffff  }
0x149: {  	v4 =	vor.u32 v52, v3;
	_ =	sdelay $0x3  }
0x14a: {  	[tilespmem:v2+s15+$0x0] =	vst.idx.msk $0xffff, v1  }
0x14b: {  	v2 =	vor.u32 v53, v0;
	v1 =	vld.idx.msk [tilespmem:v4+s3+$0x0], $0xffff  }
0x14c: {  	v4 =	vor.u32 v54, v3;
	_ =	sdelay $0x3  }
0x14d: {  	[tilespmem:v2+s15+$0x0] =	vst.idx.msk $0xffff, v1  }
0x14e: {  	v2 =	vor.u32 v55, v0;
	v1 =	vld.idx.msk [tilespmem:v4+s3+$0x0], $0xffff  }
0x14f: {  	v4 =	vor.u32 v56, v3;
	_ =	sdelay $0x3  }
0x150: {  	[tilespmem:v2+s15+$0x0] =	vst.idx.msk $0xffff, v1  }
0x151: {  	v2 =	vor.u32 v57, v0;
	v1 =	vld.idx.msk [tilespmem:v4+s3+$0x0], $0xffff  }
0x152: {  	v4 =	vor.u32 v58, v3;
	_ =	sdelay $0x3  }
0x153: {  	[tilespmem:v2+s15+$0x0] =	vst.idx.msk $0xffff, v1  }
0x154: {  	v2 =	vor.u32 v59, v0;
	v1 =	vld.idx.msk [tilespmem:v4+s3+$0x0], $0xffff  }
0x155: {  	v4 =	vor.u32 v60, v3;
	_ =	sdelay $0x3  }
0x156: {  	[tilespmem:v2+s15+$0x0] =	vst.idx.msk $0xffff, v1  }
0x157: {  	v2 =	vor.u32 v61, v0;
	v1 =	vld.idx.msk [tilespmem:v4+s3+$0x0], $0xffff  }
0x158: {  	v4 =	vor.u32 v62, v3;
	_ =	sdelay $0x3  }
0x159: {  	[tilespmem:v2+s15+$0x0] =	vst.idx.msk $0xffff, v1  }
0x15a: {  	v2 =	vor.u32 v63, v0;
	v1 =	vld.idx.msk [tilespmem:v4+s3+$0x0], $0xffff  }
0x15b: {  	v4 =	vor.u32 v8, v3;
	_ =	sdelay $0x3  }
0x15c: {  	[tilespmem:v2+s15+$0x0] =	vst.idx.msk $0xffff, v1  }
0x15d: {  	v2 =	vor.u32 v9, v0;
	v1 =	vld.idx.msk [tilespmem:v4+s3+$0x0], $0xffff  }
0x15e: {  	v5 =	vld [tilespmem:$0x1FFE0];
	v4 =	vor.u32 v12, v3  }
0x15f: {  	v7 =	vld [tilespmem:$0x1FFD0];
	_ =	sdelay $0x2  }
0x160: {  	[tilespmem:v2+s15+$0x0] =	vst.idx.msk $0xffff, v1  }
0x161: {  	v2 =	vor.u32 v5, v0;
	v1 =	vld.idx.msk [tilespmem:v4+s3+$0x0], $0xffff  }
0x162: {  	v4 =	vor.u32 v7, v3;
	_ =	sdelay $0x3  }
0x163: {  	[tilespmem:v2+s15+$0x0] =	vst.idx.msk $0xffff, v1;
	v2 =	vld [tilespmem:$0x1FF80]  }
0x164: {  	v1 =	vld.idx.msk [tilespmem:v4+s3+$0x0], $0xffff  }
0x165: {  	v4 =	vld [tilespmem:$0x1FF90];
	_ =	sdelay $0x3  }
0x166: {  	v2 =	vor.u32 v2, v0  }
0x167: {  	v4 =	vor.u32 v4, v3;
	_ =	sdelay $0x3  }
0x168: {  	[tilespmem:v2+s15+$0x0] =	vst.idx.msk $0xffff, v1;
	v2 =	vld [tilespmem:$0x1FFA0]  }
0x169: {  	v1 =	vld.idx.msk [tilespmem:v4+s3+$0x0], $0xffff  }
0x16a: {  	v4 =	vld [tilespmem:$0x1FFB0];
	_ =	sdelay $0x3  }
0x16b: {  	v2 =	vor.u32 v2, v0  }
0x16c: {  	v3 =	vor.u32 v4, v3;
	_ =	sdelay $0x3  }
0x16d: {  	[tilespmem:v2+s15+$0x0] =	vst.idx.msk $0xffff, v1  }
0x16e: {  	v0 =	vor.u32 v6, v0;
	v1 =	vld.idx.msk [tilespmem:v3+s3+$0x0], $0xffff;
	_ =	sdelay $0x2  }
0x16f: {  	s24 =	sadd.s32 $0x2, s24  }
.Ltmp5:
0x170: {  	s25 =	sshll.u32 s22, $0x11;
	p3 =	sge.u32 s24, s7;
	(pc) =	sbr.rel @p1 .LBB2_8-.Ltmp5, $4  }
0x171: {  	s25 =	sadd.s32 s25, s9;
	s24 =	sshll.u32 @!p3 s24, $0xE;
	s26 =	simm.s32 @!p3 $0x7A1400;
	[tilespmem:v0+s15+$0x0] =	vst.idx.msk $0xffff, v1  }
0x172: {  	[hbm4b:s25+s3] =	stream.linear.scatter [tilespmem:s15], [sflag:$0x3], $0x4000, $0x38;
	[tilespmem:$0x10800] =	vst v63  }
0x173: {  	s28 =	simm.s32 @!p3 $0x0;
	s24 =	sadd.s32 @!p3 s24, s8;
	s25 =	simm.s32 @!p3 $0x1000  }
0x174: {  	v3 =	vmov v5;
	v1 =	vlaneseq.u32;
	[tilespmem:s28], [sflag:$0x1] =	stream.strided.gather @!p3 [hbm4b:s24+s25], $0x4000, s26, s25, $0x38;
	[tilespmem:$0x10800] =	vst v63  }
0x175: {  	s24 =	simm.s32 $0x0  }
0x176: {  	v0 =	vadd.s32 s24, v1  }
0x177: {  	v1 =	vshll.u32 v0, $0x9;
	v2 =	vshll.u32 v0, $0x7  }
0x178: {  	v1 =	vand.u32 $0x3000, v1;
	v2 =	vand.u32 $0x380, v2  }
0x179: {  	v5 =	vlaneseq.u32;
	_ =	swait.ge [sflag:s16], $0x4000;
	v1 =	vor.u32 v2, v1  }
0x17a: {  	[sflag:s16] =	ssyncset.done $0x0;
	v2 =	vor.u32 v5, v1  }
0x17b: {  	s24 =	simm.s32 @!p2 $0x4;
	[sflag:s16] =	ssyncadd.s32 $0xFFFFC000  }
0x17c: {  	_ =	swait.ge @!p2 [sflag:s24], $0x4000  }
0x17d: {  	[sflag:s24] =	ssyncset.done @!p2 $0x0  }
0x17e: {  	v0 =	vand.u32 $0x1F, v0;
	[sflag:s24] =	ssyncadd.s32 @!p2 $0xFFFFC000  }
0x17f: {  	v6 =	vmov v3;
	v3 =	vor.u32 v13, v0;
	v2 =	vld.idx.msk [tilespmem:v2+s17+$0x0], $0xffff  }
0x180: {  	v4 =	vor.u32 v10, v1;
	_ =	sdelay $0x3  }
0x181: {  	[tilespmem:v3+s18+$0x0] =	vst.idx.msk $0xffff, v2  }
0x182: {  	v3 =	vor.u32 v11, v0;
	v2 =	vld.idx.msk [tilespmem:v4+s17+$0x0], $0xffff  }
0x183: {  	v4 =	vor.u32 v14, v1;
	_ =	sdelay $0x3  }
0x184: {  	[tilespmem:v3+s18+$0x0] =	vst.idx.msk $0xffff, v2  }
0x185: {  	v3 =	vor.u32 v15, v0;
	v2 =	vld.idx.msk [tilespmem:v4+s17+$0x0], $0xffff  }
0x186: {  	v4 =	vor.u32 v16, v1;
	_ =	sdelay $0x3  }
0x187: {  	[tilespmem:v3+s18+$0x0] =	vst.idx.msk $0xffff, v2  }
0x188: {  	v3 =	vor.u32 v17, v0;
	v2 =	vld.idx.msk [tilespmem:v4+s17+$0x0], $0xffff  }
0x189: {  	v4 =	vor.u32 v18, v1;
	_ =	sdelay $0x3  }
0x18a: {  	[tilespmem:v3+s18+$0x0] =	vst.idx.msk $0xffff, v2  }
0x18b: {  	v3 =	vor.u32 v19, v0;
	v2 =	vld.idx.msk [tilespmem:v4+s17+$0x0], $0xffff  }
0x18c: {  	v4 =	vor.u32 v20, v1;
	_ =	sdelay $0x3  }
0x18d: {  	[tilespmem:v3+s18+$0x0] =	vst.idx.msk $0xffff, v2  }
0x18e: {  	v3 =	vor.u32 v21, v0;
	v2 =	vld.idx.msk [tilespmem:v4+s17+$0x0], $0xffff  }
0x18f: {  	v4 =	vor.u32 v22, v1;
	_ =	sdelay $0x3  }
0x190: {  	[tilespmem:v3+s18+$0x0] =	vst.idx.msk $0xffff, v2  }
0x191: {  	v3 =	vor.u32 v23, v0;
	v2 =	vld.idx.msk [tilespmem:v4+s17+$0x0], $0xffff  }
0x192: {  	v4 =	vor.u32 v24, v1;
	_ =	sdelay $0x3  }
0x193: {  	[tilespmem:v3+s18+$0x0] =	vst.idx.msk $0xffff, v2  }
0x194: {  	v3 =	vor.u32 v25, v0;
	v2 =	vld.idx.msk [tilespmem:v4+s17+$0x0], $0xffff  }
0x195: {  	v4 =	vor.u32 v26, v1;
	_ =	sdelay $0x3  }
0x196: {  	[tilespmem:v3+s18+$0x0] =	vst.idx.msk $0xffff, v2  }
0x197: {  	v3 =	vor.u32 v27, v0;
	v2 =	vld.idx.msk [tilespmem:v4+s17+$0x0], $0xffff  }
0x198: {  	v4 =	vor.u32 v28, v1;
	_ =	sdelay $0x3  }
0x199: {  	[tilespmem:v3+s18+$0x0] =	vst.idx.msk $0xffff, v2  }
0x19a: {  	v3 =	vor.u32 v29, v0;
	v2 =	vld.idx.msk [tilespmem:v4+s17+$0x0], $0xffff  }
0x19b: {  	v4 =	vor.u32 v30, v1;
	_ =	sdelay $0x3  }
0x19c: {  	[tilespmem:v3+s18+$0x0] =	vst.idx.msk $0xffff, v2  }
0x19d: {  	v3 =	vor.u32 v31, v0;
	v2 =	vld.idx.msk [tilespmem:v4+s17+$0x0], $0xffff  }
0x19e: {  	v4 =	vor.u32 v32, v1;
	_ =	sdelay $0x3  }
0x19f: {  	[tilespmem:v3+s18+$0x0] =	vst.idx.msk $0xffff, v2  }
0x1a0: {  	v3 =	vor.u32 v33, v0;
	v2 =	vld.idx.msk [tilespmem:v4+s17+$0x0], $0xffff  }
0x1a1: {  	v4 =	vor.u32 v34, v1;
	_ =	sdelay $0x3  }
0x1a2: {  	[tilespmem:v3+s18+$0x0] =	vst.idx.msk $0xffff, v2  }
0x1a3: {  	v3 =	vor.u32 v35, v0;
	v2 =	vld.idx.msk [tilespmem:v4+s17+$0x0], $0xffff  }
0x1a4: {  	v4 =	vor.u32 v36, v1;
	_ =	sdelay $0x3  }
0x1a5: {  	[tilespmem:v3+s18+$0x0] =	vst.idx.msk $0xffff, v2  }
0x1a6: {  	v3 =	vor.u32 v37, v0;
	v2 =	vld.idx.msk [tilespmem:v4+s17+$0x0], $0xffff  }
0x1a7: {  	v4 =	vor.u32 v38, v1;
	_ =	sdelay $0x3  }
0x1a8: {  	[tilespmem:v3+s18+$0x0] =	vst.idx.msk $0xffff, v2  }
0x1a9: {  	v3 =	vor.u32 v39, v0;
	v2 =	vld.idx.msk [tilespmem:v4+s17+$0x0], $0xffff  }
0x1aa: {  	v4 =	vor.u32 v40, v1;
	_ =	sdelay $0x3  }
0x1ab: {  	[tilespmem:v3+s18+$0x0] =	vst.idx.msk $0xffff, v2  }
0x1ac: {  	v3 =	vor.u32 v41, v0;
	v2 =	vld.idx.msk [tilespmem:v4+s17+$0x0], $0xffff  }
0x1ad: {  	v4 =	vor.u32 v42, v1;
	_ =	sdelay $0x3  }
0x1ae: {  	[tilespmem:v3+s18+$0x0] =	vst.idx.msk $0xffff, v2  }
0x1af: {  	v3 =	vor.u32 v43, v0;
	v2 =	vld.idx.msk [tilespmem:v4+s17+$0x0], $0xffff  }
0x1b0: {  	v4 =	vor.u32 v44, v1;
	_ =	sdelay $0x3  }
0x1b1: {  	[tilespmem:v3+s18+$0x0] =	vst.idx.msk $0xffff, v2  }
0x1b2: {  	v3 =	vor.u32 v45, v0;
	v2 =	vld.idx.msk [tilespmem:v4+s17+$0x0], $0xffff  }
0x1b3: {  	v4 =	vor.u32 v46, v1;
	_ =	sdelay $0x3  }
0x1b4: {  	[tilespmem:v3+s18+$0x0] =	vst.idx.msk $0xffff, v2  }
0x1b5: {  	v3 =	vor.u32 v47, v0;
	v2 =	vld.idx.msk [tilespmem:v4+s17+$0x0], $0xffff  }
0x1b6: {  	v4 =	vor.u32 v48, v1;
	_ =	sdelay $0x3  }
0x1b7: {  	[tilespmem:v3+s18+$0x0] =	vst.idx.msk $0xffff, v2  }
0x1b8: {  	v3 =	vor.u32 v49, v0;
	v2 =	vld.idx.msk [tilespmem:v4+s17+$0x0], $0xffff  }
0x1b9: {  	v4 =	vor.u32 v50, v1;
	_ =	sdelay $0x3  }
0x1ba: {  	[tilespmem:v3+s18+$0x0] =	vst.idx.msk $0xffff, v2  }
0x1bb: {  	v3 =	vor.u32 v51, v0;
	v2 =	vld.idx.msk [tilespmem:v4+s17+$0x0], $0xffff  }
0x1bc: {  	v4 =	vor.u32 v52, v1;
	_ =	sdelay $0x3  }
0x1bd: {  	[tilespmem:v3+s18+$0x0] =	vst.idx.msk $0xffff, v2  }
0x1be: {  	v3 =	vor.u32 v53, v0;
	v2 =	vld.idx.msk [tilespmem:v4+s17+$0x0], $0xffff  }
0x1bf: {  	v4 =	vor.u32 v54, v1;
	_ =	sdelay $0x3  }
0x1c0: {  	[tilespmem:v3+s18+$0x0] =	vst.idx.msk $0xffff, v2  }
0x1c1: {  	v3 =	vor.u32 v55, v0;
	v2 =	vld.idx.msk [tilespmem:v4+s17+$0x0], $0xffff  }
0x1c2: {  	v4 =	vor.u32 v56, v1;
	_ =	sdelay $0x3  }
0x1c3: {  	[tilespmem:v3+s18+$0x0] =	vst.idx.msk $0xffff, v2  }
0x1c4: {  	v3 =	vor.u32 v57, v0;
	v2 =	vld.idx.msk [tilespmem:v4+s17+$0x0], $0xffff  }
0x1c5: {  	v4 =	vor.u32 v58, v1;
	_ =	sdelay $0x3  }
0x1c6: {  	[tilespmem:v3+s18+$0x0] =	vst.idx.msk $0xffff, v2  }
0x1c7: {  	v3 =	vor.u32 v59, v0;
	v2 =	vld.idx.msk [tilespmem:v4+s17+$0x0], $0xffff  }
0x1c8: {  	v4 =	vor.u32 v60, v1;
	_ =	sdelay $0x3  }
0x1c9: {  	[tilespmem:v3+s18+$0x0] =	vst.idx.msk $0xffff, v2  }
0x1ca: {  	v3 =	vor.u32 v61, v0;
	v2 =	vld.idx.msk [tilespmem:v4+s17+$0x0], $0xffff  }
0x1cb: {  	v4 =	vor.u32 v62, v1;
	_ =	sdelay $0x3  }
0x1cc: {  	[tilespmem:v3+s18+$0x0] =	vst.idx.msk $0xffff, v2  }
0x1cd: {  	v3 =	vor.u32 v63, v0;
	v2 =	vld.idx.msk [tilespmem:v4+s17+$0x0], $0xffff  }
0x1ce: {  	v4 =	vor.u32 v8, v1;
	_ =	sdelay $0x3  }
0x1cf: {  	[tilespmem:v3+s18+$0x0] =	vst.idx.msk $0xffff, v2  }
0x1d0: {  	v3 =	vor.u32 v9, v0;
	v2 =	vld.idx.msk [tilespmem:v4+s17+$0x0], $0xffff  }
0x1d1: {  	v4 =	vor.u32 v12, v1;
	_ =	sdelay $0x3  }
0x1d2: {  	[tilespmem:v3+s18+$0x0] =	vst.idx.msk $0xffff, v2  }
0x1d3: {  	v3 =	vor.u32 v6, v0;
	v2 =	vld.idx.msk [tilespmem:v4+s17+$0x0], $0xffff;
	_ =	sdelay $0x2  }
0x1d4: {  	v4 =	vor.u32 v7, v1;
	_ =	sdelay $0x1  }
0x1d5: {  	[tilespmem:v3+s18+$0x0] =	vst.idx.msk $0xffff, v2;
	v3 =	vld [tilespmem:$0x1FF80];
	_ =	sdelay $0x2  }
0x1d6: {  	v2 =	vld.idx.msk [tilespmem:v4+s17+$0x0], $0xffff  }
0x1d7: {  	v4 =	vld [tilespmem:$0x1FF90]  }
0x1d8: {  	v3 =	vor.u32 v3, v0;
	_ =	sdelay $0x3  }
0x1d9: {  	v4 =	vor.u32 v4, v1  }
0x1da: {  	[tilespmem:v3+s18+$0x0] =	vst.idx.msk $0xffff, v2;
	v2 =	vld [tilespmem:$0x1FFA0];
	_ =	sdelay $0x1  }
0x1db: {  	v11 =	vmov v8  }
0x1dc: {  	v8 =	vmovc v9;
	v9 =	vmovc v12;
	v12 =	vmov v61;
	v61 =	vmov v58;
	v58 =	vmov v55  }
0x1dd: {  	v55 =	vmovc v52;
	v52 =	vmovc v49;
	v49 =	vmov v46;
	v46 =	vmov v43;
	v43 =	vmov v40;
	v3 =	vld.idx.msk [tilespmem:v4+s17+$0x0], $0xffff  }
0x1de: {  	v40 =	vmovc v37;
	v37 =	vmovc v34;
	v34 =	vmov v31;
	v31 =	vmov v28;
	v4 =	vor.u32 v2, v0;
	v2 =	vld [tilespmem:$0x1FFB0]  }
0x1df: {  	v28 =	vmovc v25;
	v25 =	vmovc v22;
	v22 =	vmov v19;
	v19 =	vmov v16;
	v6 =	vmov v63  }
0x1e0: {  	v63 =	vmovc v60;
	v60 =	vmovc v57;
	v57 =	vmov v54;
	v54 =	vmov v51;
	v51 =	vmov v48  }
0x1e1: {  	v48 =	vmovc v45;
	v45 =	vmovc v42;
	v42 =	vmov v39;
	v39 =	vmov v36;
	v36 =	vmov v33  }
0x1e2: {  	v33 =	vmovc v30;
	v30 =	vmovc v27;
	v27 =	vmov v24;
	v24 =	vmov v21;
	v21 =	vmov v18  }
0x1e3: {  	s31 =	simm.s32 $0x1;
	v18 =	vmovc v15;
	v15 =	vmovc v10;
	v7 =	vlaneseq.u32;
	v10 =	vmov v6;
	v1 =	vor.u32 v2, v1  }
0x1e4: {  	v2 =	vadd.s32 s31, v5;
	v5 =	vmovc v62;
	v62 =	vmovc v59;
	v59 =	vmov v56;
	v56 =	vmov v53  }
0x1e5: {  	v53 =	vmovc v50;
	v50 =	vmovc v47;
	v47 =	vmov v44;
	v44 =	vmov v41;
	v41 =	vmov v38  }
0x1e6: {  	v38 =	vmovc v35;
	v35 =	vmovc v32;
	v32 =	vmov v29;
	v29 =	vmov v26;
	v26 =	vmov v23  }
0x1e7: {  	s24 =	simm.s32 $0x2;
	v16 =	vld [tilespmem:$0x1FFF0];
	v23 =	vmovc v20;
	v20 =	vmovc v17;
	v17 =	vmov v14;
	v14 =	vmov v13;
	v13 =	vmov v5  }
.LBB2_6:
0x1e8: {  	_ =	sdelay $0x2  }
0x1e9: {  	v5 =	vshll.u32 v2, $0x9;
	v6 =	vshll.u32 v2, $0x7;
	[tilespmem:v4+s18+$0x0] =	vst.idx.msk $0xffff, v3  }
0x1ea: {  	v3 =	vand.u32 $0x3000, v5;
	v4 =	vand.u32 $0x380, v6;
	v5 =	vld.idx.msk [tilespmem:v1+s17+$0x0], $0xffff  }
0x1eb: {  	v1 =	vor.u32 v4, v3;
	v3 =	vld [tilespmem:$0x1FFC0];
	_ =	sdelay $0x4  }
0x1ec: {  	v0 =	vor.u32 v3, v0  }
0x1ed: {  	v3 =	vor.u32 v7, v1;
	_ =	sdelay $0x3  }
0x1ee: {  	[tilespmem:v0+s18+$0x0] =	vst.idx.msk $0xffff, v5;
	v0 =	vand.u32 $0x1F, v2  }
0x1ef: {  	v2 =	vld.idx.msk [tilespmem:v3+s17+$0x0], $0xffff;
	v3 =	vor.u32 v14, v0  }
0x1f0: {  	v4 =	vor.u32 v15, v1;
	_ =	sdelay $0x3  }
0x1f1: {  	[tilespmem:v3+s18+$0x0] =	vst.idx.msk $0xffff, v2  }
0x1f2: {  	v3 =	vor.u32 v16, v0;
	v2 =	vld.idx.msk [tilespmem:v4+s17+$0x0], $0xffff  }
0x1f3: {  	v4 =	vor.u32 v17, v1;
	_ =	sdelay $0x3  }
0x1f4: {  	[tilespmem:v3+s18+$0x0] =	vst.idx.msk $0xffff, v2  }
0x1f5: {  	v3 =	vor.u32 v18, v0;
	v2 =	vld.idx.msk [tilespmem:v4+s17+$0x0], $0xffff  }
0x1f6: {  	v4 =	vor.u32 v19, v1;
	_ =	sdelay $0x3  }
0x1f7: {  	[tilespmem:v3+s18+$0x0] =	vst.idx.msk $0xffff, v2  }
0x1f8: {  	v3 =	vor.u32 v20, v0;
	v2 =	vld.idx.msk [tilespmem:v4+s17+$0x0], $0xffff  }
0x1f9: {  	v4 =	vor.u32 v21, v1;
	_ =	sdelay $0x3  }
0x1fa: {  	[tilespmem:v3+s18+$0x0] =	vst.idx.msk $0xffff, v2  }
0x1fb: {  	v3 =	vor.u32 v22, v0;
	v2 =	vld.idx.msk [tilespmem:v4+s17+$0x0], $0xffff  }
0x1fc: {  	v4 =	vor.u32 v23, v1;
	_ =	sdelay $0x3  }
0x1fd: {  	[tilespmem:v3+s18+$0x0] =	vst.idx.msk $0xffff, v2  }
0x1fe: {  	v3 =	vor.u32 v24, v0;
	v2 =	vld.idx.msk [tilespmem:v4+s17+$0x0], $0xffff  }
0x1ff: {  	v4 =	vor.u32 v25, v1;
	_ =	sdelay $0x3  }
0x200: {  	[tilespmem:v3+s18+$0x0] =	vst.idx.msk $0xffff, v2  }
0x201: {  	v3 =	vor.u32 v26, v0;
	v2 =	vld.idx.msk [tilespmem:v4+s17+$0x0], $0xffff  }
0x202: {  	v4 =	vor.u32 v27, v1;
	_ =	sdelay $0x3  }
0x203: {  	[tilespmem:v3+s18+$0x0] =	vst.idx.msk $0xffff, v2  }
0x204: {  	v3 =	vor.u32 v28, v0;
	v2 =	vld.idx.msk [tilespmem:v4+s17+$0x0], $0xffff  }
0x205: {  	v4 =	vor.u32 v29, v1;
	_ =	sdelay $0x3  }
0x206: {  	[tilespmem:v3+s18+$0x0] =	vst.idx.msk $0xffff, v2  }
0x207: {  	v3 =	vor.u32 v30, v0;
	v2 =	vld.idx.msk [tilespmem:v4+s17+$0x0], $0xffff  }
0x208: {  	v4 =	vor.u32 v31, v1;
	_ =	sdelay $0x3  }
0x209: {  	[tilespmem:v3+s18+$0x0] =	vst.idx.msk $0xffff, v2  }
0x20a: {  	v3 =	vor.u32 v32, v0;
	v2 =	vld.idx.msk [tilespmem:v4+s17+$0x0], $0xffff  }
0x20b: {  	v4 =	vor.u32 v33, v1;
	_ =	sdelay $0x3  }
0x20c: {  	[tilespmem:v3+s18+$0x0] =	vst.idx.msk $0xffff, v2  }
0x20d: {  	v3 =	vor.u32 v34, v0;
	v2 =	vld.idx.msk [tilespmem:v4+s17+$0x0], $0xffff  }
0x20e: {  	v4 =	vor.u32 v35, v1;
	_ =	sdelay $0x3  }
0x20f: {  	[tilespmem:v3+s18+$0x0] =	vst.idx.msk $0xffff, v2  }
0x210: {  	v3 =	vor.u32 v36, v0;
	v2 =	vld.idx.msk [tilespmem:v4+s17+$0x0], $0xffff  }
0x211: {  	v4 =	vor.u32 v37, v1;
	_ =	sdelay $0x3  }
0x212: {  	[tilespmem:v3+s18+$0x0] =	vst.idx.msk $0xffff, v2  }
0x213: {  	v3 =	vor.u32 v38, v0;
	v2 =	vld.idx.msk [tilespmem:v4+s17+$0x0], $0xffff  }
0x214: {  	v4 =	vor.u32 v39, v1;
	_ =	sdelay $0x3  }
0x215: {  	[tilespmem:v3+s18+$0x0] =	vst.idx.msk $0xffff, v2  }
0x216: {  	v3 =	vor.u32 v40, v0;
	v2 =	vld.idx.msk [tilespmem:v4+s17+$0x0], $0xffff  }
0x217: {  	v4 =	vor.u32 v41, v1;
	_ =	sdelay $0x3  }
0x218: {  	[tilespmem:v3+s18+$0x0] =	vst.idx.msk $0xffff, v2  }
0x219: {  	v3 =	vor.u32 v42, v0;
	v2 =	vld.idx.msk [tilespmem:v4+s17+$0x0], $0xffff  }
0x21a: {  	v4 =	vor.u32 v43, v1;
	_ =	sdelay $0x3  }
0x21b: {  	[tilespmem:v3+s18+$0x0] =	vst.idx.msk $0xffff, v2  }
0x21c: {  	v3 =	vor.u32 v44, v0;
	v2 =	vld.idx.msk [tilespmem:v4+s17+$0x0], $0xffff  }
0x21d: {  	v4 =	vor.u32 v45, v1;
	_ =	sdelay $0x3  }
0x21e: {  	[tilespmem:v3+s18+$0x0] =	vst.idx.msk $0xffff, v2  }
0x21f: {  	v3 =	vor.u32 v46, v0;
	v2 =	vld.idx.msk [tilespmem:v4+s17+$0x0], $0xffff  }
0x220: {  	v4 =	vor.u32 v47, v1;
	_ =	sdelay $0x3  }
0x221: {  	[tilespmem:v3+s18+$0x0] =	vst.idx.msk $0xffff, v2  }
0x222: {  	v3 =	vor.u32 v48, v0;
	v2 =	vld.idx.msk [tilespmem:v4+s17+$0x0], $0xffff  }
0x223: {  	v4 =	vor.u32 v49, v1;
	_ =	sdelay $0x3  }
0x224: {  	[tilespmem:v3+s18+$0x0] =	vst.idx.msk $0xffff, v2  }
0x225: {  	v3 =	vor.u32 v50, v0;
	v2 =	vld.idx.msk [tilespmem:v4+s17+$0x0], $0xffff  }
0x226: {  	v4 =	vor.u32 v51, v1;
	_ =	sdelay $0x3  }
0x227: {  	[tilespmem:v3+s18+$0x0] =	vst.idx.msk $0xffff, v2  }
0x228: {  	v3 =	vor.u32 v52, v0;
	v2 =	vld.idx.msk [tilespmem:v4+s17+$0x0], $0xffff  }
0x229: {  	v4 =	vor.u32 v53, v1;
	_ =	sdelay $0x3  }
0x22a: {  	[tilespmem:v3+s18+$0x0] =	vst.idx.msk $0xffff, v2  }
0x22b: {  	v3 =	vor.u32 v54, v0;
	v2 =	vld.idx.msk [tilespmem:v4+s17+$0x0], $0xffff  }
0x22c: {  	v4 =	vor.u32 v55, v1;
	_ =	sdelay $0x3  }
0x22d: {  	[tilespmem:v3+s18+$0x0] =	vst.idx.msk $0xffff, v2  }
0x22e: {  	v3 =	vor.u32 v56, v0;
	v2 =	vld.idx.msk [tilespmem:v4+s17+$0x0], $0xffff  }
0x22f: {  	v4 =	vor.u32 v57, v1;
	_ =	sdelay $0x3  }
0x230: {  	[tilespmem:v3+s18+$0x0] =	vst.idx.msk $0xffff, v2  }
0x231: {  	v3 =	vor.u32 v58, v0;
	v2 =	vld.idx.msk [tilespmem:v4+s17+$0x0], $0xffff  }
0x232: {  	v4 =	vor.u32 v59, v1;
	_ =	sdelay $0x3  }
0x233: {  	[tilespmem:v3+s18+$0x0] =	vst.idx.msk $0xffff, v2  }
0x234: {  	v3 =	vor.u32 v60, v0;
	v2 =	vld.idx.msk [tilespmem:v4+s17+$0x0], $0xffff  }
0x235: {  	v4 =	vor.u32 v61, v1;
	_ =	sdelay $0x3  }
0x236: {  	[tilespmem:v3+s18+$0x0] =	vst.idx.msk $0xffff, v2  }
0x237: {  	v3 =	vor.u32 v62, v0;
	v2 =	vld.idx.msk [tilespmem:v4+s17+$0x0], $0xffff  }
0x238: {  	v4 =	vor.u32 v63, v1;
	_ =	sdelay $0x3  }
0x239: {  	[tilespmem:v3+s18+$0x0] =	vst.idx.msk $0xffff, v2  }
0x23a: {  	v3 =	vor.u32 v12, v0;
	v2 =	vld.idx.msk [tilespmem:v4+s17+$0x0], $0xffff  }
0x23b: {  	v4 =	vor.u32 v13, v1;
	_ =	sdelay $0x3  }
0x23c: {  	[tilespmem:v3+s18+$0x0] =	vst.idx.msk $0xffff, v2  }
0x23d: {  	v3 =	vor.u32 v10, v0;
	v2 =	vld.idx.msk [tilespmem:v4+s17+$0x0], $0xffff  }
0x23e: {  	v4 =	vor.u32 v11, v1;
	_ =	sdelay $0x3  }
0x23f: {  	[tilespmem:v3+s18+$0x0] =	vst.idx.msk $0xffff, v2  }
0x240: {  	v3 =	vor.u32 v8, v0;
	v2 =	vld.idx.msk [tilespmem:v4+s17+$0x0], $0xffff;
	_ =	sdelay $0x1  }
0x241: {  	v4 =	vor.u32 v9, v1;
	_ =	sdelay $0x2  }
0x242: {  	[tilespmem:v3+s18+$0x0] =	vst.idx.msk $0xffff, v2;
	v3 =	vld [tilespmem:$0x1FFE0];
	_ =	sdelay $0x1  }
0x243: {  	v2 =	vld.idx.msk [tilespmem:v4+s17+$0x0], $0xffff  }
0x244: {  	v4 =	vld [tilespmem:$0x1FFD0];
	_ =	sdelay $0x1  }
0x245: {  	v3 =	vor.u32 v3, v0;
	_ =	sdelay $0x2  }
0x246: {  	v4 =	vor.u32 v4, v1;
	_ =	sdelay $0x1  }
0x247: {  	[tilespmem:v3+s18+$0x0] =	vst.idx.msk $0xffff, v2;
	v3 =	vld [tilespmem:$0x1FF80];
	_ =	sdelay $0x2  }
0x248: {  	v2 =	vld.idx.msk [tilespmem:v4+s17+$0x0], $0xffff  }
0x249: {  	v4 =	vld [tilespmem:$0x1FF90]  }
0x24a: {  	v3 =	vor.u32 v3, v0;
	_ =	sdelay $0x3  }
0x24b: {  	v4 =	vor.u32 v4, v1  }
0x24c: {  	[tilespmem:v3+s18+$0x0] =	vst.idx.msk $0xffff, v2;
	v2 =	vld [tilespmem:$0x1FFA0];
	_ =	sdelay $0x3  }
0x24d: {  	v3 =	vld.idx.msk [tilespmem:v4+s17+$0x0], $0xffff  }
0x24e: {  	p1 =	sne.s32 s24, $0x1F;
	v4 =	vor.u32 v2, v0;
	v2 =	vld [tilespmem:$0x1FFB0]  }
.Ltmp6:
0x24f: {  	_ = 	snop;
	(pc) =	sbr.rel @p1 .LBB2_6-.Ltmp6, $2  }
0x250: {  	_ =	sdelay $0x2  }
0x251: {  	v1 =	vor.u32 v2, v1;
	v2 =	vadd.s32 s24, v7;
	s24 =	sadd.s32 $0x1, s24  }
0x252: {  	_ =	sdelay $0x2  }
0x253: {  	v5 =	vshll.u32 v2, $0x9  }
0x254: {  	[tilespmem:v4+s18+$0x0] =	vst.idx.msk $0xffff, v3;
	v3 =	vand.u32 $0x3000, v5;
	v5 =	vld [tilespmem:$0x1FFC0];
	_ =	sdelay $0x2  }
0x255: {  	v6 =	vshll.u32 v2, $0x7  }
0x256: {  	v4 =	vand.u32 $0x380, v6  }
0x257: {  	v1 =	vld.idx.msk [tilespmem:v1+s17+$0x0], $0xffff;
	v3 =	vor.u32 v4, v3;
	v0 =	vor.u32 v5, v0  }
0x258: {  	v4 =	vor.u32 v7, v3;
	_ =	sdelay $0x3  }
0x259: {  	[tilespmem:v0+s18+$0x0] =	vst.idx.msk $0xffff, v1;
	v0 =	vand.u32 $0x1F, v2  }
0x25a: {  	v1 =	vld.idx.msk [tilespmem:v4+s17+$0x0], $0xffff;
	v2 =	vor.u32 v14, v0  }
0x25b: {  	v4 =	vor.u32 v15, v3;
	_ =	sdelay $0x3  }
0x25c: {  	[tilespmem:v2+s18+$0x0] =	vst.idx.msk $0xffff, v1  }
0x25d: {  	v2 =	vor.u32 v16, v0;
	v1 =	vld.idx.msk [tilespmem:v4+s17+$0x0], $0xffff  }
0x25e: {  	v4 =	vor.u32 v17, v3;
	_ =	sdelay $0x3  }
0x25f: {  	[tilespmem:v2+s18+$0x0] =	vst.idx.msk $0xffff, v1  }
0x260: {  	v2 =	vor.u32 v18, v0;
	v1 =	vld.idx.msk [tilespmem:v4+s17+$0x0], $0xffff  }
0x261: {  	v4 =	vor.u32 v19, v3;
	_ =	sdelay $0x3  }
0x262: {  	[tilespmem:v2+s18+$0x0] =	vst.idx.msk $0xffff, v1  }
0x263: {  	v2 =	vor.u32 v20, v0;
	v1 =	vld.idx.msk [tilespmem:v4+s17+$0x0], $0xffff  }
0x264: {  	v4 =	vor.u32 v21, v3;
	_ =	sdelay $0x3  }
0x265: {  	[tilespmem:v2+s18+$0x0] =	vst.idx.msk $0xffff, v1  }
0x266: {  	v2 =	vor.u32 v22, v0;
	v1 =	vld.idx.msk [tilespmem:v4+s17+$0x0], $0xffff  }
0x267: {  	v4 =	vor.u32 v23, v3;
	_ =	sdelay $0x3  }
0x268: {  	[tilespmem:v2+s18+$0x0] =	vst.idx.msk $0xffff, v1  }
0x269: {  	v2 =	vor.u32 v24, v0;
	v1 =	vld.idx.msk [tilespmem:v4+s17+$0x0], $0xffff  }
0x26a: {  	v4 =	vor.u32 v25, v3;
	_ =	sdelay $0x3  }
0x26b: {  	[tilespmem:v2+s18+$0x0] =	vst.idx.msk $0xffff, v1  }
0x26c: {  	v2 =	vor.u32 v26, v0;
	v1 =	vld.idx.msk [tilespmem:v4+s17+$0x0], $0xffff  }
0x26d: {  	v4 =	vor.u32 v27, v3;
	_ =	sdelay $0x3  }
0x26e: {  	[tilespmem:v2+s18+$0x0] =	vst.idx.msk $0xffff, v1  }
0x26f: {  	v2 =	vor.u32 v28, v0;
	v1 =	vld.idx.msk [tilespmem:v4+s17+$0x0], $0xffff  }
0x270: {  	v4 =	vor.u32 v29, v3;
	_ =	sdelay $0x3  }
0x271: {  	[tilespmem:v2+s18+$0x0] =	vst.idx.msk $0xffff, v1  }
0x272: {  	v2 =	vor.u32 v30, v0;
	v1 =	vld.idx.msk [tilespmem:v4+s17+$0x0], $0xffff  }
0x273: {  	v4 =	vor.u32 v31, v3;
	_ =	sdelay $0x3  }
0x274: {  	[tilespmem:v2+s18+$0x0] =	vst.idx.msk $0xffff, v1  }
0x275: {  	v2 =	vor.u32 v32, v0;
	v1 =	vld.idx.msk [tilespmem:v4+s17+$0x0], $0xffff  }
0x276: {  	v4 =	vor.u32 v33, v3;
	_ =	sdelay $0x3  }
0x277: {  	[tilespmem:v2+s18+$0x0] =	vst.idx.msk $0xffff, v1  }
0x278: {  	v2 =	vor.u32 v34, v0;
	v1 =	vld.idx.msk [tilespmem:v4+s17+$0x0], $0xffff  }
0x279: {  	v4 =	vor.u32 v35, v3;
	_ =	sdelay $0x3  }
0x27a: {  	[tilespmem:v2+s18+$0x0] =	vst.idx.msk $0xffff, v1  }
0x27b: {  	v2 =	vor.u32 v36, v0;
	v1 =	vld.idx.msk [tilespmem:v4+s17+$0x0], $0xffff  }
0x27c: {  	v4 =	vor.u32 v37, v3;
	_ =	sdelay $0x3  }
0x27d: {  	[tilespmem:v2+s18+$0x0] =	vst.idx.msk $0xffff, v1  }
0x27e: {  	v2 =	vor.u32 v38, v0;
	v1 =	vld.idx.msk [tilespmem:v4+s17+$0x0], $0xffff  }
0x27f: {  	v4 =	vor.u32 v39, v3;
	_ =	sdelay $0x3  }
0x280: {  	[tilespmem:v2+s18+$0x0] =	vst.idx.msk $0xffff, v1  }
0x281: {  	v2 =	vor.u32 v40, v0;
	v1 =	vld.idx.msk [tilespmem:v4+s17+$0x0], $0xffff  }
0x282: {  	v4 =	vor.u32 v41, v3;
	_ =	sdelay $0x3  }
0x283: {  	[tilespmem:v2+s18+$0x0] =	vst.idx.msk $0xffff, v1  }
0x284: {  	v2 =	vor.u32 v42, v0;
	v1 =	vld.idx.msk [tilespmem:v4+s17+$0x0], $0xffff  }
0x285: {  	v4 =	vor.u32 v43, v3;
	_ =	sdelay $0x3  }
0x286: {  	[tilespmem:v2+s18+$0x0] =	vst.idx.msk $0xffff, v1  }
0x287: {  	v2 =	vor.u32 v44, v0;
	v1 =	vld.idx.msk [tilespmem:v4+s17+$0x0], $0xffff  }
0x288: {  	v4 =	vor.u32 v45, v3;
	_ =	sdelay $0x3  }
0x289: {  	[tilespmem:v2+s18+$0x0] =	vst.idx.msk $0xffff, v1  }
0x28a: {  	v2 =	vor.u32 v46, v0;
	v1 =	vld.idx.msk [tilespmem:v4+s17+$0x0], $0xffff  }
0x28b: {  	v4 =	vor.u32 v47, v3;
	_ =	sdelay $0x3  }
0x28c: {  	[tilespmem:v2+s18+$0x0] =	vst.idx.msk $0xffff, v1  }
0x28d: {  	v2 =	vor.u32 v48, v0;
	v1 =	vld.idx.msk [tilespmem:v4+s17+$0x0], $0xffff  }
0x28e: {  	v4 =	vor.u32 v49, v3;
	_ =	sdelay $0x3  }
0x28f: {  	[tilespmem:v2+s18+$0x0] =	vst.idx.msk $0xffff, v1  }
0x290: {  	v2 =	vor.u32 v50, v0;
	v1 =	vld.idx.msk [tilespmem:v4+s17+$0x0], $0xffff  }
0x291: {  	v4 =	vor.u32 v51, v3;
	_ =	sdelay $0x3  }
0x292: {  	[tilespmem:v2+s18+$0x0] =	vst.idx.msk $0xffff, v1  }
0x293: {  	v2 =	vor.u32 v52, v0;
	v1 =	vld.idx.msk [tilespmem:v4+s17+$0x0], $0xffff  }
0x294: {  	v4 =	vor.u32 v53, v3;
	_ =	sdelay $0x3  }
0x295: {  	[tilespmem:v2+s18+$0x0] =	vst.idx.msk $0xffff, v1  }
0x296: {  	v2 =	vor.u32 v54, v0;
	v1 =	vld.idx.msk [tilespmem:v4+s17+$0x0], $0xffff  }
0x297: {  	v4 =	vor.u32 v55, v3;
	_ =	sdelay $0x3  }
0x298: {  	[tilespmem:v2+s18+$0x0] =	vst.idx.msk $0xffff, v1  }
0x299: {  	v2 =	vor.u32 v56, v0;
	v1 =	vld.idx.msk [tilespmem:v4+s17+$0x0], $0xffff  }
0x29a: {  	v4 =	vor.u32 v57, v3;
	_ =	sdelay $0x3  }
0x29b: {  	[tilespmem:v2+s18+$0x0] =	vst.idx.msk $0xffff, v1  }
0x29c: {  	v2 =	vor.u32 v58, v0;
	v1 =	vld.idx.msk [tilespmem:v4+s17+$0x0], $0xffff  }
0x29d: {  	v4 =	vor.u32 v59, v3;
	_ =	sdelay $0x3  }
0x29e: {  	[tilespmem:v2+s18+$0x0] =	vst.idx.msk $0xffff, v1  }
0x29f: {  	v2 =	vor.u32 v60, v0;
	v1 =	vld.idx.msk [tilespmem:v4+s17+$0x0], $0xffff  }
0x2a0: {  	v4 =	vor.u32 v61, v3;
	_ =	sdelay $0x3  }
0x2a1: {  	[tilespmem:v2+s18+$0x0] =	vst.idx.msk $0xffff, v1  }
0x2a2: {  	v2 =	vor.u32 v62, v0;
	v1 =	vld.idx.msk [tilespmem:v4+s17+$0x0], $0xffff  }
0x2a3: {  	v4 =	vor.u32 v63, v3;
	_ =	sdelay $0x3  }
0x2a4: {  	[tilespmem:v2+s18+$0x0] =	vst.idx.msk $0xffff, v1  }
0x2a5: {  	v2 =	vor.u32 v12, v0;
	v1 =	vld.idx.msk [tilespmem:v4+s17+$0x0], $0xffff  }
0x2a6: {  	v4 =	vor.u32 v13, v3;
	_ =	sdelay $0x3  }
0x2a7: {  	[tilespmem:v2+s18+$0x0] =	vst.idx.msk $0xffff, v1  }
0x2a8: {  	v2 =	vor.u32 v10, v0;
	v1 =	vld.idx.msk [tilespmem:v4+s17+$0x0], $0xffff  }
0x2a9: {  	v4 =	vor.u32 v11, v3;
	_ =	sdelay $0x3  }
0x2aa: {  	[tilespmem:v2+s18+$0x0] =	vst.idx.msk $0xffff, v1  }
0x2ab: {  	v2 =	vor.u32 v8, v0;
	v1 =	vld.idx.msk [tilespmem:v4+s17+$0x0], $0xffff  }
0x2ac: {  	v6 =	vld [tilespmem:$0x1FFE0];
	v4 =	vor.u32 v9, v3  }
0x2ad: {  	v7 =	vld [tilespmem:$0x1FFD0];
	_ =	sdelay $0x2  }
0x2ae: {  	[tilespmem:v2+s18+$0x0] =	vst.idx.msk $0xffff, v1  }
0x2af: {  	v2 =	vor.u32 v6, v0;
	v1 =	vld.idx.msk [tilespmem:v4+s17+$0x0], $0xffff  }
0x2b0: {  	v4 =	vor.u32 v7, v3;
	_ =	sdelay $0x3  }
0x2b1: {  	[tilespmem:v2+s18+$0x0] =	vst.idx.msk $0xffff, v1;
	v2 =	vld [tilespmem:$0x1FF80]  }
0x2b2: {  	v1 =	vld.idx.msk [tilespmem:v4+s17+$0x0], $0xffff  }
0x2b3: {  	v4 =	vld [tilespmem:$0x1FF90];
	_ =	sdelay $0x3  }
0x2b4: {  	v2 =	vor.u32 v2, v0  }
0x2b5: {  	v4 =	vor.u32 v4, v3;
	_ =	sdelay $0x3  }
0x2b6: {  	[tilespmem:v2+s18+$0x0] =	vst.idx.msk $0xffff, v1;
	v2 =	vld [tilespmem:$0x1FFA0]  }
0x2b7: {  	v1 =	vld.idx.msk [tilespmem:v4+s17+$0x0], $0xffff  }
0x2b8: {  	v4 =	vld [tilespmem:$0x1FFB0];
	_ =	sdelay $0x3  }
0x2b9: {  	v2 =	vor.u32 v2, v0  }
0x2ba: {  	v3 =	vor.u32 v4, v3;
	_ =	sdelay $0x3  }
0x2bb: {  	[tilespmem:v2+s18+$0x0] =	vst.idx.msk $0xffff, v1  }
0x2bc: {  	v0 =	vor.u32 v5, v0;
	v1 =	vld.idx.msk [tilespmem:v3+s17+$0x0], $0xffff;
	_ =	sdelay $0x3  }
0x2bd: {  	v2 =	vmov v8;
	v3 =	vmov v6  }
0x2be: {  	[tilespmem:v0+s18+$0x0] =	vst.idx.msk $0xffff, v1;
	v1 =	vlaneseq.u32;
	v0 =	vmovc v13;
	v13 =	vmovc v14;
	v14 =	vmov v17;
	v17 =	vmov v20  }
0x2bf: {  	v20 =	vmovc v23;
	v23 =	vmovc v26;
	v26 =	vmov v29;
	v29 =	vmov v32;
	v32 =	vmov v35  }
0x2c0: {  	v35 =	vmovc v38;
	v38 =	vmovc v41;
	v41 =	vmov v44;
	v44 =	vmov v47;
	v47 =	vmov v50  }
0x2c1: {  	v50 =	vmovc v53;
	v53 =	vmovc v56;
	v56 =	vmov v59;
	v59 =	vmov v62;
	v62 =	vmov v0  }
0x2c2: {  	v0 =	vmovc v10;
	v10 =	vmovc v15;
	v15 =	vmov v18;
	v18 =	vmov v21;
	v21 =	vmov v24  }
0x2c3: {  	v24 =	vmovc v27;
	v27 =	vmovc v30;
	v30 =	vmov v33;
	v33 =	vmov v36;
	v36 =	vmov v39  }
0x2c4: {  	v39 =	vmovc v42;
	v42 =	vmovc v45;
	v45 =	vmov v48;
	v48 =	vmov v51;
	v51 =	vmov v54  }
.Ltmp7:
0x2c5: {  	v54 =	vmovc v57;
	v57 =	vmovc v60;
	v60 =	vmov v63;
	v63 =	vmov v0;
	v0 =	vmov v11;
	(pc) =	sbr.rel .LBB2_8-.Ltmp7, $4  }
0x2c6: {  	s23 =	sshll.u32 s23, $0xB;
	v11 =	vmovc v16;
	v16 =	vmovc v19;
	v19 =	vmov v22;
	v22 =	vmov v25;
	v25 =	vmov v28  }
0x2c7: {  	s23 =	sand.u32 $0x1FFFF800, s23;
	v28 =	vmovc v31;
	v31 =	vmovc v34;
	v34 =	vmov v37;
	v37 =	vmov v40;
	v40 =	vmov v43  }
0x2c8: {  	s23 =	sadd.s32 s5, s23;
	v43 =	vmovc v46;
	v46 =	vmovc v49;
	v49 =	vmov v52;
	v52 =	vmov v55;
	v55 =	vmov v58  }
0x2c9: {  	[hbm4b:s23+s3] =	stream.linear.scatter [tilespmem:s18], [sflag:$0x4], $0x4000, $0x38;
	v58 =	vmovc v61;
	v61 =	vmovc v12;
	v12 =	vmov v9;
	v9 =	vmov v2;
	v8 =	vmov v0;
	[tilespmem:$0x10800] =	vst v63  }
.LBB2_10:
0x2ca: {  	_ =	sfence.sel $0x180000  }
0x2cb: {  	[bflag:$0x0] =	sbarrier.arrive $0xFFFF  }
0x2cc: {  	p0 =	sne.s32 s4, $0x0;
	_ =	strace $0x90000047  }
0x2cd: {  	s0 =	sadd.s32 @!p0 $0x100000, s2;
	[bflag:$0x2] =	sbarrier.arrive $0xFFFF  }
0x2ce: {  	[sflag:s0] =	ssyncadd.tile.s32 @!p0 $0x1;
	_ =	shalt  }
.Lfunc_end2:
_tile_overlayer_lowered:
.L_overlay_start_2:
0x2cf: {  	(tag) =	ssettag $0x2  }
0x2d0: {  	s0 =	rddreg [dreg:$0x0];
	s2 =	stileid.u32  }
0x2d1: {  	s1 =	rddreg [dreg:$0x1];
	p0 =	sne.s32 s2, $0x0  }
0x2d2: {  	s3 =	rddreg [dreg:$0x2];
	[bflag:$0x3] =	sbarrier.arrive $0xFFFF;
	s2 =	simm.s32 @!p0 $0x1C05  }
0x2d3: {  	[timem:s3], [sflag:s2] =	dma.local @!p0 [hbm:s0], s1  }
0x2d4: {  	s0 =	simm.s32 @!p0 $0x5  }
0x2d5: {  	_ =	swait.ge @!p0 [sflag:s0], s1  }
0x2d6: {  	s1 =	ssub.s32 @!p0 $0x0, s1;
	[sflag:s0] =	ssyncset.done @!p0 $0x0  }
0x2d7: {  	[sflag:s0] =	ssyncadd.s32 @!p0 s1  }
0x2d8: {  	[bflag:$0x3] =	sbarrier.arrive $0xFFFF  }
0x2d9: {  	_ =	shalt  }

// kernel: kernel.8.cloned.1.call-start
scs
__scs_entry_jumppad:
0x0: {  	(pc) =	sbr.rel $0x88, $3  }
0x1: {  	(tag) =	ssettag $0x0;
	lr =	simm.s32 $0x1  }
0x2: {  	[smem:$0x3F93] =	sst lr;
	_ =	strace $0xD0000000  }
0x3: {  	_ = 	snop  }
0x4: {  	_ = 	snop  }
0x5: {  	_ = 	snop  }
0x6: {  	_ = 	snop  }
0x7: {  	_ = 	snop  }
__scs_overlays_trampoline_lowered:
0x8: {  	[smem:$0x3FA2] =	sst s0  }
0x9: {  	[smem:$0x3FA3] =	sst s1  }
0xa: {  	[smem:$0x3FA4] =	sst s2  }
0xb: {  	[smem:$0x3FA5] =	sst s3  }
0xc: {  	[smem:$0x3FA6] =	sst s4  }
0xd: {  	[smem:$0x3FA7] =	sst s5  }
0xe: {  	[smem:$0x3FA8] =	sst s6  }
0xf: {  	[smem:$0x3FA9] =	sst s7  }
0x10: {  	[smem:$0x3FAA] =	sst s8  }
0x11: {  	[smem:$0x3FAB] =	sst s9;
	s0 =	simm.s32 @!p0 $0x0  }
0x12: {  	s1 =	sld [smem:$0x3F91];
	s0 =	simm.s32 @p0 $0x1  }
0x13: {  	[smem:$0x3FAC] =	sst s0;
	s0 =	simm.s32 @!p1 $0x0  }
0x14: {  	s2 =	sld [smem:$0x3F90];
	s0 =	simm.s32 @p1 $0x1  }
0x15: {  	[smem:$0x3FAD] =	sst s0;
	s0 =	simm.s32 @!p2 $0x0  }
0x16: {  	s3 =	sld [smem:$0x3FDB];
	s0 =	simm.s32 @p2 $0x1  }
0x17: {  	s4 =	simm.s32 $0x1BF5;
	[smem:$0x3FAF] =	sst s0  }
0x18: {  	s0 =	sld [smem:$0x3F92];
	_ =	swait.ge [sflag:s4], $0x0  }
0x19: {  	s7 =	sld [smem:$0x3F93]  }
0x1a: {  	s8 =	sadd.s32 $0xFFFFE003, lr  }
0x1b: {  	s9 =	sadd.s32 $0xFFFFFEF7, lr;
	s5 =	simm.s32 $0xFFFFFFFF;
	p2 =	slt.u32 s8, $0xFFFFF086  }
0x1c: {  	p1 =	slt.u32 s9, $0xF7A;
	s5 =	simm.s32 @!p2 $0x0  }
0x1d: {  	s5 =	simm.s32 @p1 $0x1;
	p0 =	seq.s32 s7, s2  }
0x1e: {  	s7 =	smul.u32 @!p0 $0xF7A, s2;
	p2 =	seq.s32 @!p0 s5, $0x0  }
0x1f: {  	s9 =	smul.u32 $0xF7A, s1;
	s8 =	simm.s32 @!p0 $0x1BF5;
	p2 =	por !p2, p0  }
0x20: {  	[sflag:s8] =	ssyncset.s32 @!p0 $0xFFFFF086;
	s6 =	sadd.s32 @!p0 s3, s7;
	s7 =	simm.s32 @!p0 $0x108  }
0x21: {  	s3 =	sadd.s32 s3, s9;
	s6 =	sadd.s32 @!p0 $0x88, s6;
	s7 =	simm.s32 @p2 $0x1082  }
0x22: {  	[simem:s7], [sflag:s8] =	dma.local @!p0 [hbm:s6], $0xF7A  }
0x23: {  	s9 =	sor.u32 $0xD0000000, s2;
	s6 =	simm.s32 $0x108;
	_ =	swait.ge @!p0 [sflag:s8], $0x0  }
0x24: {  	s3 =	sadd.s32 $0x88, s3;
	s6 =	simm.s32 @!p1 $0x1082;
	[sflag:s4] =	ssyncset.s32 $0xFFFFF086  }
0x25: {  	[simem:s6], [sflag:s4] =	dma.local [hbm:s3], $0xF7A  }
0x26: {  	[smem:$0x3F93] =	sst s1;
	(tag) =	ssettag s2;
	_ =	strace s9  }
0x27: {  	s1 =	sld [smem:$0x3FA3]  }
0x28: {  	s2 =	sld [smem:$0x3FA4]  }
0x29: {  	s4 =	sld [smem:$0x3FA6]  }
0x2a: {  	p0 =	seq.s32 s5, $0x0;
	s5 =	sld [smem:$0x3FA7]  }
0x2b: {  	s6 =	sld [smem:$0x3FA8]  }
0x2c: {  	s7 =	sld [smem:$0x3FA9]  }
0x2d: {  	s3 =	simm.s32 $0x108;
	s8 =	sld [smem:$0x3FAA]  }
0x2e: {  	s3 =	simm.s32 @!p0 $0x1082;
	s9 =	sld [smem:$0x3FAB]  }
0x2f: {  	lr =	sadd.s32 s0, s3;
	s0 =	sld [smem:$0x3FA2]  }
0x30: {  	s3 =	sld [smem:$0x3FA5]  }
0x31: {  	[smem:$0x3FAE] =	sst s10  }
0x32: {  	s10 =	sld [smem:$0x3FAC];
	_ =	sdelay $0x3  }
0x33: {  	p0 =	seq.s32 s10, $0x1;
	s10 =	sld [smem:$0x3FAE];
	_ =	sdelay $0x3  }
0x34: {  	[smem:$0x3FAE] =	sst s10  }
0x35: {  	s10 =	sld [smem:$0x3FAD];
	_ =	sdelay $0x3  }
0x36: {  	p1 =	seq.s32 s10, $0x1;
	s10 =	sld [smem:$0x3FAE];
	_ =	sdelay $0x3  }
0x37: {  	[smem:$0x3FAE] =	sst s10  }
0x38: {  	s10 =	sld [smem:$0x3FAF]  }
0x39: {  	_ = 	snop;
	(pc) =	sbr.ind lr, $3  }
0x3a: {  	_ = 	snop  }
0x3b: {  	_ = 	snop  }
0x3c: {  	p2 =	seq.s32 s10, $0x1;
	s10 =	sld [smem:$0x3FAE]  }
0x3d: {  	_ =	shalt  }
0x3e: {  	_ =	shalt  }
0x3f: {  	_ =	shalt  }
0x40: {  	_ =	shalt  }
0x41: {  	_ =	shalt  }
0x42: {  	_ =	shalt  }
0x43: {  	_ =	shalt  }
0x44: {  	_ =	shalt  }
0x45: {  	_ =	shalt  }
0x46: {  	_ =	shalt  }
0x47: {  	_ =	shalt  }
0x48: {  	_ =	shalt  }
0x49: {  	_ =	shalt  }
0x4a: {  	_ =	shalt  }
0x4b: {  	_ =	shalt  }
0x4c: {  	_ =	shalt  }
0x4d: {  	_ =	shalt  }
0x4e: {  	_ =	shalt  }
0x4f: {  	_ =	shalt  }
0x50: {  	_ =	shalt  }
0x51: {  	_ =	shalt  }
0x52: {  	_ =	shalt  }
0x53: {  	_ =	shalt  }
0x54: {  	_ =	shalt  }
0x55: {  	_ =	shalt  }
0x56: {  	_ =	shalt  }
0x57: {  	_ =	shalt  }
0x58: {  	_ =	shalt  }
0x59: {  	_ =	shalt  }
0x5a: {  	_ =	shalt  }
0x5b: {  	_ =	shalt  }
0x5c: {  	_ =	shalt  }
0x5d: {  	_ =	shalt  }
0x5e: {  	_ =	shalt  }
0x5f: {  	_ =	shalt  }
0x60: {  	_ =	shalt  }
0x61: {  	_ =	shalt  }
0x62: {  	_ =	shalt  }
0x63: {  	_ =	shalt  }
0x64: {  	_ =	shalt  }
0x65: {  	_ =	shalt  }
0x66: {  	_ =	shalt  }
0x67: {  	_ =	shalt  }
0x68: {  	_ =	shalt  }
0x69: {  	_ =	shalt  }
0x6a: {  	_ =	shalt  }
0x6b: {  	_ =	shalt  }
0x6c: {  	_ =	shalt  }
0x6d: {  	_ =	shalt  }
0x6e: {  	_ =	shalt  }
0x6f: {  	_ =	shalt  }
0x70: {  	_ =	shalt  }
0x71: {  	_ =	shalt  }
0x72: {  	_ =	shalt  }
0x73: {  	_ =	shalt  }
0x74: {  	_ =	shalt  }
0x75: {  	_ =	shalt  }
0x76: {  	_ =	shalt  }
0x77: {  	_ =	shalt  }
0x78: {  	_ =	shalt  }
0x79: {  	_ =	shalt  }
0x7a: {  	_ =	shalt  }
0x7b: {  	_ =	shalt  }
0x7c: {  	_ =	shalt  }
0x7d: {  	_ =	shalt  }
0x7e: {  	_ =	shalt  }
0x7f: {  	_ =	shalt  }
0x80: {  	_ =	shalt  }
0x81: {  	_ =	shalt  }
0x82: {  	_ =	shalt  }
0x83: {  	_ =	shalt  }
0x84: {  	_ =	shalt  }
0x85: {  	_ =	shalt  }
0x86: {  	_ =	shalt  }
0x87: {  	_ =	shalt  }
.Lfunc_end0:
.L_simem_size_0:
called_computation.1_lowered:
.L_overlay_start_0:
0x88: {  	s2 =	sld [smem:$0x3FD9]  }
0x89: {  	s3 =	sld [smem:$0x3FFE];
	_ =	sdelay $0x1  }
0x8a: {  	s1 =	srdreg.scid  }
0x8b: {  	s0 =	sand.u32 $0x1, s1  }
0x8c: {  	s16 =	sshll.u32 s0, $0xA;
	s2 =	sadd.s32 s3, s2  }
0x8d: {  	s2 =	sadd.s32 s2, s16  }
0x8e: {  	[smem:$0x3FBA] =	sst s2  }
0x8f: {  	_ = 	snop  }
0x90: {  	(tm) =	ssettm $0x1  }
0x91: {  	s17 =	sld [smem:$0x3FFB];
	_ =	sdelay $0x3  }
0x92: {  	_ =	strace s17  }
0x93: {  	s2 =	sld [smem:$0x3FFC];
	_ =	sdelay $0x3  }
0x94: {  	_ =	strace s2  }
0x95: {  	s2 =	sld [smem:$0x3FFD];
	_ =	sdelay $0x3  }
0x96: {  	_ =	strace s2  }
0x97: {  	_ =	strace $0x8FFFFFFF  }
0x98: {  	s18 =	sld [smem:$0x3FDB];
	_ =	sdelay $0x1  }
0x99: {  	s19 =	simm.s32 $_scs_section_size  }
0x9a: {  	s4 =	simm.s32 $_size__tile_overlayer_lowered;
	s5 =	simm.s32 $_tile_overlayer_lowered  }
0x9b: {  	s22 =	simm.s32 $0x1BFF;
	s21 =	sshll.u32 s5, $0x1;
	s2 =	sadd.s32 s19, s18  }
0x9c: {  	s6 =	simm.s32 $0x0;
	s20 =	sshll.u32 s4, $0x1;
	s4 =	sadd.s32 s21, s2  }
0x9d: {  	[timem:s6], [sflag:s22] =	dma.local [hbm:s4], s20  }
0x9e: {  	_ =	swait.ge [sflag:s22], s20  }
0x9f: {  	s3 =	ssub.s32 $0x0, s20;
	[sflag:s22] =	ssyncset.done $0x0  }
0xa0: {  	[sflag:s22] =	ssyncadd.s32 s3;
	_ =	sdelay $0x1  }
0xa1: {  	s23 =	simm.s32 $0x1B8B  }
0xa2: {  	_ =	swait.ge [sflag:s23], $0x1  }
0xa3: {  	[sflag:s23] =	ssyncset.done $0x0  }
0xa4: {  	s25 =	simm.s32 $0x1B8E;
	s24 =	sld [smem:$0x3FFE];
	[sflag:s23] =	ssyncadd.s32 $0xFFFFFFFF  }
0xa5: {  	s26 =	simm.s32 $execute0_lowered;
	[smem:$0x3FD2] =	sst s25  }
0xa6: {  	s4 =	sshll.u32 s26, $0x1;
	_ =	strace $0x80000049;
	[dreg:$0x1] =	wrdreg $0xFFFFFFFF  }
0xa7: {  	s28 =	simm.s32 $_size_execute0_lowered;
	s2 =	sadd.s32 s2, s4;
	[dreg:$0x0] =	wrdreg $0x0  }
0xa8: {  	s4 =	sshll.u32 s28, $0x1;
	[dreg:$0x2] =	wrdreg s2  }
0xa9: {  	[dreg:$0x3] =	wrdreg s4  }
0xaa: {  	[dreg:$0x4] =	wrdreg $0xC0  }
0xab: {  	_ =	task [dreg:s6], $0x5FFFF  }
0xac: {  	[dreg:$0x1] =	wrdreg $0xFFFFFFFF  }
0xad: {  	[dreg:$0x0] =	wrdreg $0x60  }
0xae: {  	[dreg:$0x2] =	wrdreg s24  }
0xaf: {  	[dreg:$0x3] =	wrdreg $0x9  }
0xb0: {  	_ =	task.clear_ibuf [dreg:s6], $0x4FFFF;
	_ =	strace $0x90000049  }
0xb1: {  	s29 =	simm.s32 $0x9;
	_ =	strace $0x8000004B  }
0xb2: {  	_ =	swait.ge [sflag:s29], $0x1  }
0xb3: {  	[sflag:s29] =	ssyncadd.s32 $0xFFFFFFFF  }
0xb4: {  	_ =	strace $0x9000004B  }
0xb5: {  	_ =	sfence  }
0xb6: {  	s30 =	sld [smem:$0x0];
	_ =	sdelay $0x2  }
0xb7: {  	s31 =	sshll.u32 s1, $0xD;
	s1 =	sshrl.u32 s1, $0x2  }
0xb8: {  	s3 =	sand.u32 $0x4000, s31;
	s1 =	sadd.s32 s1, s30  }
0xb9: {  	s0 =	sor.u32 s3, s0;
	s1 =	sshll.u32 s1, $0x11  }
0xba: {  	s0 =	sor.u32 s1, s0  }
0xbb: {  	s0 =	sadd.s32 $0x8F2B, s0  }
0xbc: {  	[sflag:s0] =	ssyncadd.remote.s32 $0x1  }
0xbd: {  	_ =	sfence.sel $0xFFFF  }
0xbe: {  	[dreg:$0x0] =	wrdreg $0xFFFFFFFF;
	(pc) =	sbr.abs _section_cstart, $3  }
0xbf: {  	[dreg:$0x1] =	wrdreg $0xFFFFFFFF  }
0xc0: {  	_ =	task.clear_ibuf [dreg:s6], $0x2FFFF;
	_ =	strace $0x9FFFFFFF  }
0xc1: {  	(tm) =	ssettm $0x7FFFFFFF  }
tec
execute0_lowered:
.L_overlay_start_1:
0x0: {  	(tag) =	ssettag $0x1  }
0x1: {  	s1 =	srdreg.scid;
	s0 =	stileid.u32  }
0x2: {  	s28 =	sand.u32 $0x1, s1;
	s31 =	sshll.u32 s0, $0x1  }
0x3: {  	s13 =	sor.u32 s28, s31  }
0x4: {  	s12 =	rddreg [dreg:$0x0];
	s3 =	smul.u32 $0x1A0, s13  }
0x5: {  	s2 =	simm.s32 $0x0;
	s1 =	rddreg [dreg:$0x1]  }
0x6: {  	[smem:$0x7FF] =	sst s2;
	s29 =	sadd.s32 s3, s12  }
0x7: {  	_ =	strace $0x8000004A;
	s3 =	simm.s32 $0x4;
	s4 =	sadd.s32 $0x3D2A00, s29  }
0x8: {  	[tilespmem:s2], [sflag:$0x4] =	stream.linear.gather [hbm4b:s4+s2], $0xD00, $0x38;
	[tilespmem:$0x8200] =	vst v63  }
0x9: {  	_ =	swait.ge [sflag:s3], $0xD00  }
0xa: {  	s6 =	simm.s32 $0xD00;
	[sflag:s3] =	ssyncset.done $0x0  }
0xb: {  	s7 =	simm.s32 $0x7500;
	s5 =	sadd.s32 $0x3D5E00, s12;
	[sflag:s3] =	ssyncadd.s32 $0xFFFFF300  }
0xc: {  	[tilespmem:s7], [sflag:$0x3] =	stream.indirect.gather [hbm4b:s5+s6], $0x1, s2, s6, $0xb8;
	[tilespmem:$0x8200] =	vst v63  }
0xd: {  	s9 =	simm.s32 $0x1A0;
	s8 =	sadd.s32 $0x2000, s12  }
0xe: {  	[tilespmem:s6], [sflag:$0x1] =	stream.indirect.gather [hbm4b:s8+s9], $0x20, s2, s9, $0xb8;
	[tilespmem:$0x8200] =	vst v63  }
0xf: {  	s10 =	simm.s32 $0x4100;
	s11 =	simm.s32 $0x1  }
0x10: {  	[tilespmem:s10], [sflag:$0x2] =	stream.indirect.gather [hbm4b:s8+s9], $0x20, s9, s9, $0xb8;
	[tilespmem:$0x8200] =	vst v63  }
0x11: {  	s14 =	smul.u32 $0x3400, s13;
	_ =	swait.ge [sflag:s11], $0x3400  }
0x12: {  	s15 =	sadd.s32 $0x3F4800, s12;
	[sflag:s11] =	ssyncset.done $0x0  }
0x13: {  	s12 =	sadd.s32 s15, s14;
	[sflag:s11] =	ssyncadd.s32 $0xFFFFCC00  }
0x14: {  	[hbm4b:s12+s2] =	stream.linear.scatter [tilespmem:s6], [sflag:$0x4], $0x3400, $0x38;
	[tilespmem:$0x8200] =	vst v63  }
0x15: {  	_ =	swait.ge [sflag:s3], $0x3400  }
0x16: {  	s16 =	smul.u32 $0x1A000, s13;
	[sflag:s3] =	ssyncset.done $0x0  }
0x17: {  	s13 =	simm.s32 $0x340;
	s14 =	simm.s32 $0x2;
	[sflag:s3] =	ssyncadd.s32 $0xFFFFCC00  }
0x18: {  	[tilespmem:s6], [sflag:$0x1] =	stream.indirect.gather [hbm4b:s8+s9], $0x20, s13, s9, $0xb8;
	[tilespmem:$0x8200] =	vst v63  }
0x19: {  	s16 =	sshrl.u32 s16, $0x3;
	_ =	swait.ge [sflag:s14], $0x3400  }
0x1a: {  	s26 =	sadd.s32 s15, s16;
	[sflag:s14] =	ssyncset.done $0x0  }
0x1b: {  	s15 =	sadd.s32 $0x680, s26;
	[sflag:s14] =	ssyncadd.s32 $0xFFFFCC00  }
0x1c: {  	[hbm4b:s15+s2] =	stream.linear.scatter [tilespmem:s10], [sflag:$0x4], $0x3400, $0x38;
	[tilespmem:$0x8200] =	vst v63  }
0x1d: {  	_ =	swait.ge [sflag:s3], $0x3400  }
0x1e: {  	[sflag:s3] =	ssyncset.done $0x0  }
0x1f: {  	s16 =	simm.s32 $0x4E0;
	[sflag:s3] =	ssyncadd.s32 $0xFFFFCC00  }
0x20: {  	[tilespmem:s10], [sflag:$0x2] =	stream.indirect.gather [hbm4b:s8+s9], $0x20, s16, s9, $0xb8;
	[tilespmem:$0x8200] =	vst v63  }
0x21: {  	_ =	swait.ge [sflag:s11], $0x3400  }
0x22: {  	[sflag:s11] =	ssyncset.done $0x0  }
0x23: {  	s17 =	sadd.s32 $0xD00, s26;
	[sflag:s11] =	ssyncadd.s32 $0xFFFFCC00  }
0x24: {  	[hbm4b:s17+s2] =	stream.linear.scatter [tilespmem:s6], [sflag:$0x4], $0x3400, $0x38;
	[tilespmem:$0x8200] =	vst v63  }
0x25: {  	_ =	swait.ge [sflag:s3], $0x3400  }
0x26: {  	[sflag:s3] =	ssyncset.done $0x0  }
0x27: {  	s18 =	simm.s32 $0x680;
	[sflag:s3] =	ssyncadd.s32 $0xFFFFCC00  }
0x28: {  	[tilespmem:s6], [sflag:$0x1] =	stream.indirect.gather [hbm4b:s8+s9], $0x20, s18, s9, $0xb8;
	[tilespmem:$0x8200] =	vst v63  }
0x29: {  	_ =	swait.ge [sflag:s14], $0x3400  }
0x2a: {  	[sflag:s14] =	ssyncset.done $0x0  }
0x2b: {  	s19 =	sadd.s32 $0x1380, s26;
	[sflag:s14] =	ssyncadd.s32 $0xFFFFCC00  }
0x2c: {  	[hbm4b:s19+s2] =	stream.linear.scatter [tilespmem:s10], [sflag:$0x4], $0x3400, $0x38;
	[tilespmem:$0x8200] =	vst v63  }
0x2d: {  	_ =	swait.ge [sflag:s3], $0x3400  }
0x2e: {  	[sflag:s3] =	ssyncset.done $0x0  }
0x2f: {  	s20 =	simm.s32 $0x820;
	[sflag:s3] =	ssyncadd.s32 $0xFFFFCC00  }
0x30: {  	[tilespmem:s10], [sflag:$0x2] =	stream.indirect.gather [hbm4b:s8+s9], $0x20, s20, s9, $0xb8;
	[tilespmem:$0x8200] =	vst v63  }
0x31: {  	_ =	swait.ge [sflag:s11], $0x3400  }
0x32: {  	[sflag:s11] =	ssyncset.done $0x0  }
0x33: {  	s21 =	sadd.s32 $0x1A00, s26;
	[sflag:s11] =	ssyncadd.s32 $0xFFFFCC00  }
0x34: {  	[hbm4b:s21+s2] =	stream.linear.scatter [tilespmem:s6], [sflag:$0x4], $0x3400, $0x38;
	[tilespmem:$0x8200] =	vst v63  }
0x35: {  	_ =	swait.ge [sflag:s3], $0x3400  }
0x36: {  	[sflag:s3] =	ssyncset.done $0x0  }
0x37: {  	s22 =	simm.s32 $0x9C0;
	[sflag:s3] =	ssyncadd.s32 $0xFFFFCC00  }
0x38: {  	[tilespmem:s6], [sflag:$0x1] =	stream.indirect.gather [hbm4b:s8+s9], $0x20, s22, s9, $0xb8;
	[tilespmem:$0x8200] =	vst v63  }
0x39: {  	_ =	swait.ge [sflag:s14], $0x3400  }
0x3a: {  	[sflag:s14] =	ssyncset.done $0x0  }
0x3b: {  	s23 =	sadd.s32 $0x2080, s26;
	[sflag:s14] =	ssyncadd.s32 $0xFFFFCC00  }
0x3c: {  	[hbm4b:s23+s2] =	stream.linear.scatter [tilespmem:s10], [sflag:$0x4], $0x3400, $0x38;
	[tilespmem:$0x8200] =	vst v63  }
0x3d: {  	_ =	swait.ge [sflag:s3], $0x3400  }
0x3e: {  	[sflag:s3] =	ssyncset.done $0x0  }
0x3f: {  	s24 =	simm.s32 $0xB60;
	[sflag:s3] =	ssyncadd.s32 $0xFFFFCC00  }
0x40: {  	[tilespmem:s10], [sflag:$0x2] =	stream.indirect.gather [hbm4b:s8+s9], $0x20, s24, s9, $0xb8;
	[tilespmem:$0x8200] =	vst v63  }
0x41: {  	_ =	swait.ge [sflag:s11], $0x3400  }
0x42: {  	[sflag:s11] =	ssyncset.done $0x0  }
0x43: {  	s25 =	sadd.s32 $0x2700, s26;
	[sflag:s11] =	ssyncadd.s32 $0xFFFFCC00  }
0x44: {  	[hbm4b:s25+s2] =	stream.linear.scatter [tilespmem:s6], [sflag:$0x4], $0x3400, $0x38;
	[tilespmem:$0x8200] =	vst v63  }
0x45: {  	_ =	swait.ge [sflag:s3], $0x3400  }
0x46: {  	[sflag:s3] =	ssyncset.done $0x0  }
0x47: {  	[sflag:s3] =	ssyncadd.s32 $0xFFFFCC00  }
0x48: {  	_ =	swait.ge [sflag:s14], $0x3400  }
0x49: {  	[sflag:s14] =	ssyncset.done $0x0  }
0x4a: {  	s30 =	ssub.s32 $0x2, s28;
	s26 =	sadd.s32 $0x2D80, s26;
	[sflag:s14] =	ssyncadd.s32 $0xFFFFCC00  }
0x4b: {  	[hbm4b:s26+s2] =	stream.linear.scatter [tilespmem:s10], [sflag:$0x4], $0x3400, $0x38;
	[tilespmem:$0x8200] =	vst v63  }
0x4c: {  	s31 =	sshrl.u32 s30, $0x1;
	_ =	swait.ge [sflag:s3], $0x3400  }
0x4d: {  	s30 =	ssub.s32 s30, s31;
	[sflag:s3] =	ssyncset.done $0x0  }
0x4e: {  	s28 =	simm.s32 $0x3;
	s30 =	smax.u32 s30, $0x1;
	[sflag:s3] =	ssyncadd.s32 $0xFFFFCC00  }
0x4f: {  	p0 =	sne.s32 s30, $0x1;
	_ =	swait.ge [sflag:s28], $0xD00  }
.Ltmp0:
0x50: {  	[sflag:s28] =	ssyncset.done $0x0;
	(pc) =	sbr.rel @!p0 .LBB2_2-.Ltmp0, $4  }
0x51: {  	s29 =	sadd.s32 $0x45C800, s29;
	[sflag:s28] =	ssyncadd.s32 $0xFFFFF300  }
0x52: {  	[hbm4b:s29+s2] =	stream.linear.scatter [tilespmem:s7], [sflag:$0x4], $0xD00, $0x38;
	[tilespmem:$0x8200] =	vst v63  }
0x53: {  	_ =	swait.ge [sflag:s3], $0xD00  }
0x54: {  	s30 =	sadd.s32 $0xFFFFFFFF, s30;
	[sflag:s3] =	ssyncset.done $0x0  }
.LBB2_1:
0x55: {  	p0 =	sne.s32 s30, $0x1;
	s30 =	sadd.s32 $0xFFFFFFFF, s30;
	[sflag:s3] =	ssyncadd.s32 $0xFFFFF300  }
0x56: {  	[tilespmem:s2], [sflag:$0x4] =	stream.linear.gather [hbm4b:s4+s2], $0xD00, $0x38;
	[tilespmem:$0x8200] =	vst v63  }
0x57: {  	_ =	swait.ge [sflag:s3], $0xD00  }
0x58: {  	[sflag:s3] =	ssyncset.done $0x0  }
0x59: {  	[sflag:s3] =	ssyncadd.s32 $0xFFFFF300  }
0x5a: {  	[tilespmem:s7], [sflag:$0x3] =	stream.indirect.gather [hbm4b:s5+s6], $0x1, s2, s6, $0xb8;
	[tilespmem:$0x8200] =	vst v63  }
0x5b: {  	_ = 	snop  }
0x5c: {  	[tilespmem:s6], [sflag:$0x1] =	stream.indirect.gather [hbm4b:s8+s9], $0x20, s2, s9, $0xb8;
	[tilespmem:$0x8200] =	vst v63  }
0x5d: {  	_ = 	snop  }
0x5e: {  	[tilespmem:s10], [sflag:$0x2] =	stream.indirect.gather [hbm4b:s8+s9], $0x20, s9, s9, $0xb8;
	[tilespmem:$0x8200] =	vst v63  }
0x5f: {  	_ =	swait.ge [sflag:s11], $0x3400  }
0x60: {  	[sflag:s11] =	ssyncset.done $0x0  }
0x61: {  	[sflag:s11] =	ssyncadd.s32 $0xFFFFCC00  }
0x62: {  	[hbm4b:s12+s2] =	stream.linear.scatter [tilespmem:s6], [sflag:$0x4], $0x3400, $0x38;
	[tilespmem:$0x8200] =	vst v63  }
0x63: {  	_ =	swait.ge [sflag:s3], $0x3400  }
0x64: {  	[sflag:s3] =	ssyncset.done $0x0  }
0x65: {  	[sflag:s3] =	ssyncadd.s32 $0xFFFFCC00  }
0x66: {  	[tilespmem:s6], [sflag:$0x1] =	stream.indirect.gather [hbm4b:s8+s9], $0x20, s13, s9, $0xb8;
	[tilespmem:$0x8200] =	vst v63  }
0x67: {  	_ =	swait.ge [sflag:s14], $0x3400  }
0x68: {  	[sflag:s14] =	ssyncset.done $0x0  }
0x69: {  	[sflag:s14] =	ssyncadd.s32 $0xFFFFCC00  }
0x6a: {  	[hbm4b:s15+s2] =	stream.linear.scatter [tilespmem:s10], [sflag:$0x4], $0x3400, $0x38;
	[tilespmem:$0x8200] =	vst v63  }
0x6b: {  	_ =	swait.ge [sflag:s3], $0x3400  }
0x6c: {  	[sflag:s3] =	ssyncset.done $0x0  }
0x6d: {  	[sflag:s3] =	ssyncadd.s32 $0xFFFFCC00  }
0x6e: {  	[tilespmem:s10], [sflag:$0x2] =	stream.indirect.gather [hbm4b:s8+s9], $0x20, s16, s9, $0xb8;
	[tilespmem:$0x8200] =	vst v63  }
0x6f: {  	_ =	swait.ge [sflag:s11], $0x3400  }
0x70: {  	[sflag:s11] =	ssyncset.done $0x0  }
0x71: {  	[sflag:s11] =	ssyncadd.s32 $0xFFFFCC00  }
0x72: {  	[hbm4b:s17+s2] =	stream.linear.scatter [tilespmem:s6], [sflag:$0x4], $0x3400, $0x38;
	[tilespmem:$0x8200] =	vst v63  }
0x73: {  	_ =	swait.ge [sflag:s3], $0x3400  }
0x74: {  	[sflag:s3] =	ssyncset.done $0x0  }
0x75: {  	[sflag:s3] =	ssyncadd.s32 $0xFFFFCC00  }
0x76: {  	[tilespmem:s6], [sflag:$0x1] =	stream.indirect.gather [hbm4b:s8+s9], $0x20, s18, s9, $0xb8;
	[tilespmem:$0x8200] =	vst v63  }
0x77: {  	_ =	swait.ge [sflag:s14], $0x3400  }
0x78: {  	[sflag:s14] =	ssyncset.done $0x0  }
0x79: {  	[sflag:s14] =	ssyncadd.s32 $0xFFFFCC00  }
0x7a: {  	[hbm4b:s19+s2] =	stream.linear.scatter [tilespmem:s10], [sflag:$0x4], $0x3400, $0x38;
	[tilespmem:$0x8200] =	vst v63  }
0x7b: {  	_ =	swait.ge [sflag:s3], $0x3400  }
0x7c: {  	[sflag:s3] =	ssyncset.done $0x0  }
0x7d: {  	[sflag:s3] =	ssyncadd.s32 $0xFFFFCC00  }
0x7e: {  	[tilespmem:s10], [sflag:$0x2] =	stream.indirect.gather [hbm4b:s8+s9], $0x20, s20, s9, $0xb8;
	[tilespmem:$0x8200] =	vst v63  }
0x7f: {  	_ =	swait.ge [sflag:s11], $0x3400  }
0x80: {  	[sflag:s11] =	ssyncset.done $0x0  }
0x81: {  	[sflag:s11] =	ssyncadd.s32 $0xFFFFCC00  }
0x82: {  	[hbm4b:s21+s2] =	stream.linear.scatter [tilespmem:s6], [sflag:$0x4], $0x3400, $0x38;
	[tilespmem:$0x8200] =	vst v63  }
0x83: {  	_ =	swait.ge [sflag:s3], $0x3400  }
0x84: {  	[sflag:s3] =	ssyncset.done $0x0  }
0x85: {  	[sflag:s3] =	ssyncadd.s32 $0xFFFFCC00  }
0x86: {  	[tilespmem:s6], [sflag:$0x1] =	stream.indirect.gather [hbm4b:s8+s9], $0x20, s22, s9, $0xb8;
	[tilespmem:$0x8200] =	vst v63  }
0x87: {  	_ =	swait.ge [sflag:s14], $0x3400  }
0x88: {  	[sflag:s14] =	ssyncset.done $0x0  }
0x89: {  	[sflag:s14] =	ssyncadd.s32 $0xFFFFCC00  }
0x8a: {  	[hbm4b:s23+s2] =	stream.linear.scatter [tilespmem:s10], [sflag:$0x4], $0x3400, $0x38;
	[tilespmem:$0x8200] =	vst v63  }
0x8b: {  	_ =	swait.ge [sflag:s3], $0x3400  }
0x8c: {  	[sflag:s3] =	ssyncset.done $0x0  }
0x8d: {  	[sflag:s3] =	ssyncadd.s32 $0xFFFFCC00  }
0x8e: {  	[tilespmem:s10], [sflag:$0x2] =	stream.indirect.gather [hbm4b:s8+s9], $0x20, s24, s9, $0xb8;
	[tilespmem:$0x8200] =	vst v63  }
0x8f: {  	_ =	swait.ge [sflag:s11], $0x3400  }
0x90: {  	[sflag:s11] =	ssyncset.done $0x0  }
0x91: {  	[sflag:s11] =	ssyncadd.s32 $0xFFFFCC00  }
0x92: {  	[hbm4b:s25+s2] =	stream.linear.scatter [tilespmem:s6], [sflag:$0x4], $0x3400, $0x38;
	[tilespmem:$0x8200] =	vst v63  }
0x93: {  	_ =	swait.ge [sflag:s3], $0x3400  }
0x94: {  	[sflag:s3] =	ssyncset.done $0x0  }
0x95: {  	[sflag:s3] =	ssyncadd.s32 $0xFFFFCC00  }
0x96: {  	_ =	swait.ge [sflag:s14], $0x3400  }
0x97: {  	[sflag:s14] =	ssyncset.done $0x0  }
0x98: {  	[sflag:s14] =	ssyncadd.s32 $0xFFFFCC00  }
0x99: {  	[hbm4b:s26+s2] =	stream.linear.scatter [tilespmem:s10], [sflag:$0x4], $0x3400, $0x38;
	[tilespmem:$0x8200] =	vst v63  }
0x9a: {  	_ =	swait.ge [sflag:s3], $0x3400  }
0x9b: {  	[sflag:s3] =	ssyncset.done $0x0  }
0x9c: {  	[sflag:s3] =	ssyncadd.s32 $0xFFFFCC00  }
0x9d: {  	_ =	swait.ge [sflag:s28], $0xD00  }
.Ltmp1:
0x9e: {  	[sflag:s28] =	ssyncset.done $0x0;
	(pc) =	sbr.rel @p0 .LBB2_1-.Ltmp1, $4  }
0x9f: {  	[sflag:s28] =	ssyncadd.s32 $0xFFFFF300  }
0xa0: {  	[hbm4b:s29+s2] =	stream.linear.scatter [tilespmem:s7], [sflag:$0x4], $0xD00, $0x38;
	[tilespmem:$0x8200] =	vst v63  }
0xa1: {  	_ =	swait.ge [sflag:s3], $0xD00  }
0xa2: {  	[sflag:s3] =	ssyncset.done $0x0  }
.LBB2_2:
0xa3: {  	[sflag:s3] =	ssyncadd.s32 $0xFFFFF300  }
0xa4: {  	_ =	sfence.sel $0x180000  }
0xa5: {  	[bflag:$0x0] =	sbarrier.arrive $0xFFFF  }
0xa6: {  	p0 =	sne.s32 s0, $0x0;
	_ =	strace $0x9000004A  }
0xa7: {  	s0 =	sadd.s32 @!p0 $0x100000, s1;
	[bflag:$0x2] =	sbarrier.arrive $0xFFFF  }
0xa8: {  	[sflag:s0] =	ssyncadd.tile.s32 @!p0 $0x1;
	_ =	shalt  }
.Lfunc_end2:
_tile_overlayer_lowered:
.L_overlay_start_2:
0xa9: {  	(tag) =	ssettag $0x2  }
0xaa: {  	s0 =	rddreg [dreg:$0x0];
	s2 =	stileid.u32  }
0xab: {  	s1 =	rddreg [dreg:$0x1];
	p0 =	sne.s32 s2, $0x0  }
0xac: {  	s3 =	rddreg [dreg:$0x2];
	[bflag:$0x3] =	sbarrier.arrive $0xFFFF;
	s2 =	simm.s32 @!p0 $0x1C04  }
0xad: {  	[timem:s3], [sflag:s2] =	dma.local @!p0 [hbm:s0], s1  }
0xae: {  	s0 =	simm.s32 @!p0 $0x4  }
0xaf: {  	_ =	swait.ge @!p0 [sflag:s0], s1  }
0xb0: {  	s1 =	ssub.s32 @!p0 $0x0, s1;
	[sflag:s0] =	ssyncset.done @!p0 $0x0  }
0xb1: {  	[sflag:s0] =	ssyncadd.s32 @!p0 s1  }
0xb2: {  	[bflag:$0x3] =	sbarrier.arrive $0xFFFF  }
0xb3: {  	_ =	shalt  }

</sc_bundles>
